<compile_context>
chip_gen: v7x
topology: tpu7x:2x2x1
jax: 0.10.2.dev20260603
libtpu: 0.0.44.dev20260713+nightly
codegen_flags: <defaults>
</compile_context>

<pallas_src>
import functools

import jax
import jax.numpy as jnp
from jax import lax
from jax.experimental import pallas as pl
from jax.experimental.pallas import tpu as pltpu
from jax.experimental.pallas import tpu_sc as plsc

DIM = 32
LANES = 16
NUM_WORKERS = 32


def _mf_body(users_hbm, items_hbm, ut_hbm, it_hbm,
             ratings_hbm, inter_hbm,
             uidx_v, iidx_v, ubuf, ibuf, inter_v, ratings_v,
             usem, isem):
    b_per_w = uidx_v.shape[0]
    n_groups = b_per_w // LANES
    wid = lax.axis_index("s") * 2 + lax.axis_index("c")
    base = wid * b_per_w

    pltpu.sync_copy(users_hbm.at[pl.ds(base, b_per_w)], uidx_v)
    pltpu.sync_copy(items_hbm.at[pl.ds(base, b_per_w)], iidx_v)

    lane_iota = lax.iota(jnp.int32, LANES)
    bitrev = (((lane_iota & 1) << 3) | ((lane_iota & 2) << 1)
              | ((lane_iota & 4) >> 1) | ((lane_iota & 8) >> 3))

    def _perm(x, idx):
        return x.at[idx].get(mode="promise_in_bounds")

    def group_body(g, carry):
        row0 = g * LANES
        uvec = uidx_v[pl.ds(row0, LANES)]
        ivec = iidx_v[pl.ds(row0, LANES)]
        cps = []
        for t in range(LANES):
            cps.append(pltpu.async_copy(
                ut_hbm.at[pl.ds(uvec[t], 1)], ubuf.at[t], usem))
            cps.append(pltpu.async_copy(
                it_hbm.at[pl.ds(ivec[t], 1)], ibuf.at[t], isem))
        for cp in cps:
            cp.wait()
        vecs = []
        for t in range(LANES):
            r = row0 + t
            u0 = ubuf[t, 0, pl.ds(0, LANES)]
            u1 = ubuf[t, 0, pl.ds(LANES, LANES)]
            v0 = ibuf[t, 0, pl.ds(0, LANES)]
            v1 = ibuf[t, 0, pl.ds(LANES, LANES)]
            p0 = u0 * v0
            p1 = u1 * v1
            inter_v[pl.ds(r * DIM, LANES)] = p0
            inter_v[pl.ds(r * DIM + LANES, LANES)] = p1
            vecs.append(p0 + p1)
        d = 8
        while len(vecs) > 1:
            sel = (lane_iota & d) == 0
            nxt = []
            for i in range(0, len(vecs), 2):
                x, y = vecs[i], vecs[i + 1]
                xs = _perm(x, lane_iota ^ d)
                ys = _perm(y, lane_iota ^ d)
                nxt.append(jnp.where(sel, x + xs, y + ys))
            vecs = nxt
            d //= 2
        acc = _perm(vecs[0], bitrev)
        ratings_v[pl.ds(row0, LANES)] = 1.0 / (1.0 + jnp.exp(-acc))
        return carry

    lax.fori_loop(0, n_groups, group_body, 0)

    pltpu.sync_copy(inter_v, inter_hbm.at[pl.ds(base * DIM, b_per_w * DIM)])
    pltpu.sync_copy(ratings_v, ratings_hbm.at[pl.ds(base, b_per_w)])


def kernel(users, items, user_table, item_table):
    B = users.shape[0]
    b_per_w = B // NUM_WORKERS
    mesh = plsc.VectorSubcoreMesh(core_axis_name="c", subcore_axis_name="s")
    f = functools.partial(
        pl.kernel,
        mesh=mesh,
        compiler_params=pltpu.CompilerParams(use_tc_tiling_on_sc=True),
        out_type=(jax.ShapeDtypeStruct((B,), jnp.float32),
                  jax.ShapeDtypeStruct((B * DIM,), jnp.float32)),
        scratch_types=[
            pltpu.VMEM((b_per_w,), jnp.int32),
            pltpu.VMEM((b_per_w,), jnp.int32),
            pltpu.VMEM((LANES, 1, DIM), jnp.float32),
            pltpu.VMEM((LANES, 1, DIM), jnp.float32),
            pltpu.VMEM((b_per_w * DIM,), jnp.float32),
            pltpu.VMEM((b_per_w,), jnp.float32),
            pltpu.SemaphoreType.DMA,
            pltpu.SemaphoreType.DMA,
        ],
    )(_mf_body)
    ratings, inter_flat = f(users, items, user_table, item_table)
    return (ratings, inter_flat.reshape(B, DIM))

# --- scband reference (transcript-rebuilt; emitter-appended) ---
"""Pipeline reference for scband-vanilla-mf-34385508172281 (READ-ONLY COPY).

The authoritative reference and input builder live on the scoring server;
editing this copy changes nothing except your own understanding.
"""

import jax, jax.numpy as jnp
import numpy as np

N_USER = 1000000
M_ITEM = 1000000
DIM = 32
BATCH = 16384


def _xavier_normal(key, n_rows, n_cols):
    std = float(np.sqrt(2.0 / (n_rows + n_cols)))
    return jax.random.normal(key, (n_rows, n_cols), dtype=jnp.float32) * std


def setup_inputs(seed: int = 0) -> dict:
    key = jax.random.key(seed)
    k1, k2, k3, k4 = jax.random.split(key, 4)
    users = jax.random.randint(k1, (BATCH,), 0, N_USER, dtype=jnp.int32)
    items = jax.random.randint(k2, (BATCH,), 0, M_ITEM, dtype=jnp.int32)
    user_table = _xavier_normal(k3, N_USER, DIM)
    item_table = _xavier_normal(k4, M_ITEM, DIM)
    return {"users": users, "items": items, "user_table": user_table, "item_table": item_table}


def reference(users, items, user_table, item_table):
    # users_emb = self.user_embedding(users)
    users_emb = jnp.take(user_table, users, axis=0)
    # items_emb = self.item_embedding(items)
    items_emb = jnp.take(item_table, items, axis=0)
    # inter = users_emb * items_emb
    inter = users_emb * items_emb
    # ratings = self.act(torch.sum(inter, dim=1)) with act = Sigmoid
    ratings = jax.nn.sigmoid(jnp.sum(inter, axis=1))
    return (ratings, inter)

if __name__ == "__main__":
    import jax
    _d = setup_inputs()
    print(jax.jit(kernel)(*tuple(_d.values())))

</pallas_src>

<mosaic_0001>
#map = affine_map<(d0, d1) -> (0)>
#map1 = affine_map<(d0, d1) -> (0, 0)>
module attributes {stable_mosaic.version = 14 : i64} {
  func.func @_mf_body(%arg0: i32, %arg1: i32, %arg2: memref<16384xi32, #tpu.memory_space<hbm>>, %arg3: memref<16384xi32, #tpu.memory_space<hbm>>, %arg4: memref<1000000x32xf32, #tpu.memory_space<hbm>>, %arg5: memref<1000000x32xf32, #tpu.memory_space<hbm>>, %arg6: memref<16384xf32, #tpu.memory_space<hbm>>, %arg7: memref<524288xf32, #tpu.memory_space<hbm>>, %arg8: memref<512xi32, #tpu.memory_space<vmem>>, %arg9: memref<512xi32, #tpu.memory_space<vmem>>, %arg10: memref<16x1x32xf32, #tpu.memory_space<vmem>>, %arg11: memref<16x1x32xf32, #tpu.memory_space<vmem>>, %arg12: memref<16384xf32, #tpu.memory_space<vmem>>, %arg13: memref<512xf32, #tpu.memory_space<vmem>>, %arg14: memref<!tpu.dma_semaphore, #tpu.memory_space<semaphore_mem>>, %arg15: memref<!tpu.dma_semaphore, #tpu.memory_space<semaphore_mem>>) attributes {dimension_semantics = [#tpu.dimension_semantics<core_parallel>, #tpu.dimension_semantics<subcore_parallel>], iteration_bounds = array<i64: 2, 16>, scalar_prefetch = 0 : i64, scratch_operands = 8 : i64, tpu.core_type = #tpu.core_type<sc_vector_subcore>, window_params = [{transform_indices = #map}, {transform_indices = #map}, {transform_indices = #map1}, {transform_indices = #map1}, {transform_indices = #map}, {transform_indices = #map}]} {
    %mul3A = arith.constant 2 : i32
    %mul3A_0 = arith.muli %arg1, %mul3A : i32
    %add3A = arith.addi %mul3A_0, %arg0 : i32
    %mul3A_1 = arith.constant 512 : i32
    %mul3A_2 = arith.muli %add3A, %mul3A_1 : i32
    "tpu.region"() ({
      %run_scoped3A = tpu.sem_alloc : memref<!tpu.dma_semaphore, #tpu.memory_space<semaphore_mem>>
      %dma_start3A = tpu.memref_slice %arg2[%mul3A_2] : memref<16384xi32, #tpu.memory_space<hbm>> -> memref<512xi32, #tpu.memory_space<hbm>>
      %dma_start3A_33 = tpu.memref_slice %arg2[%mul3A_2] : memref<16384xi32, #tpu.memory_space<hbm>> -> memref<512xi32, #tpu.memory_space<hbm>>
      tpu.enqueue_dma source(%dma_start3A_33 : memref<512xi32, #tpu.memory_space<hbm>>) target(%arg8 : memref<512xi32, #tpu.memory_space<vmem>>) target_semaphore(%run_scoped3A : memref<!tpu.dma_semaphore, #tpu.memory_space<semaphore_mem>>)
      %dma_wait3A = tpu.memref_slice %arg2[%mul3A_2] : memref<16384xi32, #tpu.memory_space<hbm>> -> memref<512xi32, #tpu.memory_space<hbm>>
      %dma_wait3A_34 = tpu.memref_slice %arg2[%mul3A_2] : memref<16384xi32, #tpu.memory_space<hbm>> -> memref<512xi32, #tpu.memory_space<hbm>>
      tpu.wait_dma2 semaphore(%run_scoped3A : memref<!tpu.dma_semaphore, #tpu.memory_space<semaphore_mem>>) src(%dma_wait3A_34 : memref<512xi32, #tpu.memory_space<hbm>>) dst(%arg8 : memref<512xi32, #tpu.memory_space<vmem>>)
      tpu.yield
    }) : () -> ()
    "tpu.region"() ({
      %run_scoped3A = tpu.sem_alloc : memref<!tpu.dma_semaphore, #tpu.memory_space<semaphore_mem>>
      %dma_start3A = tpu.memref_slice %arg3[%mul3A_2] : memref<16384xi32, #tpu.memory_space<hbm>> -> memref<512xi32, #tpu.memory_space<hbm>>
      %dma_start3A_33 = tpu.memref_slice %arg3[%mul3A_2] : memref<16384xi32, #tpu.memory_space<hbm>> -> memref<512xi32, #tpu.memory_space<hbm>>
      tpu.enqueue_dma source(%dma_start3A_33 : memref<512xi32, #tpu.memory_space<hbm>>) target(%arg9 : memref<512xi32, #tpu.memory_space<vmem>>) target_semaphore(%run_scoped3A : memref<!tpu.dma_semaphore, #tpu.memory_space<semaphore_mem>>)
      %dma_wait3A = tpu.memref_slice %arg3[%mul3A_2] : memref<16384xi32, #tpu.memory_space<hbm>> -> memref<512xi32, #tpu.memory_space<hbm>>
      %dma_wait3A_34 = tpu.memref_slice %arg3[%mul3A_2] : memref<16384xi32, #tpu.memory_space<hbm>> -> memref<512xi32, #tpu.memory_space<hbm>>
      tpu.wait_dma2 semaphore(%run_scoped3A : memref<!tpu.dma_semaphore, #tpu.memory_space<semaphore_mem>>) src(%dma_wait3A_34 : memref<512xi32, #tpu.memory_space<hbm>>) dst(%arg9 : memref<512xi32, #tpu.memory_space<vmem>>)
      tpu.yield
    }) : () -> ()
    %iota3A = tpu.iota {dimensions = array<i32: 0>} : vector<16xi32>
    %and3A = arith.constant 1 : i32
    %and3A_3 = vector.broadcast %and3A : i32 to vector<16xi32>
    %and3A_4 = arith.andi %iota3A, %and3A_3 : vector<16xi32>
    %shift_left3A = arith.constant 3 : i32
    %shift_left3A_5 = vector.broadcast %shift_left3A : i32 to vector<16xi32>
    %shift_left3A_6 = arith.shli %and3A_4, %shift_left3A_5 : vector<16xi32>
    %and3A_7 = arith.constant 2 : i32
    %and3A_8 = vector.broadcast %and3A_7 : i32 to vector<16xi32>
    %and3A_9 = arith.andi %iota3A, %and3A_8 : vector<16xi32>
    %shift_left3A_10 = arith.constant 1 : i32
    %shift_left3A_11 = vector.broadcast %shift_left3A_10 : i32 to vector<16xi32>
    %shift_left3A_12 = arith.shli %and3A_9, %shift_left3A_11 : vector<16xi32>
    %or3A = arith.ori %shift_left3A_6, %shift_left3A_12 : vector<16xi32>
    %and3A_13 = arith.constant 4 : i32
    %and3A_14 = vector.broadcast %and3A_13 : i32 to vector<16xi32>
    %and3A_15 = arith.andi %iota3A, %and3A_14 : vector<16xi32>
    %shift_right_arithmetic3A = arith.constant 1 : i32
    %shift_right_arithmetic3A_16 = vector.broadcast %shift_right_arithmetic3A : i32 to vector<16xi32>
    %shift_right_arithmetic3A_17 = arith.shrsi %and3A_15, %shift_right_arithmetic3A_16 : vector<16xi32>
    %or3A_18 = arith.ori %or3A, %shift_right_arithmetic3A_17 : vector<16xi32>
    %and3A_19 = arith.constant 8 : i32
    %and3A_20 = vector.broadcast %and3A_19 : i32 to vector<16xi32>
    %and3A_21 = arith.andi %iota3A, %and3A_20 : vector<16xi32>
    %shift_right_arithmetic3A_22 = arith.constant 3 : i32
    %shift_right_arithmetic3A_23 = vector.broadcast %shift_right_arithmetic3A_22 : i32 to vector<16xi32>
    %shift_right_arithmetic3A_24 = arith.shrsi %and3A_21, %shift_right_arithmetic3A_23 : vector<16xi32>
    %or3A_25 = arith.ori %or3A_18, %shift_right_arithmetic3A_24 : vector<16xi32>
    %scan3A = arith.constant 0 : i32
    %scan3A_26 = arith.constant 0 : i32
    %scan3A_27 = arith.constant 32 : i32
    %scan3A_28 = arith.addi %scan3A_26, %scan3A_27 : i32
    %scan3A_29 = arith.constant 1 : i32
    scf.for %scan3A_33 = %scan3A_26 to %scan3A_28 step %scan3A_29  : i32 {
      %mul3A_34 = arith.constant 16 : i32
      %mul3A_35 = arith.muli %scan3A_33, %mul3A_34 : i32
      %get3A = arith.index_cast %mul3A_35 : i32 to index
      %get3A_36 = tpu.vector_load %arg8[%get3A] {strides = array<i32>} : memref<512xi32, #tpu.memory_space<vmem>>, vector<16xi32>,
      %get3A_37 = vector.shape_cast %get3A_36 : vector<16xi32> to vector<16xi32>
      %get3A_38 = arith.index_cast %mul3A_35 : i32 to index
      %get3A_39 = tpu.vector_load %arg9[%get3A_38] {strides = array<i32>} : memref<512xi32, #tpu.memory_space<vmem>>, vector<16xi32>,
      %get3A_40 = vector.shape_cast %get3A_39 : vector<16xi32> to vector<16xi32>
      %slice3A = vector.extract_strided_slice %get3A_37 {offsets = [0], sizes = [1], strides = [1]} : vector<16xi32> to vector<1xi32>
      %squeeze3A = vector.extract %slice3A[0] : i32 from vector<1xi32>
      %dma_start3A = arith.constant 0 : i32
      %dma_start3A_41 = arith.constant 0 : i32
      %dma_start3A_42 = arith.constant 0 : i32
      %dma_start3A_43 = tpu.memref_slice %arg10[%dma_start3A, %dma_start3A_41, %dma_start3A_42] : memref<16x1x32xf32, #tpu.memory_space<vmem>> -> memref<1x1x32xf32, #tpu.memory_space<vmem>>
      %dma_start3A_44 = tpu.memref_squeeze %dma_start3A_43 : memref<1x1x32xf32, #tpu.memory_space<vmem>> -> memref<1x32xf32, #tpu.memory_space<vmem>>
      %dma_start3A_45 = arith.constant 0 : i32
      %dma_start3A_46 = tpu.memref_slice %arg4[%squeeze3A, %dma_start3A_45] : memref<1000000x32xf32, #tpu.memory_space<hbm>> -> memref<1x32xf32, #tpu.memory_space<hbm>>
      %dma_start3A_47 = arith.constant 0 : i32
      %dma_start3A_48 = arith.constant 0 : i32
      %dma_start3A_49 = tpu.memref_slice %arg10[%dma_start3A, %dma_start3A_47, %dma_start3A_48] : memref<16x1x32xf32, #tpu.memory_space<vmem>> -> memref<1x1x32xf32, #tpu.memory_space<vmem>>
      %dma_start3A_50 = tpu.memref_squeeze %dma_start3A_49 : memref<1x1x32xf32, #tpu.memory_space<vmem>> -> memref<1x32xf32, #tpu.memory_space<vmem>>
      %dma_start3A_51 = arith.constant 0 : i32
      %dma_start3A_52 = tpu.memref_slice %arg4[%squeeze3A, %dma_start3A_51] : memref<1000000x32xf32, #tpu.memory_space<hbm>> -> memref<1x32xf32, #tpu.memory_space<hbm>>
      tpu.enqueue_dma source(%dma_start3A_52 : memref<1x32xf32, #tpu.memory_space<hbm>>) target(%dma_start3A_50 : memref<1x32xf32, #tpu.memory_space<vmem>>) target_semaphore(%arg14 : memref<!tpu.dma_semaphore, #tpu.memory_space<semaphore_mem>>)
      %slice3A_53 = vector.extract_strided_slice %get3A_40 {offsets = [0], sizes = [1], strides = [1]} : vector<16xi32> to vector<1xi32>
      %squeeze3A_54 = vector.extract %slice3A_53[0] : i32 from vector<1xi32>
      %dma_start3A_55 = arith.constant 0 : i32
      %dma_start3A_56 = arith.constant 0 : i32
      %dma_start3A_57 = arith.constant 0 : i32
      %dma_start3A_58 = tpu.memref_slice %arg11[%dma_start3A_55, %dma_start3A_56, %dma_start3A_57] : memref<16x1x32xf32, #tpu.memory_space<vmem>> -> memref<1x1x32xf32, #tpu.memory_space<vmem>>
      %dma_start3A_59 = tpu.memref_squeeze %dma_start3A_58 : memref<1x1x32xf32, #tpu.memory_space<vmem>> -> memref<1x32xf32, #tpu.memory_space<vmem>>
      %dma_start3A_60 = arith.constant 0 : i32
      %dma_start3A_61 = tpu.memref_slice %arg5[%squeeze3A_54, %dma_start3A_60] : memref<1000000x32xf32, #tpu.memory_space<hbm>> -> memref<1x32xf32, #tpu.memory_space<hbm>>
      %dma_start3A_62 = arith.constant 0 : i32
      %dma_start3A_63 = arith.constant 0 : i32
      %dma_start3A_64 = tpu.memref_slice %arg11[%dma_start3A_55, %dma_start3A_62, %dma_start3A_63] : memref<16x1x32xf32, #tpu.memory_space<vmem>> -> memref<1x1x32xf32, #tpu.memory_space<vmem>>
      %dma_start3A_65 = tpu.memref_squeeze %dma_start3A_64 : memref<1x1x32xf32, #tpu.memory_space<vmem>> -> memref<1x32xf32, #tpu.memory_space<vmem>>
      %dma_start3A_66 = arith.constant 0 : i32
      %dma_start3A_67 = tpu.memref_slice %arg5[%squeeze3A_54, %dma_start3A_66] : memref<1000000x32xf32, #tpu.memory_space<hbm>> -> memref<1x32xf32, #tpu.memory_space<hbm>>
      tpu.enqueue_dma source(%dma_start3A_67 : memref<1x32xf32, #tpu.memory_space<hbm>>) target(%dma_start3A_65 : memref<1x32xf32, #tpu.memory_space<vmem>>) target_semaphore(%arg15 : memref<!tpu.dma_semaphore, #tpu.memory_space<semaphore_mem>>)
      %slice3A_68 = vector.extract_strided_slice %get3A_37 {offsets = [1], sizes = [1], strides = [1]} : vector<16xi32> to vector<1xi32>
      %squeeze3A_69 = vector.extract %slice3A_68[0] : i32 from vector<1xi32>
      %dma_start3A_70 = arith.constant 1 : i32
      %dma_start3A_71 = arith.constant 0 : i32
      %dma_start3A_72 = arith.constant 0 : i32
      %dma_start3A_73 = tpu.memref_slice %arg10[%dma_start3A_70, %dma_start3A_71, %dma_start3A_72] : memref<16x1x32xf32, #tpu.memory_space<vmem>> -> memref<1x1x32xf32, #tpu.memory_space<vmem>>
      %dma_start3A_74 = tpu.memref_squeeze %dma_start3A_73 : memref<1x1x32xf32, #tpu.memory_space<vmem>> -> memref<1x32xf32, #tpu.memory_space<vmem>>
      %dma_start3A_75 = arith.constant 0 : i32
      %dma_start3A_76 = tpu.memref_slice %arg4[%squeeze3A_69, %dma_start3A_75] : memref<1000000x32xf32, #tpu.memory_space<hbm>> -> memref<1x32xf32, #tpu.memory_space<hbm>>
      %dma_start3A_77 = arith.constant 0 : i32
      %dma_start3A_78 = arith.constant 0 : i32
      %dma_start3A_79 = tpu.memref_slice %arg10[%dma_start3A_70, %dma_start3A_77, %dma_start3A_78] : memref<16x1x32xf32, #tpu.memory_space<vmem>> -> memref<1x1x32xf32, #tpu.memory_space<vmem>>
      %dma_start3A_80 = tpu.memref_squeeze %dma_start3A_79 : memref<1x1x32xf32, #tpu.memory_space<vmem>> -> memref<1x32xf32, #tpu.memory_space<vmem>>
      %dma_start3A_81 = arith.constant 0 : i32
      %dma_start3A_82 = tpu.memref_slice %arg4[%squeeze3A_69, %dma_start3A_81] : memref<1000000x32xf32, #tpu.memory_space<hbm>> -> memref<1x32xf32, #tpu.memory_space<hbm>>
      tpu.enqueue_dma source(%dma_start3A_82 : memref<1x32xf32, #tpu.memory_space<hbm>>) target(%dma_start3A_80 : memref<1x32xf32, #tpu.memory_space<vmem>>) target_semaphore(%arg14 : memref<!tpu.dma_semaphore, #tpu.memory_space<semaphore_mem>>)
      %slice3A_83 = vector.extract_strided_slice %get3A_40 {offsets = [1], sizes = [1], strides = [1]} : vector<16xi32> to vector<1xi32>
      %squeeze3A_84 = vector.extract %slice3A_83[0] : i32 from vector<1xi32>
      %dma_start3A_85 = arith.constant 1 : i32
      %dma_start3A_86 = arith.constant 0 : i32
      %dma_start3A_87 = arith.constant 0 : i32
      %dma_start3A_88 = tpu.memref_slice %arg11[%dma_start3A_85, %dma_start3A_86, %dma_start3A_87] : memref<16x1x32xf32, #tpu.memory_space<vmem>> -> memref<1x1x32xf32, #tpu.memory_space<vmem>>
      %dma_start3A_89 = tpu.memref_squeeze %dma_start3A_88 : memref<1x1x32xf32, #tpu.memory_space<vmem>> -> memref<1x32xf32, #tpu.memory_space<vmem>>
      %dma_start3A_90 = arith.constant 0 : i32
      %dma_start3A_91 = tpu.memref_slice %arg5[%squeeze3A_84, %dma_start3A_90] : memref<1000000x32xf32, #tpu.memory_space<hbm>> -> memref<1x32xf32, #tpu.memory_space<hbm>>
      %dma_start3A_92 = arith.constant 0 : i32
      %dma_start3A_93 = arith.constant 0 : i32
      %dma_start3A_94 = tpu.memref_slice %arg11[%dma_start3A_85, %dma_start3A_92, %dma_start3A_93] : memref<16x1x32xf32, #tpu.memory_space<vmem>> -> memref<1x1x32xf32, #tpu.memory_space<vmem>>
      %dma_start3A_95 = tpu.memref_squeeze %dma_start3A_94 : memref<1x1x32xf32, #tpu.memory_space<vmem>> -> memref<1x32xf32, #tpu.memory_space<vmem>>
      %dma_start3A_96 = arith.constant 0 : i32
      %dma_start3A_97 = tpu.memref_slice %arg5[%squeeze3A_84, %dma_start3A_96] : memref<1000000x32xf32, #tpu.memory_space<hbm>> -> memref<1x32xf32, #tpu.memory_space<hbm>>
      tpu.enqueue_dma source(%dma_start3A_97 : memref<1x32xf32, #tpu.memory_space<hbm>>) target(%dma_start3A_95 : memref<1x32xf32, #tpu.memory_space<vmem>>) target_semaphore(%arg15 : memref<!tpu.dma_semaphore, #tpu.memory_space<semaphore_mem>>)
      %slice3A_98 = vector.extract_strided_slice %get3A_37 {offsets = [2], sizes = [1], strides = [1]} : vector<16xi32> to vector<1xi32>
      %squeeze3A_99 = vector.extract %slice3A_98[0] : i32 from vector<1xi32>
      %dma_start3A_100 = arith.constant 2 : i32
      %dma_start3A_101 = arith.constant 0 : i32
      %dma_start3A_102 = arith.constant 0 : i32
      %dma_start3A_103 = tpu.memref_slice %arg10[%dma_start3A_100, %dma_start3A_101, %dma_start3A_102] : memref<16x1x32xf32, #tpu.memory_space<vmem>> -> memref<1x1x32xf32, #tpu.memory_space<vmem>>
      %dma_start3A_104 = tpu.memref_squeeze %dma_start3A_103 : memref<1x1x32xf32, #tpu.memory_space<vmem>> -> memref<1x32xf32, #tpu.memory_space<vmem>>
      %dma_start3A_105 = arith.constant 0 : i32
      %dma_start3A_106 = tpu.memref_slice %arg4[%squeeze3A_99, %dma_start3A_105] : memref<1000000x32xf32, #tpu.memory_space<hbm>> -> memref<1x32xf32, #tpu.memory_space<hbm>>
      %dma_start3A_107 = arith.constant 0 : i32
      %dma_start3A_108 = arith.constant 0 : i32
      %dma_start3A_109 = tpu.memref_slice %arg10[%dma_start3A_100, %dma_start3A_107, %dma_start3A_108] : memref<16x1x32xf32, #tpu.memory_space<vmem>> -> memref<1x1x32xf32, #tpu.memory_space<vmem>>
      %dma_start3A_110 = tpu.memref_squeeze %dma_start3A_109 : memref<1x1x32xf32, #tpu.memory_space<vmem>> -> memref<1x32xf32, #tpu.memory_space<vmem>>
      %dma_start3A_111 = arith.constant 0 : i32
      %dma_start3A_112 = tpu.memref_slice %arg4[%squeeze3A_99, %dma_start3A_111] : memref<1000000x32xf32, #tpu.memory_space<hbm>> -> memref<1x32xf32, #tpu.memory_space<hbm>>
      tpu.enqueue_dma source(%dma_start3A_112 : memref<1x32xf32, #tpu.memory_space<hbm>>) target(%dma_start3A_110 : memref<1x32xf32, #tpu.memory_space<vmem>>) target_semaphore(%arg14 : memref<!tpu.dma_semaphore, #tpu.memory_space<semaphore_mem>>)
      %slice3A_113 = vector.extract_strided_slice %get3A_40 {offsets = [2], sizes = [1], strides = [1]} : vector<16xi32> to vector<1xi32>
      %squeeze3A_114 = vector.extract %slice3A_113[0] : i32 from vector<1xi32>
      %dma_start3A_115 = arith.constant 2 : i32
      %dma_start3A_116 = arith.constant 0 : i32
      %dma_start3A_117 = arith.constant 0 : i32
      %dma_start3A_118 = tpu.memref_slice %arg11[%dma_start3A_115, %dma_start3A_116, %dma_start3A_117] : memref<16x1x32xf32, #tpu.memory_space<vmem>> -> memref<1x1x32xf32, #tpu.memory_space<vmem>>
      %dma_start3A_119 = tpu.memref_squeeze %dma_start3A_118 : memref<1x1x32xf32, #tpu.memory_space<vmem>> -> memref<1x32xf32, #tpu.memory_space<vmem>>
      %dma_start3A_120 = arith.constant 0 : i32
      %dma_start3A_121 = tpu.memref_slice %arg5[%squeeze3A_114, %dma_start3A_120] : memref<1000000x32xf32, #tpu.memory_space<hbm>> -> memref<1x32xf32, #tpu.memory_space<hbm>>
      %dma_start3A_122 = arith.constant 0 : i32
      %dma_start3A_123 = arith.constant 0 : i32
      %dma_start3A_124 = tpu.memref_slice %arg11[%dma_start3A_115, %dma_start3A_122, %dma_start3A_123] : memref<16x1x32xf32, #tpu.memory_space<vmem>> -> memref<1x1x32xf32, #tpu.memory_space<vmem>>
      %dma_start3A_125 = tpu.memref_squeeze %dma_start3A_124 : memref<1x1x32xf32, #tpu.memory_space<vmem>> -> memref<1x32xf32, #tpu.memory_space<vmem>>
      %dma_start3A_126 = arith.constant 0 : i32
      %dma_start3A_127 = tpu.memref_slice %arg5[%squeeze3A_114, %dma_start3A_126] : memref<1000000x32xf32, #tpu.memory_space<hbm>> -> memref<1x32xf32, #tpu.memory_space<hbm>>
      tpu.enqueue_dma source(%dma_start3A_127 : memref<1x32xf32, #tpu.memory_space<hbm>>) target(%dma_start3A_125 : memref<1x32xf32, #tpu.memory_space<vmem>>) target_semaphore(%arg15 : memref<!tpu.dma_semaphore, #tpu.memory_space<semaphore_mem>>)
      %slice3A_128 = vector.extract_strided_slice %get3A_37 {offsets = [3], sizes = [1], strides = [1]} : vector<16xi32> to vector<1xi32>
      %squeeze3A_129 = vector.extract %slice3A_128[0] : i32 from vector<1xi32>
      %dma_start3A_130 = arith.constant 3 : i32
      %dma_start3A_131 = arith.constant 0 : i32
      %dma_start3A_132 = arith.constant 0 : i32
      %dma_start3A_133 = tpu.memref_slice %arg10[%dma_start3A_130, %dma_start3A_131, %dma_start3A_132] : memref<16x1x32xf32, #tpu.memory_space<vmem>> -> memref<1x1x32xf32, #tpu.memory_space<vmem>>
      %dma_start3A_134 = tpu.memref_squeeze %dma_start3A_133 : memref<1x1x32xf32, #tpu.memory_space<vmem>> -> memref<1x32xf32, #tpu.memory_space<vmem>>
      %dma_start3A_135 = arith.constant 0 : i32
      %dma_start3A_136 = tpu.memref_slice %arg4[%squeeze3A_129, %dma_start3A_135] : memref<1000000x32xf32, #tpu.memory_space<hbm>> -> memref<1x32xf32, #tpu.memory_space<hbm>>
      %dma_start3A_137 = arith.constant 0 : i32
      %dma_start3A_138 = arith.constant 0 : i32
      %dma_start3A_139 = tpu.memref_slice %arg10[%dma_start3A_130, %dma_start3A_137, %dma_start3A_138] : memref<16x1x32xf32, #tpu.memory_space<vmem>> -> memref<1x1x32xf32, #tpu.memory_space<vmem>>
      %dma_start3A_140 = tpu.memref_squeeze %dma_start3A_139 : memref<1x1x32xf32, #tpu.memory_space<vmem>> -> memref<1x32xf32, #tpu.memory_space<vmem>>
      %dma_start3A_141 = arith.constant 0 : i32
      %dma_start3A_142 = tpu.memref_slice %arg4[%squeeze3A_129, %dma_start3A_141] : memref<1000000x32xf32, #tpu.memory_space<hbm>> -> memref<1x32xf32, #tpu.memory_space<hbm>>
      tpu.enqueue_dma source(%dma_start3A_142 : memref<1x32xf32, #tpu.memory_space<hbm>>) target(%dma_start3A_140 : memref<1x32xf32, #tpu.memory_space<vmem>>) target_semaphore(%arg14 : memref<!tpu.dma_semaphore, #tpu.memory_space<semaphore_mem>>)
      %slice3A_143 = vector.extract_strided_slice %get3A_40 {offsets = [3], sizes = [1], strides = [1]} : vector<16xi32> to vector<1xi32>
      %squeeze3A_144 = vector.extract %slice3A_143[0] : i32 from vector<1xi32>
      %dma_start3A_145 = arith.constant 3 : i32
      %dma_start3A_146 = arith.constant 0 : i32
      %dma_start3A_147 = arith.constant 0 : i32
      %dma_start3A_148 = tpu.memref_slice %arg11[%dma_start3A_145, %dma_start3A_146, %dma_start3A_147] : memref<16x1x32xf32, #tpu.memory_space<vmem>> -> memref<1x1x32xf32, #tpu.memory_space<vmem>>
      %dma_start3A_149 = tpu.memref_squeeze %dma_start3A_148 : memref<1x1x32xf32, #tpu.memory_space<vmem>> -> memref<1x32xf32, #tpu.memory_space<vmem>>
      %dma_start3A_150 = arith.constant 0 : i32
      %dma_start3A_151 = tpu.memref_slice %arg5[%squeeze3A_144, %dma_start3A_150] : memref<1000000x32xf32, #tpu.memory_space<hbm>> -> memref<1x32xf32, #tpu.memory_space<hbm>>
      %dma_start3A_152 = arith.constant 0 : i32
      %dma_start3A_153 = arith.constant 0 : i32
      %dma_start3A_154 = tpu.memref_slice %arg11[%dma_start3A_145, %dma_start3A_152, %dma_start3A_153] : memref<16x1x32xf32, #tpu.memory_space<vmem>> -> memref<1x1x32xf32, #tpu.memory_space<vmem>>
      %dma_start3A_155 = tpu.memref_squeeze %dma_start3A_154 : memref<1x1x32xf32, #tpu.memory_space<vmem>> -> memref<1x32xf32, #tpu.memory_space<vmem>>
      %dma_start3A_156 = arith.constant 0 : i32
      %dma_start3A_157 = tpu.memref_slice %arg5[%squeeze3A_144, %dma_start3A_156] : memref<1000000x32xf32, #tpu.memory_space<hbm>> -> memref<1x32xf32, #tpu.memory_space<hbm>>
      tpu.enqueue_dma source(%dma_start3A_157 : memref<1x32xf32, #tpu.memory_space<hbm>>) target(%dma_start3A_155 : memref<1x32xf32, #tpu.memory_space<vmem>>) target_semaphore(%arg15 : memref<!tpu.dma_semaphore, #tpu.memory_space<semaphore_mem>>)
      %slice3A_158 = vector.extract_strided_slice %get3A_37 {offsets = [4], sizes = [1], strides = [1]} : vector<16xi32> to vector<1xi32>
      %squeeze3A_159 = vector.extract %slice3A_158[0] : i32 from vector<1xi32>
      %dma_start3A_160 = arith.constant 4 : i32
      %dma_start3A_161 = arith.constant 0 : i32
      %dma_start3A_162 = arith.constant 0 : i32
      %dma_start3A_163 = tpu.memref_slice %arg10[%dma_start3A_160, %dma_start3A_161, %dma_start3A_162] : memref<16x1x32xf32, #tpu.memory_space<vmem>> -> memref<1x1x32xf32, #tpu.memory_space<vmem>>
      %dma_start3A_164 = tpu.memref_squeeze %dma_start3A_163 : memref<1x1x32xf32, #tpu.memory_space<vmem>> -> memref<1x32xf32, #tpu.memory_space<vmem>>
      %dma_start3A_165 = arith.constant 0 : i32
      %dma_start3A_166 = tpu.memref_slice %arg4[%squeeze3A_159, %dma_start3A_165] : memref<1000000x32xf32, #tpu.memory_space<hbm>> -> memref<1x32xf32, #tpu.memory_space<hbm>>
      %dma_start3A_167 = arith.constant 0 : i32
      %dma_start3A_168 = arith.constant 0 : i32
      %dma_start3A_169 = tpu.memref_slice %arg10[%dma_start3A_160, %dma_start3A_167, %dma_start3A_168] : memref<16x1x32xf32, #tpu.memory_space<vmem>> -> memref<1x1x32xf32, #tpu.memory_space<vmem>>
      %dma_start3A_170 = tpu.memref_squeeze %dma_start3A_169 : memref<1x1x32xf32, #tpu.memory_space<vmem>> -> memref<1x32xf32, #tpu.memory_space<vmem>>
      %dma_start3A_171 = arith.constant 0 : i32
      %dma_start3A_172 = tpu.memref_slice %arg4[%squeeze3A_159, %dma_start3A_171] : memref<1000000x32xf32, #tpu.memory_space<hbm>> -> memref<1x32xf32, #tpu.memory_space<hbm>>
      tpu.enqueue_dma source(%dma_start3A_172 : memref<1x32xf32, #tpu.memory_space<hbm>>) target(%dma_start3A_170 : memref<1x32xf32, #tpu.memory_space<vmem>>) target_semaphore(%arg14 : memref<!tpu.dma_semaphore, #tpu.memory_space<semaphore_mem>>)
      %slice3A_173 = vector.extract_strided_slice %get3A_40 {offsets = [4], sizes = [1], strides = [1]} : vector<16xi32> to vector<1xi32>
      %squeeze3A_174 = vector.extract %slice3A_173[0] : i32 from vector<1xi32>
      %dma_start3A_175 = arith.constant 4 : i32
      %dma_start3A_176 = arith.constant 0 : i32
      %dma_start3A_177 = arith.constant 0 : i32
      %dma_start3A_178 = tpu.memref_slice %arg11[%dma_start3A_175, %dma_start3A_176, %dma_start3A_177] : memref<16x1x32xf32, #tpu.memory_space<vmem>> -> memref<1x1x32xf32, #tpu.memory_space<vmem>>
      %dma_start3A_179 = tpu.memref_squeeze %dma_start3A_178 : memref<1x1x32xf32, #tpu.memory_space<vmem>> -> memref<1x32xf32, #tpu.memory_space<vmem>>
      %dma_start3A_180 = arith.constant 0 : i32
      %dma_start3A_181 = tpu.memref_slice %arg5[%squeeze3A_174, %dma_start3A_180] : memref<1000000x32xf32, #tpu.memory_space<hbm>> -> memref<1x32xf32, #tpu.memory_space<hbm>>
      %dma_start3A_182 = arith.constant 0 : i32
      %dma_start3A_183 = arith.constant 0 : i32
      %dma_start3A_184 = tpu.memref_slice %arg11[%dma_start3A_175, %dma_start3A_182, %dma_start3A_183] : memref<16x1x32xf32, #tpu.memory_space<vmem>> -> memref<1x1x32xf32, #tpu.memory_space<vmem>>
      %dma_start3A_185 = tpu.memref_squeeze %dma_start3A_184 : memref<1x1x32xf32, #tpu.memory_space<vmem>> -> memref<1x32xf32, #tpu.memory_space<vmem>>
      %dma_start3A_186 = arith.constant 0 : i32
      %dma_start3A_187 = tpu.memref_slice %arg5[%squeeze3A_174, %dma_start3A_186] : memref<1000000x32xf32, #tpu.memory_space<hbm>> -> memref<1x32xf32, #tpu.memory_space<hbm>>
      tpu.enqueue_dma source(%dma_start3A_187 : memref<1x32xf32, #tpu.memory_space<hbm>>) target(%dma_start3A_185 : memref<1x32xf32, #tpu.memory_space<vmem>>) target_semaphore(%arg15 : memref<!tpu.dma_semaphore, #tpu.memory_space<semaphore_mem>>)
      %slice3A_188 = vector.extract_strided_slice %get3A_37 {offsets = [5], sizes = [1], strides = [1]} : vector<16xi32> to vector<1xi32>
      %squeeze3A_189 = vector.extract %slice3A_188[0] : i32 from vector<1xi32>
      %dma_start3A_190 = arith.constant 5 : i32
      %dma_start3A_191 = arith.constant 0 : i32
      %dma_start3A_192 = arith.constant 0 : i32
      %dma_start3A_193 = tpu.memref_slice %arg10[%dma_start3A_190, %dma_start3A_191, %dma_start3A_192] : memref<16x1x32xf32, #tpu.memory_space<vmem>> -> memref<1x1x32xf32, #tpu.memory_space<vmem>>
      %dma_start3A_194 = tpu.memref_squeeze %dma_start3A_193 : memref<1x1x32xf32, #tpu.memory_space<vmem>> -> memref<1x32xf32, #tpu.memory_space<vmem>>
      %dma_start3A_195 = arith.constant 0 : i32
      %dma_start3A_196 = tpu.memref_slice %arg4[%squeeze3A_189, %dma_start3A_195] : memref<1000000x32xf32, #tpu.memory_space<hbm>> -> memref<1x32xf32, #tpu.memory_space<hbm>>
      %dma_start3A_197 = arith.constant 0 : i32
      %dma_start3A_198 = arith.constant 0 : i32
      %dma_start3A_199 = tpu.memref_slice %arg10[%dma_start3A_190, %dma_start3A_197, %dma_start3A_198] : memref<16x1x32xf32, #tpu.memory_space<vmem>> -> memref<1x1x32xf32, #tpu.memory_space<vmem>>
      %dma_start3A_200 = tpu.memref_squeeze %dma_start3A_199 : memref<1x1x32xf32, #tpu.memory_space<vmem>> -> memref<1x32xf32, #tpu.memory_space<vmem>>
      %dma_start3A_201 = arith.constant 0 : i32
      %dma_start3A_202 = tpu.memref_slice %arg4[%squeeze3A_189, %dma_start3A_201] : memref<1000000x32xf32, #tpu.memory_space<hbm>> -> memref<1x32xf32, #tpu.memory_space<hbm>>
      tpu.enqueue_dma source(%dma_start3A_202 : memref<1x32xf32, #tpu.memory_space<hbm>>) target(%dma_start3A_200 : memref<1x32xf32, #tpu.memory_space<vmem>>) target_semaphore(%arg14 : memref<!tpu.dma_semaphore, #tpu.memory_space<semaphore_mem>>)
      %slice3A_203 = vector.extract_strided_slice %get3A_40 {offsets = [5], sizes = [1], strides = [1]} : vector<16xi32> to vector<1xi32>
      %squeeze3A_204 = vector.extract %slice3A_203[0] : i32 from vector<1xi32>
      %dma_start3A_205 = arith.constant 5 : i32
      %dma_start3A_206 = arith.constant 0 : i32
      %dma_start3A_207 = arith.constant 0 : i32
      %dma_start3A_208 = tpu.memref_slice %arg11[%dma_start3A_205, %dma_start3A_206, %dma_start3A_207] : memref<16x1x32xf32, #tpu.memory_space<vmem>> -> memref<1x1x32xf32, #tpu.memory_space<vmem>>
      %dma_start3A_209 = tpu.memref_squeeze %dma_start3A_208 : memref<1x1x32xf32, #tpu.memory_space<vmem>> -> memref<1x32xf32, #tpu.memory_space<vmem>>
      %dma_start3A_210 = arith.constant 0 : i32
      %dma_start3A_211 = tpu.memref_slice %arg5[%squeeze3A_204, %dma_start3A_210] : memref<1000000x32xf32, #tpu.memory_space<hbm>> -> memref<1x32xf32, #tpu.memory_space<hbm>>
      %dma_start3A_212 = arith.constant 0 : i32
      %dma_start3A_213 = arith.constant 0 : i32
      %dma_start3A_214 = tpu.memref_slice %arg11[%dma_start3A_205, %dma_start3A_212, %dma_start3A_213] : memref<16x1x32xf32, #tpu.memory_space<vmem>> -> memref<1x1x32xf32, #tpu.memory_space<vmem>>
      %dma_start3A_215 = tpu.memref_squeeze %dma_start3A_214 : memref<1x1x32xf32, #tpu.memory_space<vmem>> -> memref<1x32xf32, #tpu.memory_space<vmem>>
      %dma_start3A_216 = arith.constant 0 : i32
      %dma_start3A_217 = tpu.memref_slice %arg5[%squeeze3A_204, %dma_start3A_216] : memref<1000000x32xf32, #tpu.memory_space<hbm>> -> memref<1x32xf32, #tpu.memory_space<hbm>>
      tpu.enqueue_dma source(%dma_start3A_217 : memref<1x32xf32, #tpu.memory_space<hbm>>) target(%dma_start3A_215 : memref<1x32xf32, #tpu.memory_space<vmem>>) target_semaphore(%arg15 : memref<!tpu.dma_semaphore, #tpu.memory_space<semaphore_mem>>)
      %slice3A_218 = vector.extract_strided_slice %get3A_37 {offsets = [6], sizes = [1], strides = [1]} : vector<16xi32> to vector<1xi32>
      %squeeze3A_219 = vector.extract %slice3A_218[0] : i32 from vector<1xi32>
      %dma_start3A_220 = arith.constant 6 : i32
      %dma_start3A_221 = arith.constant 0 : i32
      %dma_start3A_222 = arith.constant 0 : i32
      %dma_start3A_223 = tpu.memref_slice %arg10[%dma_start3A_220, %dma_start3A_221, %dma_start3A_222] : memref<16x1x32xf32, #tpu.memory_space<vmem>> -> memref<1x1x32xf32, #tpu.memory_space<vmem>>
      %dma_start3A_224 = tpu.memref_squeeze %dma_start3A_223 : memref<1x1x32xf32, #tpu.memory_space<vmem>> -> memref<1x32xf32, #tpu.memory_space<vmem>>
      %dma_start3A_225 = arith.constant 0 : i32
      %dma_start3A_226 = tpu.memref_slice %arg4[%squeeze3A_219, %dma_start3A_225] : memref<1000000x32xf32, #tpu.memory_space<hbm>> -> memref<1x32xf32, #tpu.memory_space<hbm>>
      %dma_start3A_227 = arith.constant 0 : i32
      %dma_start3A_228 = arith.constant 0 : i32
      %dma_start3A_229 = tpu.memref_slice %arg10[%dma_start3A_220, %dma_start3A_227, %dma_start3A_228] : memref<16x1x32xf32, #tpu.memory_space<vmem>> -> memref<1x1x32xf32, #tpu.memory_space<vmem>>
      %dma_start3A_230 = tpu.memref_squeeze %dma_start3A_229 : memref<1x1x32xf32, #tpu.memory_space<vmem>> -> memref<1x32xf32, #tpu.memory_space<vmem>>
      %dma_start3A_231 = arith.constant 0 : i32
      %dma_start3A_232 = tpu.memref_slice %arg4[%squeeze3A_219, %dma_start3A_231] : memref<1000000x32xf32, #tpu.memory_space<hbm>> -> memref<1x32xf32, #tpu.memory_space<hbm>>
      tpu.enqueue_dma source(%dma_start3A_232 : memref<1x32xf32, #tpu.memory_space<hbm>>) target(%dma_start3A_230 : memref<1x32xf32, #tpu.memory_space<vmem>>) target_semaphore(%arg14 : memref<!tpu.dma_semaphore, #tpu.memory_space<semaphore_mem>>)
      %slice3A_233 = vector.extract_strided_slice %get3A_40 {offsets = [6], sizes = [1], strides = [1]} : vector<16xi32> to vector<1xi32>
      %squeeze3A_234 = vector.extract %slice3A_233[0] : i32 from vector<1xi32>
      %dma_start3A_235 = arith.constant 6 : i32
      %dma_start3A_236 = arith.constant 0 : i32
      %dma_start3A_237 = arith.constant 0 : i32
      %dma_start3A_238 = tpu.memref_slice %arg11[%dma_start3A_235, %dma_start3A_236, %dma_start3A_237] : memref<16x1x32xf32, #tpu.memory_space<vmem>> -> memref<1x1x32xf32, #tpu.memory_space<vmem>>
      %dma_start3A_239 = tpu.memref_squeeze %dma_start3A_238 : memref<1x1x32xf32, #tpu.memory_space<vmem>> -> memref<1x32xf32, #tpu.memory_space<vmem>>
      %dma_start3A_240 = arith.constant 0 : i32
      %dma_start3A_241 = tpu.memref_slice %arg5[%squeeze3A_234, %dma_start3A_240] : memref<1000000x32xf32, #tpu.memory_space<hbm>> -> memref<1x32xf32, #tpu.memory_space<hbm>>
      %dma_start3A_242 = arith.constant 0 : i32
      %dma_start3A_243 = arith.constant 0 : i32
      %dma_start3A_244 = tpu.memref_slice %arg11[%dma_start3A_235, %dma_start3A_242, %dma_start3A_243] : memref<16x1x32xf32, #tpu.memory_space<vmem>> -> memref<1x1x32xf32, #tpu.memory_space<vmem>>
      %dma_start3A_245 = tpu.memref_squeeze %dma_start3A_244 : memref<1x1x32xf32, #tpu.memory_space<vmem>> -> memref<1x32xf32, #tpu.memory_space<vmem>>
      %dma_start3A_246 = arith.constant 0 : i32
      %dma_start3A_247 = tpu.memref_slice %arg5[%squeeze3A_234, %dma_start3A_246] : memref<1000000x32xf32, #tpu.memory_space<hbm>> -> memref<1x32xf32, #tpu.memory_space<hbm>>
      tpu.enqueue_dma source(%dma_start3A_247 : memref<1x32xf32, #tpu.memory_space<hbm>>) target(%dma_start3A_245 : memref<1x32xf32, #tpu.memory_space<vmem>>) target_semaphore(%arg15 : memref<!tpu.dma_semaphore, #tpu.memory_space<semaphore_mem>>)
      %slice3A_248 = vector.extract_strided_slice %get3A_37 {offsets = [7], sizes = [1], strides = [1]} : vector<16xi32> to vector<1xi32>
      %squeeze3A_249 = vector.extract %slice3A_248[0] : i32 from vector<1xi32>
      %dma_start3A_250 = arith.constant 7 : i32
      %dma_start3A_251 = arith.constant 0 : i32
      %dma_start3A_252 = arith.constant 0 : i32
      %dma_start3A_253 = tpu.memref_slice %arg10[%dma_start3A_250, %dma_start3A_251, %dma_start3A_252] : memref<16x1x32xf32, #tpu.memory_space<vmem>> -> memref<1x1x32xf32, #tpu.memory_space<vmem>>
      %dma_start3A_254 = tpu.memref_squeeze %dma_start3A_253 : memref<1x1x32xf32, #tpu.memory_space<vmem>> -> memref<1x32xf32, #tpu.memory_space<vmem>>
      %dma_start3A_255 = arith.constant 0 : i32
      %dma_start3A_256 = tpu.memref_slice %arg4[%squeeze3A_249, %dma_start3A_255] : memref<1000000x32xf32, #tpu.memory_space<hbm>> -> memref<1x32xf32, #tpu.memory_space<hbm>>
      %dma_start3A_257 = arith.constant 0 : i32
      %dma_start3A_258 = arith.constant 0 : i32
      %dma_start3A_259 = tpu.memref_slice %arg10[%dma_start3A_250, %dma_start3A_257, %dma_start3A_258] : memref<16x1x32xf32, #tpu.memory_space<vmem>> -> memref<1x1x32xf32, #tpu.memory_space<vmem>>
      %dma_start3A_260 = tpu.memref_squeeze %dma_start3A_259 : memref<1x1x32xf32, #tpu.memory_space<vmem>> -> memref<1x32xf32, #tpu.memory_space<vmem>>
      %dma_start3A_261 = arith.constant 0 : i32
      %dma_start3A_262 = tpu.memref_slice %arg4[%squeeze3A_249, %dma_start3A_261] : memref<1000000x32xf32, #tpu.memory_space<hbm>> -> memref<1x32xf32, #tpu.memory_space<hbm>>
      tpu.enqueue_dma source(%dma_start3A_262 : memref<1x32xf32, #tpu.memory_space<hbm>>) target(%dma_start3A_260 : memref<1x32xf32, #tpu.memory_space<vmem>>) target_semaphore(%arg14 : memref<!tpu.dma_semaphore, #tpu.memory_space<semaphore_mem>>)
      %slice3A_263 = vector.extract_strided_slice %get3A_40 {offsets = [7], sizes = [1], strides = [1]} : vector<16xi32> to vector<1xi32>
      %squeeze3A_264 = vector.extract %slice3A_263[0] : i32 from vector<1xi32>
      %dma_start3A_265 = arith.constant 7 : i32
      %dma_start3A_266 = arith.constant 0 : i32
      %dma_start3A_267 = arith.constant 0 : i32
      %dma_start3A_268 = tpu.memref_slice %arg11[%dma_start3A_265, %dma_start3A_266, %dma_start3A_267] : memref<16x1x32xf32, #tpu.memory_space<vmem>> -> memref<1x1x32xf32, #tpu.memory_space<vmem>>
      %dma_start3A_269 = tpu.memref_squeeze %dma_start3A_268 : memref<1x1x32xf32, #tpu.memory_space<vmem>> -> memref<1x32xf32, #tpu.memory_space<vmem>>
      %dma_start3A_270 = arith.constant 0 : i32
      %dma_start3A_271 = tpu.memref_slice %arg5[%squeeze3A_264, %dma_start3A_270] : memref<1000000x32xf32, #tpu.memory_space<hbm>> -> memref<1x32xf32, #tpu.memory_space<hbm>>
      %dma_start3A_272 = arith.constant 0 : i32
      %dma_start3A_273 = arith.constant 0 : i32
      %dma_start3A_274 = tpu.memref_slice %arg11[%dma_start3A_265, %dma_start3A_272, %dma_start3A_273] : memref<16x1x32xf32, #tpu.memory_space<vmem>> -> memref<1x1x32xf32, #tpu.memory_space<vmem>>
      %dma_start3A_275 = tpu.memref_squeeze %dma_start3A_274 : memref<1x1x32xf32, #tpu.memory_space<vmem>> -> memref<1x32xf32, #tpu.memory_space<vmem>>
      %dma_start3A_276 = arith.constant 0 : i32
      %dma_start3A_277 = tpu.memref_slice %arg5[%squeeze3A_264, %dma_start3A_276] : memref<1000000x32xf32, #tpu.memory_space<hbm>> -> memref<1x32xf32, #tpu.memory_space<hbm>>
      tpu.enqueue_dma source(%dma_start3A_277 : memref<1x32xf32, #tpu.memory_space<hbm>>) target(%dma_start3A_275 : memref<1x32xf32, #tpu.memory_space<vmem>>) target_semaphore(%arg15 : memref<!tpu.dma_semaphore, #tpu.memory_space<semaphore_mem>>)
      %slice3A_278 = vector.extract_strided_slice %get3A_37 {offsets = [8], sizes = [1], strides = [1]} : vector<16xi32> to vector<1xi32>
      %squeeze3A_279 = vector.extract %slice3A_278[0] : i32 from vector<1xi32>
      %dma_start3A_280 = arith.constant 8 : i32
      %dma_start3A_281 = arith.constant 0 : i32
      %dma_start3A_282 = arith.constant 0 : i32
      %dma_start3A_283 = tpu.memref_slice %arg10[%dma_start3A_280, %dma_start3A_281, %dma_start3A_282] : memref<16x1x32xf32, #tpu.memory_space<vmem>> -> memref<1x1x32xf32, #tpu.memory_space<vmem>>
      %dma_start3A_284 = tpu.memref_squeeze %dma_start3A_283 : memref<1x1x32xf32, #tpu.memory_space<vmem>> -> memref<1x32xf32, #tpu.memory_space<vmem>>
      %dma_start3A_285 = arith.constant 0 : i32
      %dma_start3A_286 = tpu.memref_slice %arg4[%squeeze3A_279, %dma_start3A_285] : memref<1000000x32xf32, #tpu.memory_space<hbm>> -> memref<1x32xf32, #tpu.memory_space<hbm>>
      %dma_start3A_287 = arith.constant 0 : i32
      %dma_start3A_288 = arith.constant 0 : i32
      %dma_start3A_289 = tpu.memref_slice %arg10[%dma_start3A_280, %dma_start3A_287, %dma_start3A_288] : memref<16x1x32xf32, #tpu.memory_space<vmem>> -> memref<1x1x32xf32, #tpu.memory_space<vmem>>
      %dma_start3A_290 = tpu.memref_squeeze %dma_start3A_289 : memref<1x1x32xf32, #tpu.memory_space<vmem>> -> memref<1x32xf32, #tpu.memory_space<vmem>>
      %dma_start3A_291 = arith.constant 0 : i32
      %dma_start3A_292 = tpu.memref_slice %arg4[%squeeze3A_279, %dma_start3A_291] : memref<1000000x32xf32, #tpu.memory_space<hbm>> -> memref<1x32xf32, #tpu.memory_space<hbm>>
      tpu.enqueue_dma source(%dma_start3A_292 : memref<1x32xf32, #tpu.memory_space<hbm>>) target(%dma_start3A_290 : memref<1x32xf32, #tpu.memory_space<vmem>>) target_semaphore(%arg14 : memref<!tpu.dma_semaphore, #tpu.memory_space<semaphore_mem>>)
      %slice3A_293 = vector.extract_strided_slice %get3A_40 {offsets = [8], sizes = [1], strides = [1]} : vector<16xi32> to vector<1xi32>
      %squeeze3A_294 = vector.extract %slice3A_293[0] : i32 from vector<1xi32>
      %dma_start3A_295 = arith.constant 8 : i32
      %dma_start3A_296 = arith.constant 0 : i32
      %dma_start3A_297 = arith.constant 0 : i32
      %dma_start3A_298 = tpu.memref_slice %arg11[%dma_start3A_295, %dma_start3A_296, %dma_start3A_297] : memref<16x1x32xf32, #tpu.memory_space<vmem>> -> memref<1x1x32xf32, #tpu.memory_space<vmem>>
      %dma_start3A_299 = tpu.memref_squeeze %dma_start3A_298 : memref<1x1x32xf32, #tpu.memory_space<vmem>> -> memref<1x32xf32, #tpu.memory_space<vmem>>
      %dma_start3A_300 = arith.constant 0 : i32
      %dma_start3A_301 = tpu.memref_slice %arg5[%squeeze3A_294, %dma_start3A_300] : memref<1000000x32xf32, #tpu.memory_space<hbm>> -> memref<1x32xf32, #tpu.memory_space<hbm>>
      %dma_start3A_302 = arith.constant 0 : i32
      %dma_start3A_303 = arith.constant 0 : i32
      %dma_start3A_304 = tpu.memref_slice %arg11[%dma_start3A_295, %dma_start3A_302, %dma_start3A_303] : memref<16x1x32xf32, #tpu.memory_space<vmem>> -> memref<1x1x32xf32, #tpu.memory_space<vmem>>
      %dma_start3A_305 = tpu.memref_squeeze %dma_start3A_304 : memref<1x1x32xf32, #tpu.memory_space<vmem>> -> memref<1x32xf32, #tpu.memory_space<vmem>>
      %dma_start3A_306 = arith.constant 0 : i32
      %dma_start3A_307 = tpu.memref_slice %arg5[%squeeze3A_294, %dma_start3A_306] : memref<1000000x32xf32, #tpu.memory_space<hbm>> -> memref<1x32xf32, #tpu.memory_space<hbm>>
      tpu.enqueue_dma source(%dma_start3A_307 : memref<1x32xf32, #tpu.memory_space<hbm>>) target(%dma_start3A_305 : memref<1x32xf32, #tpu.memory_space<vmem>>) target_semaphore(%arg15 : memref<!tpu.dma_semaphore, #tpu.memory_space<semaphore_mem>>)
      %slice3A_308 = vector.extract_strided_slice %get3A_37 {offsets = [9], sizes = [1], strides = [1]} : vector<16xi32> to vector<1xi32>
      %squeeze3A_309 = vector.extract %slice3A_308[0] : i32 from vector<1xi32>
      %dma_start3A_310 = arith.constant 9 : i32
      %dma_start3A_311 = arith.constant 0 : i32
      %dma_start3A_312 = arith.constant 0 : i32
      %dma_start3A_313 = tpu.memref_slice %arg10[%dma_start3A_310, %dma_start3A_311, %dma_start3A_312] : memref<16x1x32xf32, #tpu.memory_space<vmem>> -> memref<1x1x32xf32, #tpu.memory_space<vmem>>
      %dma_start3A_314 = tpu.memref_squeeze %dma_start3A_313 : memref<1x1x32xf32, #tpu.memory_space<vmem>> -> memref<1x32xf32, #tpu.memory_space<vmem>>
      %dma_start3A_315 = arith.constant 0 : i32
      %dma_start3A_316 = tpu.memref_slice %arg4[%squeeze3A_309, %dma_start3A_315] : memref<1000000x32xf32, #tpu.memory_space<hbm>> -> memref<1x32xf32, #tpu.memory_space<hbm>>
      %dma_start3A_317 = arith.constant 0 : i32
      %dma_start3A_318 = arith.constant 0 : i32
      %dma_start3A_319 = tpu.memref_slice %arg10[%dma_start3A_310, %dma_start3A_317, %dma_start3A_318] : memref<16x1x32xf32, #tpu.memory_space<vmem>> -> memref<1x1x32xf32, #tpu.memory_space<vmem>>
      %dma_start3A_320 = tpu.memref_squeeze %dma_start3A_319 : memref<1x1x32xf32, #tpu.memory_space<vmem>> -> memref<1x32xf32, #tpu.memory_space<vmem>>
      %dma_start3A_321 = arith.constant 0 : i32
      %dma_start3A_322 = tpu.memref_slice %arg4[%squeeze3A_309, %dma_start3A_321] : memref<1000000x32xf32, #tpu.memory_space<hbm>> -> memref<1x32xf32, #tpu.memory_space<hbm>>
      tpu.enqueue_dma source(%dma_start3A_322 : memref<1x32xf32, #tpu.memory_space<hbm>>) target(%dma_start3A_320 : memref<1x32xf32, #tpu.memory_space<vmem>>) target_semaphore(%arg14 : memref<!tpu.dma_semaphore, #tpu.memory_space<semaphore_mem>>)
      %slice3A_323 = vector.extract_strided_slice %get3A_40 {offsets = [9], sizes = [1], strides = [1]} : vector<16xi32> to vector<1xi32>
      %squeeze3A_324 = vector.extract %slice3A_323[0] : i32 from vector<1xi32>
      %dma_start3A_325 = arith.constant 9 : i32
      %dma_start3A_326 = arith.constant 0 : i32
      %dma_start3A_327 = arith.constant 0 : i32
      %dma_start3A_328 = tpu.memref_slice %arg11[%dma_start3A_325, %dma_start3A_326, %dma_start3A_327] : memref<16x1x32xf32, #tpu.memory_space<vmem>> -> memref<1x1x32xf32, #tpu.memory_space<vmem>>
      %dma_start3A_329 = tpu.memref_squeeze %dma_start3A_328 : memref<1x1x32xf32, #tpu.memory_space<vmem>> -> memref<1x32xf32, #tpu.memory_space<vmem>>
      %dma_start3A_330 = arith.constant 0 : i32
      %dma_start3A_331 = tpu.memref_slice %arg5[%squeeze3A_324, %dma_start3A_330] : memref<1000000x32xf32, #tpu.memory_space<hbm>> -> memref<1x32xf32, #tpu.memory_space<hbm>>
      %dma_start3A_332 = arith.constant 0 : i32
      %dma_start3A_333 = arith.constant 0 : i32
      %dma_start3A_334 = tpu.memref_slice %arg11[%dma_start3A_325, %dma_start3A_332, %dma_start3A_333] : memref<16x1x32xf32, #tpu.memory_space<vmem>> -> memref<1x1x32xf32, #tpu.memory_space<vmem>>
      %dma_start3A_335 = tpu.memref_squeeze %dma_start3A_334 : memref<1x1x32xf32, #tpu.memory_space<vmem>> -> memref<1x32xf32, #tpu.memory_space<vmem>>
      %dma_start3A_336 = arith.constant 0 : i32
      %dma_start3A_337 = tpu.memref_slice %arg5[%squeeze3A_324, %dma_start3A_336] : memref<1000000x32xf32, #tpu.memory_space<hbm>> -> memref<1x32xf32, #tpu.memory_space<hbm>>
      tpu.enqueue_dma source(%dma_start3A_337 : memref<1x32xf32, #tpu.memory_space<hbm>>) target(%dma_start3A_335 : memref<1x32xf32, #tpu.memory_space<vmem>>) target_semaphore(%arg15 : memref<!tpu.dma_semaphore, #tpu.memory_space<semaphore_mem>>)
      %slice3A_338 = vector.extract_strided_slice %get3A_37 {offsets = [10], sizes = [1], strides = [1]} : vector<16xi32> to vector<1xi32>
      %squeeze3A_339 = vector.extract %slice3A_338[0] : i32 from vector<1xi32>
      %dma_start3A_340 = arith.constant 10 : i32
      %dma_start3A_341 = arith.constant 0 : i32
      %dma_start3A_342 = arith.constant 0 : i32
      %dma_start3A_343 = tpu.memref_slice %arg10[%dma_start3A_340, %dma_start3A_341, %dma_start3A_342] : memref<16x1x32xf32, #tpu.memory_space<vmem>> -> memref<1x1x32xf32, #tpu.memory_space<vmem>>
      %dma_start3A_344 = tpu.memref_squeeze %dma_start3A_343 : memref<1x1x32xf32, #tpu.memory_space<vmem>> -> memref<1x32xf32, #tpu.memory_space<vmem>>
      %dma_start3A_345 = arith.constant 0 : i32
      %dma_start3A_346 = tpu.memref_slice %arg4[%squeeze3A_339, %dma_start3A_345] : memref<1000000x32xf32, #tpu.memory_space<hbm>> -> memref<1x32xf32, #tpu.memory_space<hbm>>
      %dma_start3A_347 = arith.constant 0 : i32
      %dma_start3A_348 = arith.constant 0 : i32
      %dma_start3A_349 = tpu.memref_slice %arg10[%dma_start3A_340, %dma_start3A_347, %dma_start3A_348] : memref<16x1x32xf32, #tpu.memory_space<vmem>> -> memref<1x1x32xf32, #tpu.memory_space<vmem>>
      %dma_start3A_350 = tpu.memref_squeeze %dma_start3A_349 : memref<1x1x32xf32, #tpu.memory_space<vmem>> -> memref<1x32xf32, #tpu.memory_space<vmem>>
      %dma_start3A_351 = arith.constant 0 : i32
      %dma_start3A_352 = tpu.memref_slice %arg4[%squeeze3A_339, %dma_start3A_351] : memref<1000000x32xf32, #tpu.memory_space<hbm>> -> memref<1x32xf32, #tpu.memory_space<hbm>>
      tpu.enqueue_dma source(%dma_start3A_352 : memref<1x32xf32, #tpu.memory_space<hbm>>) target(%dma_start3A_350 : memref<1x32xf32, #tpu.memory_space<vmem>>) target_semaphore(%arg14 : memref<!tpu.dma_semaphore, #tpu.memory_space<semaphore_mem>>)
      %slice3A_353 = vector.extract_strided_slice %get3A_40 {offsets = [10], sizes = [1], strides = [1]} : vector<16xi32> to vector<1xi32>
      %squeeze3A_354 = vector.extract %slice3A_353[0] : i32 from vector<1xi32>
      %dma_start3A_355 = arith.constant 10 : i32
      %dma_start3A_356 = arith.constant 0 : i32
      %dma_start3A_357 = arith.constant 0 : i32
      %dma_start3A_358 = tpu.memref_slice %arg11[%dma_start3A_355, %dma_start3A_356, %dma_start3A_357] : memref<16x1x32xf32, #tpu.memory_space<vmem>> -> memref<1x1x32xf32, #tpu.memory_space<vmem>>
      %dma_start3A_359 = tpu.memref_squeeze %dma_start3A_358 : memref<1x1x32xf32, #tpu.memory_space<vmem>> -> memref<1x32xf32, #tpu.memory_space<vmem>>
      %dma_start3A_360 = arith.constant 0 : i32
      %dma_start3A_361 = tpu.memref_slice %arg5[%squeeze3A_354, %dma_start3A_360] : memref<1000000x32xf32, #tpu.memory_space<hbm>> -> memref<1x32xf32, #tpu.memory_space<hbm>>
      %dma_start3A_362 = arith.constant 0 : i32
      %dma_start3A_363 = arith.constant 0 : i32
      %dma_start3A_364 = tpu.memref_slice %arg11[%dma_start3A_355, %dma_start3A_362, %dma_start3A_363] : memref<16x1x32xf32, #tpu.memory_space<vmem>> -> memref<1x1x32xf32, #tpu.memory_space<vmem>>
      %dma_start3A_365 = tpu.memref_squeeze %dma_start3A_364 : memref<1x1x32xf32, #tpu.memory_space<vmem>> -> memref<1x32xf32, #tpu.memory_space<vmem>>
      %dma_start3A_366 = arith.constant 0 : i32
      %dma_start3A_367 = tpu.memref_slice %arg5[%squeeze3A_354, %dma_start3A_366] : memref<1000000x32xf32, #tpu.memory_space<hbm>> -> memref<1x32xf32, #tpu.memory_space<hbm>>
      tpu.enqueue_dma source(%dma_start3A_367 : memref<1x32xf32, #tpu.memory_space<hbm>>) target(%dma_start3A_365 : memref<1x32xf32, #tpu.memory_space<vmem>>) target_semaphore(%arg15 : memref<!tpu.dma_semaphore, #tpu.memory_space<semaphore_mem>>)
      %slice3A_368 = vector.extract_strided_slice %get3A_37 {offsets = [11], sizes = [1], strides = [1]} : vector<16xi32> to vector<1xi32>
      %squeeze3A_369 = vector.extract %slice3A_368[0] : i32 from vector<1xi32>
      %dma_start3A_370 = arith.constant 11 : i32
      %dma_start3A_371 = arith.constant 0 : i32
      %dma_start3A_372 = arith.constant 0 : i32
      %dma_start3A_373 = tpu.memref_slice %arg10[%dma_start3A_370, %dma_start3A_371, %dma_start3A_372] : memref<16x1x32xf32, #tpu.memory_space<vmem>> -> memref<1x1x32xf32, #tpu.memory_space<vmem>>
      %dma_start3A_374 = tpu.memref_squeeze %dma_start3A_373 : memref<1x1x32xf32, #tpu.memory_space<vmem>> -> memref<1x32xf32, #tpu.memory_space<vmem>>
      %dma_start3A_375 = arith.constant 0 : i32
      %dma_start3A_376 = tpu.memref_slice %arg4[%squeeze3A_369, %dma_start3A_375] : memref<1000000x32xf32, #tpu.memory_space<hbm>> -> memref<1x32xf32, #tpu.memory_space<hbm>>
      %dma_start3A_377 = arith.constant 0 : i32
      %dma_start3A_378 = arith.constant 0 : i32
      %dma_start3A_379 = tpu.memref_slice %arg10[%dma_start3A_370, %dma_start3A_377, %dma_start3A_378] : memref<16x1x32xf32, #tpu.memory_space<vmem>> -> memref<1x1x32xf32, #tpu.memory_space<vmem>>
      %dma_start3A_380 = tpu.memref_squeeze %dma_start3A_379 : memref<1x1x32xf32, #tpu.memory_space<vmem>> -> memref<1x32xf32, #tpu.memory_space<vmem>>
      %dma_start3A_381 = arith.constant 0 : i32
      %dma_start3A_382 = tpu.memref_slice %arg4[%squeeze3A_369, %dma_start3A_381] : memref<1000000x32xf32, #tpu.memory_space<hbm>> -> memref<1x32xf32, #tpu.memory_space<hbm>>
      tpu.enqueue_dma source(%dma_start3A_382 : memref<1x32xf32, #tpu.memory_space<hbm>>) target(%dma_start3A_380 : memref<1x32xf32, #tpu.memory_space<vmem>>) target_semaphore(%arg14 : memref<!tpu.dma_semaphore, #tpu.memory_space<semaphore_mem>>)
      %slice3A_383 = vector.extract_strided_slice %get3A_40 {offsets = [11], sizes = [1], strides = [1]} : vector<16xi32> to vector<1xi32>
      %squeeze3A_384 = vector.extract %slice3A_383[0] : i32 from vector<1xi32>
      %dma_start3A_385 = arith.constant 11 : i32
      %dma_start3A_386 = arith.constant 0 : i32
      %dma_start3A_387 = arith.constant 0 : i32
      %dma_start3A_388 = tpu.memref_slice %arg11[%dma_start3A_385, %dma_start3A_386, %dma_start3A_387] : memref<16x1x32xf32, #tpu.memory_space<vmem>> -> memref<1x1x32xf32, #tpu.memory_space<vmem>>
      %dma_start3A_389 = tpu.memref_squeeze %dma_start3A_388 : memref<1x1x32xf32, #tpu.memory_space<vmem>> -> memref<1x32xf32, #tpu.memory_space<vmem>>
      %dma_start3A_390 = arith.constant 0 : i32
      %dma_start3A_391 = tpu.memref_slice %arg5[%squeeze3A_384, %dma_start3A_390] : memref<1000000x32xf32, #tpu.memory_space<hbm>> -> memref<1x32xf32, #tpu.memory_space<hbm>>
      %dma_start3A_392 = arith.constant 0 : i32
      %dma_start3A_393 = arith.constant 0 : i32
      %dma_start3A_394 = tpu.memref_slice %arg11[%dma_start3A_385, %dma_start3A_392, %dma_start3A_393] : memref<16x1x32xf32, #tpu.memory_space<vmem>> -> memref<1x1x32xf32, #tpu.memory_space<vmem>>
      %dma_start3A_395 = tpu.memref_squeeze %dma_start3A_394 : memref<1x1x32xf32, #tpu.memory_space<vmem>> -> memref<1x32xf32, #tpu.memory_space<vmem>>
      %dma_start3A_396 = arith.constant 0 : i32
      %dma_start3A_397 = tpu.memref_slice %arg5[%squeeze3A_384, %dma_start3A_396] : memref<1000000x32xf32, #tpu.memory_space<hbm>> -> memref<1x32xf32, #tpu.memory_space<hbm>>
      tpu.enqueue_dma source(%dma_start3A_397 : memref<1x32xf32, #tpu.memory_space<hbm>>) target(%dma_start3A_395 : memref<1x32xf32, #tpu.memory_space<vmem>>) target_semaphore(%arg15 : memref<!tpu.dma_semaphore, #tpu.memory_space<semaphore_mem>>)
      %slice3A_398 = vector.extract_strided_slice %get3A_37 {offsets = [12], sizes = [1], strides = [1]} : vector<16xi32> to vector<1xi32>
      %squeeze3A_399 = vector.extract %slice3A_398[0] : i32 from vector<1xi32>
      %dma_start3A_400 = arith.constant 12 : i32
      %dma_start3A_401 = arith.constant 0 : i32
      %dma_start3A_402 = arith.constant 0 : i32
      %dma_start3A_403 = tpu.memref_slice %arg10[%dma_start3A_400, %dma_start3A_401, %dma_start3A_402] : memref<16x1x32xf32, #tpu.memory_space<vmem>> -> memref<1x1x32xf32, #tpu.memory_space<vmem>>
      %dma_start3A_404 = tpu.memref_squeeze %dma_start3A_403 : memref<1x1x32xf32, #tpu.memory_space<vmem>> -> memref<1x32xf32, #tpu.memory_space<vmem>>
      %dma_start3A_405 = arith.constant 0 : i32
      %dma_start3A_406 = tpu.memref_slice %arg4[%squeeze3A_399, %dma_start3A_405] : memref<1000000x32xf32, #tpu.memory_space<hbm>> -> memref<1x32xf32, #tpu.memory_space<hbm>>
      %dma_start3A_407 = arith.constant 0 : i32
      %dma_start3A_408 = arith.constant 0 : i32
      %dma_start3A_409 = tpu.memref_slice %arg10[%dma_start3A_400, %dma_start3A_407, %dma_start3A_408] : memref<16x1x32xf32, #tpu.memory_space<vmem>> -> memref<1x1x32xf32, #tpu.memory_space<vmem>>
      %dma_start3A_410 = tpu.memref_squeeze %dma_start3A_409 : memref<1x1x32xf32, #tpu.memory_space<vmem>> -> memref<1x32xf32, #tpu.memory_space<vmem>>
      %dma_start3A_411 = arith.constant 0 : i32
      %dma_start3A_412 = tpu.memref_slice %arg4[%squeeze3A_399, %dma_start3A_411] : memref<1000000x32xf32, #tpu.memory_space<hbm>> -> memref<1x32xf32, #tpu.memory_space<hbm>>
      tpu.enqueue_dma source(%dma_start3A_412 : memref<1x32xf32, #tpu.memory_space<hbm>>) target(%dma_start3A_410 : memref<1x32xf32, #tpu.memory_space<vmem>>) target_semaphore(%arg14 : memref<!tpu.dma_semaphore, #tpu.memory_space<semaphore_mem>>)
      %slice3A_413 = vector.extract_strided_slice %get3A_40 {offsets = [12], sizes = [1], strides = [1]} : vector<16xi32> to vector<1xi32>
      %squeeze3A_414 = vector.extract %slice3A_413[0] : i32 from vector<1xi32>
      %dma_start3A_415 = arith.constant 12 : i32
      %dma_start3A_416 = arith.constant 0 : i32
      %dma_start3A_417 = arith.constant 0 : i32
      %dma_start3A_418 = tpu.memref_slice %arg11[%dma_start3A_415, %dma_start3A_416, %dma_start3A_417] : memref<16x1x32xf32, #tpu.memory_space<vmem>> -> memref<1x1x32xf32, #tpu.memory_space<vmem>>
      %dma_start3A_419 = tpu.memref_squeeze %dma_start3A_418 : memref<1x1x32xf32, #tpu.memory_space<vmem>> -> memref<1x32xf32, #tpu.memory_space<vmem>>
      %dma_start3A_420 = arith.constant 0 : i32
      %dma_start3A_421 = tpu.memref_slice %arg5[%squeeze3A_414, %dma_start3A_420] : memref<1000000x32xf32, #tpu.memory_space<hbm>> -> memref<1x32xf32, #tpu.memory_space<hbm>>
      %dma_start3A_422 = arith.constant 0 : i32
      %dma_start3A_423 = arith.constant 0 : i32
      %dma_start3A_424 = tpu.memref_slice %arg11[%dma_start3A_415, %dma_start3A_422, %dma_start3A_423] : memref<16x1x32xf32, #tpu.memory_space<vmem>> -> memref<1x1x32xf32, #tpu.memory_space<vmem>>
      %dma_start3A_425 = tpu.memref_squeeze %dma_start3A_424 : memref<1x1x32xf32, #tpu.memory_space<vmem>> -> memref<1x32xf32, #tpu.memory_space<vmem>>
      %dma_start3A_426 = arith.constant 0 : i32
      %dma_start3A_427 = tpu.memref_slice %arg5[%squeeze3A_414, %dma_start3A_426] : memref<1000000x32xf32, #tpu.memory_space<hbm>> -> memref<1x32xf32, #tpu.memory_space<hbm>>
      tpu.enqueue_dma source(%dma_start3A_427 : memref<1x32xf32, #tpu.memory_space<hbm>>) target(%dma_start3A_425 : memref<1x32xf32, #tpu.memory_space<vmem>>) target_semaphore(%arg15 : memref<!tpu.dma_semaphore, #tpu.memory_space<semaphore_mem>>)
      %slice3A_428 = vector.extract_strided_slice %get3A_37 {offsets = [13], sizes = [1], strides = [1]} : vector<16xi32> to vector<1xi32>
      %squeeze3A_429 = vector.extract %slice3A_428[0] : i32 from vector<1xi32>
      %dma_start3A_430 = arith.constant 13 : i32
      %dma_start3A_431 = arith.constant 0 : i32
      %dma_start3A_432 = arith.constant 0 : i32
      %dma_start3A_433 = tpu.memref_slice %arg10[%dma_start3A_430, %dma_start3A_431, %dma_start3A_432] : memref<16x1x32xf32, #tpu.memory_space<vmem>> -> memref<1x1x32xf32, #tpu.memory_space<vmem>>
      %dma_start3A_434 = tpu.memref_squeeze %dma_start3A_433 : memref<1x1x32xf32, #tpu.memory_space<vmem>> -> memref<1x32xf32, #tpu.memory_space<vmem>>
      %dma_start3A_435 = arith.constant 0 : i32
      %dma_start3A_436 = tpu.memref_slice %arg4[%squeeze3A_429, %dma_start3A_435] : memref<1000000x32xf32, #tpu.memory_space<hbm>> -> memref<1x32xf32, #tpu.memory_space<hbm>>
      %dma_start3A_437 = arith.constant 0 : i32
      %dma_start3A_438 = arith.constant 0 : i32
      %dma_start3A_439 = tpu.memref_slice %arg10[%dma_start3A_430, %dma_start3A_437, %dma_start3A_438] : memref<16x1x32xf32, #tpu.memory_space<vmem>> -> memref<1x1x32xf32, #tpu.memory_space<vmem>>
      %dma_start3A_440 = tpu.memref_squeeze %dma_start3A_439 : memref<1x1x32xf32, #tpu.memory_space<vmem>> -> memref<1x32xf32, #tpu.memory_space<vmem>>
      %dma_start3A_441 = arith.constant 0 : i32
      %dma_start3A_442 = tpu.memref_slice %arg4[%squeeze3A_429, %dma_start3A_441] : memref<1000000x32xf32, #tpu.memory_space<hbm>> -> memref<1x32xf32, #tpu.memory_space<hbm>>
      tpu.enqueue_dma source(%dma_start3A_442 : memref<1x32xf32, #tpu.memory_space<hbm>>) target(%dma_start3A_440 : memref<1x32xf32, #tpu.memory_space<vmem>>) target_semaphore(%arg14 : memref<!tpu.dma_semaphore, #tpu.memory_space<semaphore_mem>>)
      %slice3A_443 = vector.extract_strided_slice %get3A_40 {offsets = [13], sizes = [1], strides = [1]} : vector<16xi32> to vector<1xi32>
      %squeeze3A_444 = vector.extract %slice3A_443[0] : i32 from vector<1xi32>
      %dma_start3A_445 = arith.constant 13 : i32
      %dma_start3A_446 = arith.constant 0 : i32
      %dma_start3A_447 = arith.constant 0 : i32
      %dma_start3A_448 = tpu.memref_slice %arg11[%dma_start3A_445, %dma_start3A_446, %dma_start3A_447] : memref<16x1x32xf32, #tpu.memory_space<vmem>> -> memref<1x1x32xf32, #tpu.memory_space<vmem>>
      %dma_start3A_449 = tpu.memref_squeeze %dma_start3A_448 : memref<1x1x32xf32, #tpu.memory_space<vmem>> -> memref<1x32xf32, #tpu.memory_space<vmem>>
      %dma_start3A_450 = arith.constant 0 : i32
      %dma_start3A_451 = tpu.memref_slice %arg5[%squeeze3A_444, %dma_start3A_450] : memref<1000000x32xf32, #tpu.memory_space<hbm>> -> memref<1x32xf32, #tpu.memory_space<hbm>>
      %dma_start3A_452 = arith.constant 0 : i32
      %dma_start3A_453 = arith.constant 0 : i32
      %dma_start3A_454 = tpu.memref_slice %arg11[%dma_start3A_445, %dma_start3A_452, %dma_start3A_453] : memref<16x1x32xf32, #tpu.memory_space<vmem>> -> memref<1x1x32xf32, #tpu.memory_space<vmem>>
      %dma_start3A_455 = tpu.memref_squeeze %dma_start3A_454 : memref<1x1x32xf32, #tpu.memory_space<vmem>> -> memref<1x32xf32, #tpu.memory_space<vmem>>
      %dma_start3A_456 = arith.constant 0 : i32
      %dma_start3A_457 = tpu.memref_slice %arg5[%squeeze3A_444, %dma_start3A_456] : memref<1000000x32xf32, #tpu.memory_space<hbm>> -> memref<1x32xf32, #tpu.memory_space<hbm>>
      tpu.enqueue_dma source(%dma_start3A_457 : memref<1x32xf32, #tpu.memory_space<hbm>>) target(%dma_start3A_455 : memref<1x32xf32, #tpu.memory_space<vmem>>) target_semaphore(%arg15 : memref<!tpu.dma_semaphore, #tpu.memory_space<semaphore_mem>>)
      %slice3A_458 = vector.extract_strided_slice %get3A_37 {offsets = [14], sizes = [1], strides = [1]} : vector<16xi32> to vector<1xi32>
      %squeeze3A_459 = vector.extract %slice3A_458[0] : i32 from vector<1xi32>
      %dma_start3A_460 = arith.constant 14 : i32
      %dma_start3A_461 = arith.constant 0 : i32
      %dma_start3A_462 = arith.constant 0 : i32
      %dma_start3A_463 = tpu.memref_slice %arg10[%dma_start3A_460, %dma_start3A_461, %dma_start3A_462] : memref<16x1x32xf32, #tpu.memory_space<vmem>> -> memref<1x1x32xf32, #tpu.memory_space<vmem>>
      %dma_start3A_464 = tpu.memref_squeeze %dma_start3A_463 : memref<1x1x32xf32, #tpu.memory_space<vmem>> -> memref<1x32xf32, #tpu.memory_space<vmem>>
      %dma_start3A_465 = arith.constant 0 : i32
      %dma_start3A_466 = tpu.memref_slice %arg4[%squeeze3A_459, %dma_start3A_465] : memref<1000000x32xf32, #tpu.memory_space<hbm>> -> memref<1x32xf32, #tpu.memory_space<hbm>>
      %dma_start3A_467 = arith.constant 0 : i32
      %dma_start3A_468 = arith.constant 0 : i32
      %dma_start3A_469 = tpu.memref_slice %arg10[%dma_start3A_460, %dma_start3A_467, %dma_start3A_468] : memref<16x1x32xf32, #tpu.memory_space<vmem>> -> memref<1x1x32xf32, #tpu.memory_space<vmem>>
      %dma_start3A_470 = tpu.memref_squeeze %dma_start3A_469 : memref<1x1x32xf32, #tpu.memory_space<vmem>> -> memref<1x32xf32, #tpu.memory_space<vmem>>
      %dma_start3A_471 = arith.constant 0 : i32
      %dma_start3A_472 = tpu.memref_slice %arg4[%squeeze3A_459, %dma_start3A_471] : memref<1000000x32xf32, #tpu.memory_space<hbm>> -> memref<1x32xf32, #tpu.memory_space<hbm>>
      tpu.enqueue_dma source(%dma_start3A_472 : memref<1x32xf32, #tpu.memory_space<hbm>>) target(%dma_start3A_470 : memref<1x32xf32, #tpu.memory_space<vmem>>) target_semaphore(%arg14 : memref<!tpu.dma_semaphore, #tpu.memory_space<semaphore_mem>>)
      %slice3A_473 = vector.extract_strided_slice %get3A_40 {offsets = [14], sizes = [1], strides = [1]} : vector<16xi32> to vector<1xi32>
      %squeeze3A_474 = vector.extract %slice3A_473[0] : i32 from vector<1xi32>
      %dma_start3A_475 = arith.constant 14 : i32
      %dma_start3A_476 = arith.constant 0 : i32
      %dma_start3A_477 = arith.constant 0 : i32
      %dma_start3A_478 = tpu.memref_slice %arg11[%dma_start3A_475, %dma_start3A_476, %dma_start3A_477] : memref<16x1x32xf32, #tpu.memory_space<vmem>> -> memref<1x1x32xf32, #tpu.memory_space<vmem>>
      %dma_start3A_479 = tpu.memref_squeeze %dma_start3A_478 : memref<1x1x32xf32, #tpu.memory_space<vmem>> -> memref<1x32xf32, #tpu.memory_space<vmem>>
      %dma_start3A_480 = arith.constant 0 : i32
      %dma_start3A_481 = tpu.memref_slice %arg5[%squeeze3A_474, %dma_start3A_480] : memref<1000000x32xf32, #tpu.memory_space<hbm>> -> memref<1x32xf32, #tpu.memory_space<hbm>>
      %dma_start3A_482 = arith.constant 0 : i32
      %dma_start3A_483 = arith.constant 0 : i32
      %dma_start3A_484 = tpu.memref_slice %arg11[%dma_start3A_475, %dma_start3A_482, %dma_start3A_483] : memref<16x1x32xf32, #tpu.memory_space<vmem>> -> memref<1x1x32xf32, #tpu.memory_space<vmem>>
      %dma_start3A_485 = tpu.memref_squeeze %dma_start3A_484 : memref<1x1x32xf32, #tpu.memory_space<vmem>> -> memref<1x32xf32, #tpu.memory_space<vmem>>
      %dma_start3A_486 = arith.constant 0 : i32
      %dma_start3A_487 = tpu.memref_slice %arg5[%squeeze3A_474, %dma_start3A_486] : memref<1000000x32xf32, #tpu.memory_space<hbm>> -> memref<1x32xf32, #tpu.memory_space<hbm>>
      tpu.enqueue_dma source(%dma_start3A_487 : memref<1x32xf32, #tpu.memory_space<hbm>>) target(%dma_start3A_485 : memref<1x32xf32, #tpu.memory_space<vmem>>) target_semaphore(%arg15 : memref<!tpu.dma_semaphore, #tpu.memory_space<semaphore_mem>>)
      %slice3A_488 = vector.extract_strided_slice %get3A_37 {offsets = [15], sizes = [1], strides = [1]} : vector<16xi32> to vector<1xi32>
      %squeeze3A_489 = vector.extract %slice3A_488[0] : i32 from vector<1xi32>
      %dma_start3A_490 = arith.constant 15 : i32
      %dma_start3A_491 = arith.constant 0 : i32
      %dma_start3A_492 = arith.constant 0 : i32
      %dma_start3A_493 = tpu.memref_slice %arg10[%dma_start3A_490, %dma_start3A_491, %dma_start3A_492] : memref<16x1x32xf32, #tpu.memory_space<vmem>> -> memref<1x1x32xf32, #tpu.memory_space<vmem>>
      %dma_start3A_494 = tpu.memref_squeeze %dma_start3A_493 : memref<1x1x32xf32, #tpu.memory_space<vmem>> -> memref<1x32xf32, #tpu.memory_space<vmem>>
      %dma_start3A_495 = arith.constant 0 : i32
      %dma_start3A_496 = tpu.memref_slice %arg4[%squeeze3A_489, %dma_start3A_495] : memref<1000000x32xf32, #tpu.memory_space<hbm>> -> memref<1x32xf32, #tpu.memory_space<hbm>>
      %dma_start3A_497 = arith.constant 0 : i32
      %dma_start3A_498 = arith.constant 0 : i32
      %dma_start3A_499 = tpu.memref_slice %arg10[%dma_start3A_490, %dma_start3A_497, %dma_start3A_498] : memref<16x1x32xf32, #tpu.memory_space<vmem>> -> memref<1x1x32xf32, #tpu.memory_space<vmem>>
      %dma_start3A_500 = tpu.memref_squeeze %dma_start3A_499 : memref<1x1x32xf32, #tpu.memory_space<vmem>> -> memref<1x32xf32, #tpu.memory_space<vmem>>
      %dma_start3A_501 = arith.constant 0 : i32
      %dma_start3A_502 = tpu.memref_slice %arg4[%squeeze3A_489, %dma_start3A_501] : memref<1000000x32xf32, #tpu.memory_space<hbm>> -> memref<1x32xf32, #tpu.memory_space<hbm>>
      tpu.enqueue_dma source(%dma_start3A_502 : memref<1x32xf32, #tpu.memory_space<hbm>>) target(%dma_start3A_500 : memref<1x32xf32, #tpu.memory_space<vmem>>) target_semaphore(%arg14 : memref<!tpu.dma_semaphore, #tpu.memory_space<semaphore_mem>>)
      %slice3A_503 = vector.extract_strided_slice %get3A_40 {offsets = [15], sizes = [1], strides = [1]} : vector<16xi32> to vector<1xi32>
      %squeeze3A_504 = vector.extract %slice3A_503[0] : i32 from vector<1xi32>
      %dma_start3A_505 = arith.constant 15 : i32
      %dma_start3A_506 = arith.constant 0 : i32
      %dma_start3A_507 = arith.constant 0 : i32
      %dma_start3A_508 = tpu.memref_slice %arg11[%dma_start3A_505, %dma_start3A_506, %dma_start3A_507] : memref<16x1x32xf32, #tpu.memory_space<vmem>> -> memref<1x1x32xf32, #tpu.memory_space<vmem>>
      %dma_start3A_509 = tpu.memref_squeeze %dma_start3A_508 : memref<1x1x32xf32, #tpu.memory_space<vmem>> -> memref<1x32xf32, #tpu.memory_space<vmem>>
      %dma_start3A_510 = arith.constant 0 : i32
      %dma_start3A_511 = tpu.memref_slice %arg5[%squeeze3A_504, %dma_start3A_510] : memref<1000000x32xf32, #tpu.memory_space<hbm>> -> memref<1x32xf32, #tpu.memory_space<hbm>>
      %dma_start3A_512 = arith.constant 0 : i32
      %dma_start3A_513 = arith.constant 0 : i32
      %dma_start3A_514 = tpu.memref_slice %arg11[%dma_start3A_505, %dma_start3A_512, %dma_start3A_513] : memref<16x1x32xf32, #tpu.memory_space<vmem>> -> memref<1x1x32xf32, #tpu.memory_space<vmem>>
      %dma_start3A_515 = tpu.memref_squeeze %dma_start3A_514 : memref<1x1x32xf32, #tpu.memory_space<vmem>> -> memref<1x32xf32, #tpu.memory_space<vmem>>
      %dma_start3A_516 = arith.constant 0 : i32
      %dma_start3A_517 = tpu.memref_slice %arg5[%squeeze3A_504, %dma_start3A_516] : memref<1000000x32xf32, #tpu.memory_space<hbm>> -> memref<1x32xf32, #tpu.memory_space<hbm>>
      tpu.enqueue_dma source(%dma_start3A_517 : memref<1x32xf32, #tpu.memory_space<hbm>>) target(%dma_start3A_515 : memref<1x32xf32, #tpu.memory_space<vmem>>) target_semaphore(%arg15 : memref<!tpu.dma_semaphore, #tpu.memory_space<semaphore_mem>>)
      %dma_wait3A = arith.constant 0 : i32
      %dma_wait3A_518 = arith.constant 0 : i32
      %dma_wait3A_519 = arith.constant 0 : i32
      %dma_wait3A_520 = tpu.memref_slice %arg10[%dma_wait3A, %dma_wait3A_518, %dma_wait3A_519] : memref<16x1x32xf32, #tpu.memory_space<vmem>> -> memref<1x1x32xf32, #tpu.memory_space<vmem>>
      %dma_wait3A_521 = tpu.memref_squeeze %dma_wait3A_520 : memref<1x1x32xf32, #tpu.memory_space<vmem>> -> memref<1x32xf32, #tpu.memory_space<vmem>>
      %dma_wait3A_522 = arith.constant 0 : i32
      %dma_wait3A_523 = tpu.memref_slice %arg4[%squeeze3A, %dma_wait3A_522] : memref<1000000x32xf32, #tpu.memory_space<hbm>> -> memref<1x32xf32, #tpu.memory_space<hbm>>
      %dma_wait3A_524 = arith.constant 0 : i32
      %dma_wait3A_525 = arith.constant 0 : i32
      %dma_wait3A_526 = tpu.memref_slice %arg10[%dma_wait3A, %dma_wait3A_524, %dma_wait3A_525] : memref<16x1x32xf32, #tpu.memory_space<vmem>> -> memref<1x1x32xf32, #tpu.memory_space<vmem>>
      %dma_wait3A_527 = tpu.memref_squeeze %dma_wait3A_526 : memref<1x1x32xf32, #tpu.memory_space<vmem>> -> memref<1x32xf32, #tpu.memory_space<vmem>>
      %dma_wait3A_528 = arith.constant 0 : i32
      %dma_wait3A_529 = tpu.memref_slice %arg4[%squeeze3A, %dma_wait3A_528] : memref<1000000x32xf32, #tpu.memory_space<hbm>> -> memref<1x32xf32, #tpu.memory_space<hbm>>
      tpu.wait_dma2 semaphore(%arg14 : memref<!tpu.dma_semaphore, #tpu.memory_space<semaphore_mem>>) src(%dma_wait3A_529 : memref<1x32xf32, #tpu.memory_space<hbm>>) dst(%dma_wait3A_527 : memref<1x32xf32, #tpu.memory_space<vmem>>)
      %dma_wait3A_530 = arith.constant 0 : i32
      %dma_wait3A_531 = arith.constant 0 : i32
      %dma_wait3A_532 = arith.constant 0 : i32
      %dma_wait3A_533 = tpu.memref_slice %arg11[%dma_wait3A_530, %dma_wait3A_531, %dma_wait3A_532] : memref<16x1x32xf32, #tpu.memory_space<vmem>> -> memref<1x1x32xf32, #tpu.memory_space<vmem>>
      %dma_wait3A_534 = tpu.memref_squeeze %dma_wait3A_533 : memref<1x1x32xf32, #tpu.memory_space<vmem>> -> memref<1x32xf32, #tpu.memory_space<vmem>>
      %dma_wait3A_535 = arith.constant 0 : i32
      %dma_wait3A_536 = tpu.memref_slice %arg5[%squeeze3A_54, %dma_wait3A_535] : memref<1000000x32xf32, #tpu.memory_space<hbm>> -> memref<1x32xf32, #tpu.memory_space<hbm>>
      %dma_wait3A_537 = arith.constant 0 : i32
      %dma_wait3A_538 = arith.constant 0 : i32
      %dma_wait3A_539 = tpu.memref_slice %arg11[%dma_wait3A_530, %dma_wait3A_537, %dma_wait3A_538] : memref<16x1x32xf32, #tpu.memory_space<vmem>> -> memref<1x1x32xf32, #tpu.memory_space<vmem>>
      %dma_wait3A_540 = tpu.memref_squeeze %dma_wait3A_539 : memref<1x1x32xf32, #tpu.memory_space<vmem>> -> memref<1x32xf32, #tpu.memory_space<vmem>>
      %dma_wait3A_541 = arith.constant 0 : i32
      %dma_wait3A_542 = tpu.memref_slice %arg5[%squeeze3A_54, %dma_wait3A_541] : memref<1000000x32xf32, #tpu.memory_space<hbm>> -> memref<1x32xf32, #tpu.memory_space<hbm>>
      tpu.wait_dma2 semaphore(%arg15 : memref<!tpu.dma_semaphore, #tpu.memory_space<semaphore_mem>>) src(%dma_wait3A_542 : memref<1x32xf32, #tpu.memory_space<hbm>>) dst(%dma_wait3A_540 : memref<1x32xf32, #tpu.memory_space<vmem>>)
      %dma_wait3A_543 = arith.constant 1 : i32
      %dma_wait3A_544 = arith.constant 0 : i32
      %dma_wait3A_545 = arith.constant 0 : i32
      %dma_wait3A_546 = tpu.memref_slice %arg10[%dma_wait3A_543, %dma_wait3A_544, %dma_wait3A_545] : memref<16x1x32xf32, #tpu.memory_space<vmem>> -> memref<1x1x32xf32, #tpu.memory_space<vmem>>
      %dma_wait3A_547 = tpu.memref_squeeze %dma_wait3A_546 : memref<1x1x32xf32, #tpu.memory_space<vmem>> -> memref<1x32xf32, #tpu.memory_space<vmem>>
      %dma_wait3A_548 = arith.constant 0 : i32
      %dma_wait3A_549 = tpu.memref_slice %arg4[%squeeze3A_69, %dma_wait3A_548] : memref<1000000x32xf32, #tpu.memory_space<hbm>> -> memref<1x32xf32, #tpu.memory_space<hbm>>
      %dma_wait3A_550 = arith.constant 0 : i32
      %dma_wait3A_551 = arith.constant 0 : i32
      %dma_wait3A_552 = tpu.memref_slice %arg10[%dma_wait3A_543, %dma_wait3A_550, %dma_wait3A_551] : memref<16x1x32xf32, #tpu.memory_space<vmem>> -> memref<1x1x32xf32, #tpu.memory_space<vmem>>
      %dma_wait3A_553 = tpu.memref_squeeze %dma_wait3A_552 : memref<1x1x32xf32, #tpu.memory_space<vmem>> -> memref<1x32xf32, #tpu.memory_space<vmem>>
      %dma_wait3A_554 = arith.constant 0 : i32
      %dma_wait3A_555 = tpu.memref_slice %arg4[%squeeze3A_69, %dma_wait3A_554] : memref<1000000x32xf32, #tpu.memory_space<hbm>> -> memref<1x32xf32, #tpu.memory_space<hbm>>
      tpu.wait_dma2 semaphore(%arg14 : memref<!tpu.dma_semaphore, #tpu.memory_space<semaphore_mem>>) src(%dma_wait3A_555 : memref<1x32xf32, #tpu.memory_space<hbm>>) dst(%dma_wait3A_553 : memref<1x32xf32, #tpu.memory_space<vmem>>)
      %dma_wait3A_556 = arith.constant 1 : i32
      %dma_wait3A_557 = arith.constant 0 : i32
      %dma_wait3A_558 = arith.constant 0 : i32
      %dma_wait3A_559 = tpu.memref_slice %arg11[%dma_wait3A_556, %dma_wait3A_557, %dma_wait3A_558] : memref<16x1x32xf32, #tpu.memory_space<vmem>> -> memref<1x1x32xf32, #tpu.memory_space<vmem>>
      %dma_wait3A_560 = tpu.memref_squeeze %dma_wait3A_559 : memref<1x1x32xf32, #tpu.memory_space<vmem>> -> memref<1x32xf32, #tpu.memory_space<vmem>>
      %dma_wait3A_561 = arith.constant 0 : i32
      %dma_wait3A_562 = tpu.memref_slice %arg5[%squeeze3A_84, %dma_wait3A_561] : memref<1000000x32xf32, #tpu.memory_space<hbm>> -> memref<1x32xf32, #tpu.memory_space<hbm>>
      %dma_wait3A_563 = arith.constant 0 : i32
      %dma_wait3A_564 = arith.constant 0 : i32
      %dma_wait3A_565 = tpu.memref_slice %arg11[%dma_wait3A_556, %dma_wait3A_563, %dma_wait3A_564] : memref<16x1x32xf32, #tpu.memory_space<vmem>> -> memref<1x1x32xf32, #tpu.memory_space<vmem>>
      %dma_wait3A_566 = tpu.memref_squeeze %dma_wait3A_565 : memref<1x1x32xf32, #tpu.memory_space<vmem>> -> memref<1x32xf32, #tpu.memory_space<vmem>>
      %dma_wait3A_567 = arith.constant 0 : i32
      %dma_wait3A_568 = tpu.memref_slice %arg5[%squeeze3A_84, %dma_wait3A_567] : memref<1000000x32xf32, #tpu.memory_space<hbm>> -> memref<1x32xf32, #tpu.memory_space<hbm>>
      tpu.wait_dma2 semaphore(%arg15 : memref<!tpu.dma_semaphore, #tpu.memory_space<semaphore_mem>>) src(%dma_wait3A_568 : memref<1x32xf32, #tpu.memory_space<hbm>>) dst(%dma_wait3A_566 : memref<1x32xf32, #tpu.memory_space<vmem>>)
      %dma_wait3A_569 = arith.constant 2 : i32
      %dma_wait3A_570 = arith.constant 0 : i32
      %dma_wait3A_571 = arith.constant 0 : i32
      %dma_wait3A_572 = tpu.memref_slice %arg10[%dma_wait3A_569, %dma_wait3A_570, %dma_wait3A_571] : memref<16x1x32xf32, #tpu.memory_space<vmem>> -> memref<1x1x32xf32, #tpu.memory_space<vmem>>
      %dma_wait3A_573 = tpu.memref_squeeze %dma_wait3A_572 : memref<1x1x32xf32, #tpu.memory_space<vmem>> -> memref<1x32xf32, #tpu.memory_space<vmem>>
      %dma_wait3A_574 = arith.constant 0 : i32
      %dma_wait3A_575 = tpu.memref_slice %arg4[%squeeze3A_99, %dma_wait3A_574] : memref<1000000x32xf32, #tpu.memory_space<hbm>> -> memref<1x32xf32, #tpu.memory_space<hbm>>
      %dma_wait3A_576 = arith.constant 0 : i32
      %dma_wait3A_577 = arith.constant 0 : i32
      %dma_wait3A_578 = tpu.memref_slice %arg10[%dma_wait3A_569, %dma_wait3A_576, %dma_wait3A_577] : memref<16x1x32xf32, #tpu.memory_space<vmem>> -> memref<1x1x32xf32, #tpu.memory_space<vmem>>
      %dma_wait3A_579 = tpu.memref_squeeze %dma_wait3A_578 : memref<1x1x32xf32, #tpu.memory_space<vmem>> -> memref<1x32xf32, #tpu.memory_space<vmem>>
      %dma_wait3A_580 = arith.constant 0 : i32
      %dma_wait3A_581 = tpu.memref_slice %arg4[%squeeze3A_99, %dma_wait3A_580] : memref<1000000x32xf32, #tpu.memory_space<hbm>> -> memref<1x32xf32, #tpu.memory_space<hbm>>
      tpu.wait_dma2 semaphore(%arg14 : memref<!tpu.dma_semaphore, #tpu.memory_space<semaphore_mem>>) src(%dma_wait3A_581 : memref<1x32xf32, #tpu.memory_space<hbm>>) dst(%dma_wait3A_579 : memref<1x32xf32, #tpu.memory_space<vmem>>)
      %dma_wait3A_582 = arith.constant 2 : i32
      %dma_wait3A_583 = arith.constant 0 : i32
      %dma_wait3A_584 = arith.constant 0 : i32
      %dma_wait3A_585 = tpu.memref_slice %arg11[%dma_wait3A_582, %dma_wait3A_583, %dma_wait3A_584] : memref<16x1x32xf32, #tpu.memory_space<vmem>> -> memref<1x1x32xf32, #tpu.memory_space<vmem>>
      %dma_wait3A_586 = tpu.memref_squeeze %dma_wait3A_585 : memref<1x1x32xf32, #tpu.memory_space<vmem>> -> memref<1x32xf32, #tpu.memory_space<vmem>>
      %dma_wait3A_587 = arith.constant 0 : i32
      %dma_wait3A_588 = tpu.memref_slice %arg5[%squeeze3A_114, %dma_wait3A_587] : memref<1000000x32xf32, #tpu.memory_space<hbm>> -> memref<1x32xf32, #tpu.memory_space<hbm>>
      %dma_wait3A_589 = arith.constant 0 : i32
      %dma_wait3A_590 = arith.constant 0 : i32
      %dma_wait3A_591 = tpu.memref_slice %arg11[%dma_wait3A_582, %dma_wait3A_589, %dma_wait3A_590] : memref<16x1x32xf32, #tpu.memory_space<vmem>> -> memref<1x1x32xf32, #tpu.memory_space<vmem>>
      %dma_wait3A_592 = tpu.memref_squeeze %dma_wait3A_591 : memref<1x1x32xf32, #tpu.memory_space<vmem>> -> memref<1x32xf32, #tpu.memory_space<vmem>>
      %dma_wait3A_593 = arith.constant 0 : i32
      %dma_wait3A_594 = tpu.memref_slice %arg5[%squeeze3A_114, %dma_wait3A_593] : memref<1000000x32xf32, #tpu.memory_space<hbm>> -> memref<1x32xf32, #tpu.memory_space<hbm>>
      tpu.wait_dma2 semaphore(%arg15 : memref<!tpu.dma_semaphore, #tpu.memory_space<semaphore_mem>>) src(%dma_wait3A_594 : memref<1x32xf32, #tpu.memory_space<hbm>>) dst(%dma_wait3A_592 : memref<1x32xf32, #tpu.memory_space<vmem>>)
      %dma_wait3A_595 = arith.constant 3 : i32
      %dma_wait3A_596 = arith.constant 0 : i32
      %dma_wait3A_597 = arith.constant 0 : i32
      %dma_wait3A_598 = tpu.memref_slice %arg10[%dma_wait3A_595, %dma_wait3A_596, %dma_wait3A_597] : memref<16x1x32xf32, #tpu.memory_space<vmem>> -> memref<1x1x32xf32, #tpu.memory_space<vmem>>
      %dma_wait3A_599 = tpu.memref_squeeze %dma_wait3A_598 : memref<1x1x32xf32, #tpu.memory_space<vmem>> -> memref<1x32xf32, #tpu.memory_space<vmem>>
      %dma_wait3A_600 = arith.constant 0 : i32
      %dma_wait3A_601 = tpu.memref_slice %arg4[%squeeze3A_129, %dma_wait3A_600] : memref<1000000x32xf32, #tpu.memory_space<hbm>> -> memref<1x32xf32, #tpu.memory_space<hbm>>
      %dma_wait3A_602 = arith.constant 0 : i32
      %dma_wait3A_603 = arith.constant 0 : i32
      %dma_wait3A_604 = tpu.memref_slice %arg10[%dma_wait3A_595, %dma_wait3A_602, %dma_wait3A_603] : memref<16x1x32xf32, #tpu.memory_space<vmem>> -> memref<1x1x32xf32, #tpu.memory_space<vmem>>
      %dma_wait3A_605 = tpu.memref_squeeze %dma_wait3A_604 : memref<1x1x32xf32, #tpu.memory_space<vmem>> -> memref<1x32xf32, #tpu.memory_space<vmem>>
      %dma_wait3A_606 = arith.constant 0 : i32
      %dma_wait3A_607 = tpu.memref_slice %arg4[%squeeze3A_129, %dma_wait3A_606] : memref<1000000x32xf32, #tpu.memory_space<hbm>> -> memref<1x32xf32, #tpu.memory_space<hbm>>
      tpu.wait_dma2 semaphore(%arg14 : memref<!tpu.dma_semaphore, #tpu.memory_space<semaphore_mem>>) src(%dma_wait3A_607 : memref<1x32xf32, #tpu.memory_space<hbm>>) dst(%dma_wait3A_605 : memref<1x32xf32, #tpu.memory_space<vmem>>)
      %dma_wait3A_608 = arith.constant 3 : i32
      %dma_wait3A_609 = arith.constant 0 : i32
      %dma_wait3A_610 = arith.constant 0 : i32
      %dma_wait3A_611 = tpu.memref_slice %arg11[%dma_wait3A_608, %dma_wait3A_609, %dma_wait3A_610] : memref<16x1x32xf32, #tpu.memory_space<vmem>> -> memref<1x1x32xf32, #tpu.memory_space<vmem>>
      %dma_wait3A_612 = tpu.memref_squeeze %dma_wait3A_611 : memref<1x1x32xf32, #tpu.memory_space<vmem>> -> memref<1x32xf32, #tpu.memory_space<vmem>>
      %dma_wait3A_613 = arith.constant 0 : i32
      %dma_wait3A_614 = tpu.memref_slice %arg5[%squeeze3A_144, %dma_wait3A_613] : memref<1000000x32xf32, #tpu.memory_space<hbm>> -> memref<1x32xf32, #tpu.memory_space<hbm>>
      %dma_wait3A_615 = arith.constant 0 : i32
      %dma_wait3A_616 = arith.constant 0 : i32
      %dma_wait3A_617 = tpu.memref_slice %arg11[%dma_wait3A_608, %dma_wait3A_615, %dma_wait3A_616] : memref<16x1x32xf32, #tpu.memory_space<vmem>> -> memref<1x1x32xf32, #tpu.memory_space<vmem>>
      %dma_wait3A_618 = tpu.memref_squeeze %dma_wait3A_617 : memref<1x1x32xf32, #tpu.memory_space<vmem>> -> memref<1x32xf32, #tpu.memory_space<vmem>>
      %dma_wait3A_619 = arith.constant 0 : i32
      %dma_wait3A_620 = tpu.memref_slice %arg5[%squeeze3A_144, %dma_wait3A_619] : memref<1000000x32xf32, #tpu.memory_space<hbm>> -> memref<1x32xf32, #tpu.memory_space<hbm>>
      tpu.wait_dma2 semaphore(%arg15 : memref<!tpu.dma_semaphore, #tpu.memory_space<semaphore_mem>>) src(%dma_wait3A_620 : memref<1x32xf32, #tpu.memory_space<hbm>>) dst(%dma_wait3A_618 : memref<1x32xf32, #tpu.memory_space<vmem>>)
      %dma_wait3A_621 = arith.constant 4 : i32
      %dma_wait3A_622 = arith.constant 0 : i32
      %dma_wait3A_623 = arith.constant 0 : i32
      %dma_wait3A_624 = tpu.memref_slice %arg10[%dma_wait3A_621, %dma_wait3A_622, %dma_wait3A_623] : memref<16x1x32xf32, #tpu.memory_space<vmem>> -> memref<1x1x32xf32, #tpu.memory_space<vmem>>
      %dma_wait3A_625 = tpu.memref_squeeze %dma_wait3A_624 : memref<1x1x32xf32, #tpu.memory_space<vmem>> -> memref<1x32xf32, #tpu.memory_space<vmem>>
      %dma_wait3A_626 = arith.constant 0 : i32
      %dma_wait3A_627 = tpu.memref_slice %arg4[%squeeze3A_159, %dma_wait3A_626] : memref<1000000x32xf32, #tpu.memory_space<hbm>> -> memref<1x32xf32, #tpu.memory_space<hbm>>
      %dma_wait3A_628 = arith.constant 0 : i32
      %dma_wait3A_629 = arith.constant 0 : i32
      %dma_wait3A_630 = tpu.memref_slice %arg10[%dma_wait3A_621, %dma_wait3A_628, %dma_wait3A_629] : memref<16x1x32xf32, #tpu.memory_space<vmem>> -> memref<1x1x32xf32, #tpu.memory_space<vmem>>
      %dma_wait3A_631 = tpu.memref_squeeze %dma_wait3A_630 : memref<1x1x32xf32, #tpu.memory_space<vmem>> -> memref<1x32xf32, #tpu.memory_space<vmem>>
      %dma_wait3A_632 = arith.constant 0 : i32
      %dma_wait3A_633 = tpu.memref_slice %arg4[%squeeze3A_159, %dma_wait3A_632] : memref<1000000x32xf32, #tpu.memory_space<hbm>> -> memref<1x32xf32, #tpu.memory_space<hbm>>
      tpu.wait_dma2 semaphore(%arg14 : memref<!tpu.dma_semaphore, #tpu.memory_space<semaphore_mem>>) src(%dma_wait3A_633 : memref<1x32xf32, #tpu.memory_space<hbm>>) dst(%dma_wait3A_631 : memref<1x32xf32, #tpu.memory_space<vmem>>)
      %dma_wait3A_634 = arith.constant 4 : i32
      %dma_wait3A_635 = arith.constant 0 : i32
      %dma_wait3A_636 = arith.constant 0 : i32
      %dma_wait3A_637 = tpu.memref_slice %arg11[%dma_wait3A_634, %dma_wait3A_635, %dma_wait3A_636] : memref<16x1x32xf32, #tpu.memory_space<vmem>> -> memref<1x1x32xf32, #tpu.memory_space<vmem>>
      %dma_wait3A_638 = tpu.memref_squeeze %dma_wait3A_637 : memref<1x1x32xf32, #tpu.memory_space<vmem>> -> memref<1x32xf32, #tpu.memory_space<vmem>>
      %dma_wait3A_639 = arith.constant 0 : i32
      %dma_wait3A_640 = tpu.memref_slice %arg5[%squeeze3A_174, %dma_wait3A_639] : memref<1000000x32xf32, #tpu.memory_space<hbm>> -> memref<1x32xf32, #tpu.memory_space<hbm>>
      %dma_wait3A_641 = arith.constant 0 : i32
      %dma_wait3A_642 = arith.constant 0 : i32
      %dma_wait3A_643 = tpu.memref_slice %arg11[%dma_wait3A_634, %dma_wait3A_641, %dma_wait3A_642] : memref<16x1x32xf32, #tpu.memory_space<vmem>> -> memref<1x1x32xf32, #tpu.memory_space<vmem>>
      %dma_wait3A_644 = tpu.memref_squeeze %dma_wait3A_643 : memref<1x1x32xf32, #tpu.memory_space<vmem>> -> memref<1x32xf32, #tpu.memory_space<vmem>>
      %dma_wait3A_645 = arith.constant 0 : i32
      %dma_wait3A_646 = tpu.memref_slice %arg5[%squeeze3A_174, %dma_wait3A_645] : memref<1000000x32xf32, #tpu.memory_space<hbm>> -> memref<1x32xf32, #tpu.memory_space<hbm>>
      tpu.wait_dma2 semaphore(%arg15 : memref<!tpu.dma_semaphore, #tpu.memory_space<semaphore_mem>>) src(%dma_wait3A_646 : memref<1x32xf32, #tpu.memory_space<hbm>>) dst(%dma_wait3A_644 : memref<1x32xf32, #tpu.memory_space<vmem>>)
      %dma_wait3A_647 = arith.constant 5 : i32
      %dma_wait3A_648 = arith.constant 0 : i32
      %dma_wait3A_649 = arith.constant 0 : i32
      %dma_wait3A_650 = tpu.memref_slice %arg10[%dma_wait3A_647, %dma_wait3A_648, %dma_wait3A_649] : memref<16x1x32xf32, #tpu.memory_space<vmem>> -> memref<1x1x32xf32, #tpu.memory_space<vmem>>
      %dma_wait3A_651 = tpu.memref_squeeze %dma_wait3A_650 : memref<1x1x32xf32, #tpu.memory_space<vmem>> -> memref<1x32xf32, #tpu.memory_space<vmem>>
      %dma_wait3A_652 = arith.constant 0 : i32
      %dma_wait3A_653 = tpu.memref_slice %arg4[%squeeze3A_189, %dma_wait3A_652] : memref<1000000x32xf32, #tpu.memory_space<hbm>> -> memref<1x32xf32, #tpu.memory_space<hbm>>
      %dma_wait3A_654 = arith.constant 0 : i32
      %dma_wait3A_655 = arith.constant 0 : i32
      %dma_wait3A_656 = tpu.memref_slice %arg10[%dma_wait3A_647, %dma_wait3A_654, %dma_wait3A_655] : memref<16x1x32xf32, #tpu.memory_space<vmem>> -> memref<1x1x32xf32, #tpu.memory_space<vmem>>
      %dma_wait3A_657 = tpu.memref_squeeze %dma_wait3A_656 : memref<1x1x32xf32, #tpu.memory_space<vmem>> -> memref<1x32xf32, #tpu.memory_space<vmem>>
      %dma_wait3A_658 = arith.constant 0 : i32
      %dma_wait3A_659 = tpu.memref_slice %arg4[%squeeze3A_189, %dma_wait3A_658] : memref<1000000x32xf32, #tpu.memory_space<hbm>> -> memref<1x32xf32, #tpu.memory_space<hbm>>
      tpu.wait_dma2 semaphore(%arg14 : memref<!tpu.dma_semaphore, #tpu.memory_space<semaphore_mem>>) src(%dma_wait3A_659 : memref<1x32xf32, #tpu.memory_space<hbm>>) dst(%dma_wait3A_657 : memref<1x32xf32, #tpu.memory_space<vmem>>)
      %dma_wait3A_660 = arith.constant 5 : i32
      %dma_wait3A_661 = arith.constant 0 : i32
      %dma_wait3A_662 = arith.constant 0 : i32
      %dma_wait3A_663 = tpu.memref_slice %arg11[%dma_wait3A_660, %dma_wait3A_661, %dma_wait3A_662] : memref<16x1x32xf32, #tpu.memory_space<vmem>> -> memref<1x1x32xf32, #tpu.memory_space<vmem>>
      %dma_wait3A_664 = tpu.memref_squeeze %dma_wait3A_663 : memref<1x1x32xf32, #tpu.memory_space<vmem>> -> memref<1x32xf32, #tpu.memory_space<vmem>>
      %dma_wait3A_665 = arith.constant 0 : i32
      %dma_wait3A_666 = tpu.memref_slice %arg5[%squeeze3A_204, %dma_wait3A_665] : memref<1000000x32xf32, #tpu.memory_space<hbm>> -> memref<1x32xf32, #tpu.memory_space<hbm>>
      %dma_wait3A_667 = arith.constant 0 : i32
      %dma_wait3A_668 = arith.constant 0 : i32
      %dma_wait3A_669 = tpu.memref_slice %arg11[%dma_wait3A_660, %dma_wait3A_667, %dma_wait3A_668] : memref<16x1x32xf32, #tpu.memory_space<vmem>> -> memref<1x1x32xf32, #tpu.memory_space<vmem>>
      %dma_wait3A_670 = tpu.memref_squeeze %dma_wait3A_669 : memref<1x1x32xf32, #tpu.memory_space<vmem>> -> memref<1x32xf32, #tpu.memory_space<vmem>>
      %dma_wait3A_671 = arith.constant 0 : i32
      %dma_wait3A_672 = tpu.memref_slice %arg5[%squeeze3A_204, %dma_wait3A_671] : memref<1000000x32xf32, #tpu.memory_space<hbm>> -> memref<1x32xf32, #tpu.memory_space<hbm>>
      tpu.wait_dma2 semaphore(%arg15 : memref<!tpu.dma_semaphore, #tpu.memory_space<semaphore_mem>>) src(%dma_wait3A_672 : memref<1x32xf32, #tpu.memory_space<hbm>>) dst(%dma_wait3A_670 : memref<1x32xf32, #tpu.memory_space<vmem>>)
      %dma_wait3A_673 = arith.constant 6 : i32
      %dma_wait3A_674 = arith.constant 0 : i32
      %dma_wait3A_675 = arith.constant 0 : i32
      %dma_wait3A_676 = tpu.memref_slice %arg10[%dma_wait3A_673, %dma_wait3A_674, %dma_wait3A_675] : memref<16x1x32xf32, #tpu.memory_space<vmem>> -> memref<1x1x32xf32, #tpu.memory_space<vmem>>
      %dma_wait3A_677 = tpu.memref_squeeze %dma_wait3A_676 : memref<1x1x32xf32, #tpu.memory_space<vmem>> -> memref<1x32xf32, #tpu.memory_space<vmem>>
      %dma_wait3A_678 = arith.constant 0 : i32
      %dma_wait3A_679 = tpu.memref_slice %arg4[%squeeze3A_219, %dma_wait3A_678] : memref<1000000x32xf32, #tpu.memory_space<hbm>> -> memref<1x32xf32, #tpu.memory_space<hbm>>
      %dma_wait3A_680 = arith.constant 0 : i32
      %dma_wait3A_681 = arith.constant 0 : i32
      %dma_wait3A_682 = tpu.memref_slice %arg10[%dma_wait3A_673, %dma_wait3A_680, %dma_wait3A_681] : memref<16x1x32xf32, #tpu.memory_space<vmem>> -> memref<1x1x32xf32, #tpu.memory_space<vmem>>
      %dma_wait3A_683 = tpu.memref_squeeze %dma_wait3A_682 : memref<1x1x32xf32, #tpu.memory_space<vmem>> -> memref<1x32xf32, #tpu.memory_space<vmem>>
      %dma_wait3A_684 = arith.constant 0 : i32
      %dma_wait3A_685 = tpu.memref_slice %arg4[%squeeze3A_219, %dma_wait3A_684] : memref<1000000x32xf32, #tpu.memory_space<hbm>> -> memref<1x32xf32, #tpu.memory_space<hbm>>
      tpu.wait_dma2 semaphore(%arg14 : memref<!tpu.dma_semaphore, #tpu.memory_space<semaphore_mem>>) src(%dma_wait3A_685 : memref<1x32xf32, #tpu.memory_space<hbm>>) dst(%dma_wait3A_683 : memref<1x32xf32, #tpu.memory_space<vmem>>)
      %dma_wait3A_686 = arith.constant 6 : i32
      %dma_wait3A_687 = arith.constant 0 : i32
      %dma_wait3A_688 = arith.constant 0 : i32
      %dma_wait3A_689 = tpu.memref_slice %arg11[%dma_wait3A_686, %dma_wait3A_687, %dma_wait3A_688] : memref<16x1x32xf32, #tpu.memory_space<vmem>> -> memref<1x1x32xf32, #tpu.memory_space<vmem>>
      %dma_wait3A_690 = tpu.memref_squeeze %dma_wait3A_689 : memref<1x1x32xf32, #tpu.memory_space<vmem>> -> memref<1x32xf32, #tpu.memory_space<vmem>>
      %dma_wait3A_691 = arith.constant 0 : i32
      %dma_wait3A_692 = tpu.memref_slice %arg5[%squeeze3A_234, %dma_wait3A_691] : memref<1000000x32xf32, #tpu.memory_space<hbm>> -> memref<1x32xf32, #tpu.memory_space<hbm>>
      %dma_wait3A_693 = arith.constant 0 : i32
      %dma_wait3A_694 = arith.constant 0 : i32
      %dma_wait3A_695 = tpu.memref_slice %arg11[%dma_wait3A_686, %dma_wait3A_693, %dma_wait3A_694] : memref<16x1x32xf32, #tpu.memory_space<vmem>> -> memref<1x1x32xf32, #tpu.memory_space<vmem>>
      %dma_wait3A_696 = tpu.memref_squeeze %dma_wait3A_695 : memref<1x1x32xf32, #tpu.memory_space<vmem>> -> memref<1x32xf32, #tpu.memory_space<vmem>>
      %dma_wait3A_697 = arith.constant 0 : i32
      %dma_wait3A_698 = tpu.memref_slice %arg5[%squeeze3A_234, %dma_wait3A_697] : memref<1000000x32xf32, #tpu.memory_space<hbm>> -> memref<1x32xf32, #tpu.memory_space<hbm>>
      tpu.wait_dma2 semaphore(%arg15 : memref<!tpu.dma_semaphore, #tpu.memory_space<semaphore_mem>>) src(%dma_wait3A_698 : memref<1x32xf32, #tpu.memory_space<hbm>>) dst(%dma_wait3A_696 : memref<1x32xf32, #tpu.memory_space<vmem>>)
      %dma_wait3A_699 = arith.constant 7 : i32
      %dma_wait3A_700 = arith.constant 0 : i32
      %dma_wait3A_701 = arith.constant 0 : i32
      %dma_wait3A_702 = tpu.memref_slice %arg10[%dma_wait3A_699, %dma_wait3A_700, %dma_wait3A_701] : memref<16x1x32xf32, #tpu.memory_space<vmem>> -> memref<1x1x32xf32, #tpu.memory_space<vmem>>
      %dma_wait3A_703 = tpu.memref_squeeze %dma_wait3A_702 : memref<1x1x32xf32, #tpu.memory_space<vmem>> -> memref<1x32xf32, #tpu.memory_space<vmem>>
      %dma_wait3A_704 = arith.constant 0 : i32
      %dma_wait3A_705 = tpu.memref_slice %arg4[%squeeze3A_249, %dma_wait3A_704] : memref<1000000x32xf32, #tpu.memory_space<hbm>> -> memref<1x32xf32, #tpu.memory_space<hbm>>
      %dma_wait3A_706 = arith.constant 0 : i32
      %dma_wait3A_707 = arith.constant 0 : i32
      %dma_wait3A_708 = tpu.memref_slice %arg10[%dma_wait3A_699, %dma_wait3A_706, %dma_wait3A_707] : memref<16x1x32xf32, #tpu.memory_space<vmem>> -> memref<1x1x32xf32, #tpu.memory_space<vmem>>
      %dma_wait3A_709 = tpu.memref_squeeze %dma_wait3A_708 : memref<1x1x32xf32, #tpu.memory_space<vmem>> -> memref<1x32xf32, #tpu.memory_space<vmem>>
      %dma_wait3A_710 = arith.constant 0 : i32
      %dma_wait3A_711 = tpu.memref_slice %arg4[%squeeze3A_249, %dma_wait3A_710] : memref<1000000x32xf32, #tpu.memory_space<hbm>> -> memref<1x32xf32, #tpu.memory_space<hbm>>
      tpu.wait_dma2 semaphore(%arg14 : memref<!tpu.dma_semaphore, #tpu.memory_space<semaphore_mem>>) src(%dma_wait3A_711 : memref<1x32xf32, #tpu.memory_space<hbm>>) dst(%dma_wait3A_709 : memref<1x32xf32, #tpu.memory_space<vmem>>)
      %dma_wait3A_712 = arith.constant 7 : i32
      %dma_wait3A_713 = arith.constant 0 : i32
      %dma_wait3A_714 = arith.constant 0 : i32
      %dma_wait3A_715 = tpu.memref_slice %arg11[%dma_wait3A_712, %dma_wait3A_713, %dma_wait3A_714] : memref<16x1x32xf32, #tpu.memory_space<vmem>> -> memref<1x1x32xf32, #tpu.memory_space<vmem>>
      %dma_wait3A_716 = tpu.memref_squeeze %dma_wait3A_715 : memref<1x1x32xf32, #tpu.memory_space<vmem>> -> memref<1x32xf32, #tpu.memory_space<vmem>>
      %dma_wait3A_717 = arith.constant 0 : i32
      %dma_wait3A_718 = tpu.memref_slice %arg5[%squeeze3A_264, %dma_wait3A_717] : memref<1000000x32xf32, #tpu.memory_space<hbm>> -> memref<1x32xf32, #tpu.memory_space<hbm>>
      %dma_wait3A_719 = arith.constant 0 : i32
      %dma_wait3A_720 = arith.constant 0 : i32
      %dma_wait3A_721 = tpu.memref_slice %arg11[%dma_wait3A_712, %dma_wait3A_719, %dma_wait3A_720] : memref<16x1x32xf32, #tpu.memory_space<vmem>> -> memref<1x1x32xf32, #tpu.memory_space<vmem>>
      %dma_wait3A_722 = tpu.memref_squeeze %dma_wait3A_721 : memref<1x1x32xf32, #tpu.memory_space<vmem>> -> memref<1x32xf32, #tpu.memory_space<vmem>>
      %dma_wait3A_723 = arith.constant 0 : i32
      %dma_wait3A_724 = tpu.memref_slice %arg5[%squeeze3A_264, %dma_wait3A_723] : memref<1000000x32xf32, #tpu.memory_space<hbm>> -> memref<1x32xf32, #tpu.memory_space<hbm>>
      tpu.wait_dma2 semaphore(%arg15 : memref<!tpu.dma_semaphore, #tpu.memory_space<semaphore_mem>>) src(%dma_wait3A_724 : memref<1x32xf32, #tpu.memory_space<hbm>>) dst(%dma_wait3A_722 : memref<1x32xf32, #tpu.memory_space<vmem>>)
      %dma_wait3A_725 = arith.constant 8 : i32
      %dma_wait3A_726 = arith.constant 0 : i32
      %dma_wait3A_727 = arith.constant 0 : i32
      %dma_wait3A_728 = tpu.memref_slice %arg10[%dma_wait3A_725, %dma_wait3A_726, %dma_wait3A_727] : memref<16x1x32xf32, #tpu.memory_space<vmem>> -> memref<1x1x32xf32, #tpu.memory_space<vmem>>
      %dma_wait3A_729 = tpu.memref_squeeze %dma_wait3A_728 : memref<1x1x32xf32, #tpu.memory_space<vmem>> -> memref<1x32xf32, #tpu.memory_space<vmem>>
      %dma_wait3A_730 = arith.constant 0 : i32
      %dma_wait3A_731 = tpu.memref_slice %arg4[%squeeze3A_279, %dma_wait3A_730] : memref<1000000x32xf32, #tpu.memory_space<hbm>> -> memref<1x32xf32, #tpu.memory_space<hbm>>
      %dma_wait3A_732 = arith.constant 0 : i32
      %dma_wait3A_733 = arith.constant 0 : i32
      %dma_wait3A_734 = tpu.memref_slice %arg10[%dma_wait3A_725, %dma_wait3A_732, %dma_wait3A_733] : memref<16x1x32xf32, #tpu.memory_space<vmem>> -> memref<1x1x32xf32, #tpu.memory_space<vmem>>
      %dma_wait3A_735 = tpu.memref_squeeze %dma_wait3A_734 : memref<1x1x32xf32, #tpu.memory_space<vmem>> -> memref<1x32xf32, #tpu.memory_space<vmem>>
      %dma_wait3A_736 = arith.constant 0 : i32
      %dma_wait3A_737 = tpu.memref_slice %arg4[%squeeze3A_279, %dma_wait3A_736] : memref<1000000x32xf32, #tpu.memory_space<hbm>> -> memref<1x32xf32, #tpu.memory_space<hbm>>
      tpu.wait_dma2 semaphore(%arg14 : memref<!tpu.dma_semaphore, #tpu.memory_space<semaphore_mem>>) src(%dma_wait3A_737 : memref<1x32xf32, #tpu.memory_space<hbm>>) dst(%dma_wait3A_735 : memref<1x32xf32, #tpu.memory_space<vmem>>)
      %dma_wait3A_738 = arith.constant 8 : i32
      %dma_wait3A_739 = arith.constant 0 : i32
      %dma_wait3A_740 = arith.constant 0 : i32
      %dma_wait3A_741 = tpu.memref_slice %arg11[%dma_wait3A_738, %dma_wait3A_739, %dma_wait3A_740] : memref<16x1x32xf32, #tpu.memory_space<vmem>> -> memref<1x1x32xf32, #tpu.memory_space<vmem>>
      %dma_wait3A_742 = tpu.memref_squeeze %dma_wait3A_741 : memref<1x1x32xf32, #tpu.memory_space<vmem>> -> memref<1x32xf32, #tpu.memory_space<vmem>>
      %dma_wait3A_743 = arith.constant 0 : i32
      %dma_wait3A_744 = tpu.memref_slice %arg5[%squeeze3A_294, %dma_wait3A_743] : memref<1000000x32xf32, #tpu.memory_space<hbm>> -> memref<1x32xf32, #tpu.memory_space<hbm>>
      %dma_wait3A_745 = arith.constant 0 : i32
      %dma_wait3A_746 = arith.constant 0 : i32
      %dma_wait3A_747 = tpu.memref_slice %arg11[%dma_wait3A_738, %dma_wait3A_745, %dma_wait3A_746] : memref<16x1x32xf32, #tpu.memory_space<vmem>> -> memref<1x1x32xf32, #tpu.memory_space<vmem>>
      %dma_wait3A_748 = tpu.memref_squeeze %dma_wait3A_747 : memref<1x1x32xf32, #tpu.memory_space<vmem>> -> memref<1x32xf32, #tpu.memory_space<vmem>>
      %dma_wait3A_749 = arith.constant 0 : i32
      %dma_wait3A_750 = tpu.memref_slice %arg5[%squeeze3A_294, %dma_wait3A_749] : memref<1000000x32xf32, #tpu.memory_space<hbm>> -> memref<1x32xf32, #tpu.memory_space<hbm>>
      tpu.wait_dma2 semaphore(%arg15 : memref<!tpu.dma_semaphore, #tpu.memory_space<semaphore_mem>>) src(%dma_wait3A_750 : memref<1x32xf32, #tpu.memory_space<hbm>>) dst(%dma_wait3A_748 : memref<1x32xf32, #tpu.memory_space<vmem>>)
      %dma_wait3A_751 = arith.constant 9 : i32
      %dma_wait3A_752 = arith.constant 0 : i32
      %dma_wait3A_753 = arith.constant 0 : i32
      %dma_wait3A_754 = tpu.memref_slice %arg10[%dma_wait3A_751, %dma_wait3A_752, %dma_wait3A_753] : memref<16x1x32xf32, #tpu.memory_space<vmem>> -> memref<1x1x32xf32, #tpu.memory_space<vmem>>
      %dma_wait3A_755 = tpu.memref_squeeze %dma_wait3A_754 : memref<1x1x32xf32, #tpu.memory_space<vmem>> -> memref<1x32xf32, #tpu.memory_space<vmem>>
      %dma_wait3A_756 = arith.constant 0 : i32
      %dma_wait3A_757 = tpu.memref_slice %arg4[%squeeze3A_309, %dma_wait3A_756] : memref<1000000x32xf32, #tpu.memory_space<hbm>> -> memref<1x32xf32, #tpu.memory_space<hbm>>
      %dma_wait3A_758 = arith.constant 0 : i32
      %dma_wait3A_759 = arith.constant 0 : i32
      %dma_wait3A_760 = tpu.memref_slice %arg10[%dma_wait3A_751, %dma_wait3A_758, %dma_wait3A_759] : memref<16x1x32xf32, #tpu.memory_space<vmem>> -> memref<1x1x32xf32, #tpu.memory_space<vmem>>
      %dma_wait3A_761 = tpu.memref_squeeze %dma_wait3A_760 : memref<1x1x32xf32, #tpu.memory_space<vmem>> -> memref<1x32xf32, #tpu.memory_space<vmem>>
      %dma_wait3A_762 = arith.constant 0 : i32
      %dma_wait3A_763 = tpu.memref_slice %arg4[%squeeze3A_309, %dma_wait3A_762] : memref<1000000x32xf32, #tpu.memory_space<hbm>> -> memref<1x32xf32, #tpu.memory_space<hbm>>
      tpu.wait_dma2 semaphore(%arg14 : memref<!tpu.dma_semaphore, #tpu.memory_space<semaphore_mem>>) src(%dma_wait3A_763 : memref<1x32xf32, #tpu.memory_space<hbm>>) dst(%dma_wait3A_761 : memref<1x32xf32, #tpu.memory_space<vmem>>)
      %dma_wait3A_764 = arith.constant 9 : i32
      %dma_wait3A_765 = arith.constant 0 : i32
      %dma_wait3A_766 = arith.constant 0 : i32
      %dma_wait3A_767 = tpu.memref_slice %arg11[%dma_wait3A_764, %dma_wait3A_765, %dma_wait3A_766] : memref<16x1x32xf32, #tpu.memory_space<vmem>> -> memref<1x1x32xf32, #tpu.memory_space<vmem>>
      %dma_wait3A_768 = tpu.memref_squeeze %dma_wait3A_767 : memref<1x1x32xf32, #tpu.memory_space<vmem>> -> memref<1x32xf32, #tpu.memory_space<vmem>>
      %dma_wait3A_769 = arith.constant 0 : i32
      %dma_wait3A_770 = tpu.memref_slice %arg5[%squeeze3A_324, %dma_wait3A_769] : memref<1000000x32xf32, #tpu.memory_space<hbm>> -> memref<1x32xf32, #tpu.memory_space<hbm>>
      %dma_wait3A_771 = arith.constant 0 : i32
      %dma_wait3A_772 = arith.constant 0 : i32
      %dma_wait3A_773 = tpu.memref_slice %arg11[%dma_wait3A_764, %dma_wait3A_771, %dma_wait3A_772] : memref<16x1x32xf32, #tpu.memory_space<vmem>> -> memref<1x1x32xf32, #tpu.memory_space<vmem>>
      %dma_wait3A_774 = tpu.memref_squeeze %dma_wait3A_773 : memref<1x1x32xf32, #tpu.memory_space<vmem>> -> memref<1x32xf32, #tpu.memory_space<vmem>>
      %dma_wait3A_775 = arith.constant 0 : i32
      %dma_wait3A_776 = tpu.memref_slice %arg5[%squeeze3A_324, %dma_wait3A_775] : memref<1000000x32xf32, #tpu.memory_space<hbm>> -> memref<1x32xf32, #tpu.memory_space<hbm>>
      tpu.wait_dma2 semaphore(%arg15 : memref<!tpu.dma_semaphore, #tpu.memory_space<semaphore_mem>>) src(%dma_wait3A_776 : memref<1x32xf32, #tpu.memory_space<hbm>>) dst(%dma_wait3A_774 : memref<1x32xf32, #tpu.memory_space<vmem>>)
      %dma_wait3A_777 = arith.constant 10 : i32
      %dma_wait3A_778 = arith.constant 0 : i32
      %dma_wait3A_779 = arith.constant 0 : i32
      %dma_wait3A_780 = tpu.memref_slice %arg10[%dma_wait3A_777, %dma_wait3A_778, %dma_wait3A_779] : memref<16x1x32xf32, #tpu.memory_space<vmem>> -> memref<1x1x32xf32, #tpu.memory_space<vmem>>
      %dma_wait3A_781 = tpu.memref_squeeze %dma_wait3A_780 : memref<1x1x32xf32, #tpu.memory_space<vmem>> -> memref<1x32xf32, #tpu.memory_space<vmem>>
      %dma_wait3A_782 = arith.constant 0 : i32
      %dma_wait3A_783 = tpu.memref_slice %arg4[%squeeze3A_339, %dma_wait3A_782] : memref<1000000x32xf32, #tpu.memory_space<hbm>> -> memref<1x32xf32, #tpu.memory_space<hbm>>
      %dma_wait3A_784 = arith.constant 0 : i32
      %dma_wait3A_785 = arith.constant 0 : i32
      %dma_wait3A_786 = tpu.memref_slice %arg10[%dma_wait3A_777, %dma_wait3A_784, %dma_wait3A_785] : memref<16x1x32xf32, #tpu.memory_space<vmem>> -> memref<1x1x32xf32, #tpu.memory_space<vmem>>
      %dma_wait3A_787 = tpu.memref_squeeze %dma_wait3A_786 : memref<1x1x32xf32, #tpu.memory_space<vmem>> -> memref<1x32xf32, #tpu.memory_space<vmem>>
      %dma_wait3A_788 = arith.constant 0 : i32
      %dma_wait3A_789 = tpu.memref_slice %arg4[%squeeze3A_339, %dma_wait3A_788] : memref<1000000x32xf32, #tpu.memory_space<hbm>> -> memref<1x32xf32, #tpu.memory_space<hbm>>
      tpu.wait_dma2 semaphore(%arg14 : memref<!tpu.dma_semaphore, #tpu.memory_space<semaphore_mem>>) src(%dma_wait3A_789 : memref<1x32xf32, #tpu.memory_space<hbm>>) dst(%dma_wait3A_787 : memref<1x32xf32, #tpu.memory_space<vmem>>)
      %dma_wait3A_790 = arith.constant 10 : i32
      %dma_wait3A_791 = arith.constant 0 : i32
      %dma_wait3A_792 = arith.constant 0 : i32
      %dma_wait3A_793 = tpu.memref_slice %arg11[%dma_wait3A_790, %dma_wait3A_791, %dma_wait3A_792] : memref<16x1x32xf32, #tpu.memory_space<vmem>> -> memref<1x1x32xf32, #tpu.memory_space<vmem>>
      %dma_wait3A_794 = tpu.memref_squeeze %dma_wait3A_793 : memref<1x1x32xf32, #tpu.memory_space<vmem>> -> memref<1x32xf32, #tpu.memory_space<vmem>>
      %dma_wait3A_795 = arith.constant 0 : i32
      %dma_wait3A_796 = tpu.memref_slice %arg5[%squeeze3A_354, %dma_wait3A_795] : memref<1000000x32xf32, #tpu.memory_space<hbm>> -> memref<1x32xf32, #tpu.memory_space<hbm>>
      %dma_wait3A_797 = arith.constant 0 : i32
      %dma_wait3A_798 = arith.constant 0 : i32
      %dma_wait3A_799 = tpu.memref_slice %arg11[%dma_wait3A_790, %dma_wait3A_797, %dma_wait3A_798] : memref<16x1x32xf32, #tpu.memory_space<vmem>> -> memref<1x1x32xf32, #tpu.memory_space<vmem>>
      %dma_wait3A_800 = tpu.memref_squeeze %dma_wait3A_799 : memref<1x1x32xf32, #tpu.memory_space<vmem>> -> memref<1x32xf32, #tpu.memory_space<vmem>>
      %dma_wait3A_801 = arith.constant 0 : i32
      %dma_wait3A_802 = tpu.memref_slice %arg5[%squeeze3A_354, %dma_wait3A_801] : memref<1000000x32xf32, #tpu.memory_space<hbm>> -> memref<1x32xf32, #tpu.memory_space<hbm>>
      tpu.wait_dma2 semaphore(%arg15 : memref<!tpu.dma_semaphore, #tpu.memory_space<semaphore_mem>>) src(%dma_wait3A_802 : memref<1x32xf32, #tpu.memory_space<hbm>>) dst(%dma_wait3A_800 : memref<1x32xf32, #tpu.memory_space<vmem>>)
      %dma_wait3A_803 = arith.constant 11 : i32
      %dma_wait3A_804 = arith.constant 0 : i32
      %dma_wait3A_805 = arith.constant 0 : i32
      %dma_wait3A_806 = tpu.memref_slice %arg10[%dma_wait3A_803, %dma_wait3A_804, %dma_wait3A_805] : memref<16x1x32xf32, #tpu.memory_space<vmem>> -> memref<1x1x32xf32, #tpu.memory_space<vmem>>
      %dma_wait3A_807 = tpu.memref_squeeze %dma_wait3A_806 : memref<1x1x32xf32, #tpu.memory_space<vmem>> -> memref<1x32xf32, #tpu.memory_space<vmem>>
      %dma_wait3A_808 = arith.constant 0 : i32
      %dma_wait3A_809 = tpu.memref_slice %arg4[%squeeze3A_369, %dma_wait3A_808] : memref<1000000x32xf32, #tpu.memory_space<hbm>> -> memref<1x32xf32, #tpu.memory_space<hbm>>
      %dma_wait3A_810 = arith.constant 0 : i32
      %dma_wait3A_811 = arith.constant 0 : i32
      %dma_wait3A_812 = tpu.memref_slice %arg10[%dma_wait3A_803, %dma_wait3A_810, %dma_wait3A_811] : memref<16x1x32xf32, #tpu.memory_space<vmem>> -> memref<1x1x32xf32, #tpu.memory_space<vmem>>
      %dma_wait3A_813 = tpu.memref_squeeze %dma_wait3A_812 : memref<1x1x32xf32, #tpu.memory_space<vmem>> -> memref<1x32xf32, #tpu.memory_space<vmem>>
      %dma_wait3A_814 = arith.constant 0 : i32
      %dma_wait3A_815 = tpu.memref_slice %arg4[%squeeze3A_369, %dma_wait3A_814] : memref<1000000x32xf32, #tpu.memory_space<hbm>> -> memref<1x32xf32, #tpu.memory_space<hbm>>
      tpu.wait_dma2 semaphore(%arg14 : memref<!tpu.dma_semaphore, #tpu.memory_space<semaphore_mem>>) src(%dma_wait3A_815 : memref<1x32xf32, #tpu.memory_space<hbm>>) dst(%dma_wait3A_813 : memref<1x32xf32, #tpu.memory_space<vmem>>)
      %dma_wait3A_816 = arith.constant 11 : i32
      %dma_wait3A_817 = arith.constant 0 : i32
      %dma_wait3A_818 = arith.constant 0 : i32
      %dma_wait3A_819 = tpu.memref_slice %arg11[%dma_wait3A_816, %dma_wait3A_817, %dma_wait3A_818] : memref<16x1x32xf32, #tpu.memory_space<vmem>> -> memref<1x1x32xf32, #tpu.memory_space<vmem>>
      %dma_wait3A_820 = tpu.memref_squeeze %dma_wait3A_819 : memref<1x1x32xf32, #tpu.memory_space<vmem>> -> memref<1x32xf32, #tpu.memory_space<vmem>>
      %dma_wait3A_821 = arith.constant 0 : i32
      %dma_wait3A_822 = tpu.memref_slice %arg5[%squeeze3A_384, %dma_wait3A_821] : memref<1000000x32xf32, #tpu.memory_space<hbm>> -> memref<1x32xf32, #tpu.memory_space<hbm>>
      %dma_wait3A_823 = arith.constant 0 : i32
      %dma_wait3A_824 = arith.constant 0 : i32
      %dma_wait3A_825 = tpu.memref_slice %arg11[%dma_wait3A_816, %dma_wait3A_823, %dma_wait3A_824] : memref<16x1x32xf32, #tpu.memory_space<vmem>> -> memref<1x1x32xf32, #tpu.memory_space<vmem>>
      %dma_wait3A_826 = tpu.memref_squeeze %dma_wait3A_825 : memref<1x1x32xf32, #tpu.memory_space<vmem>> -> memref<1x32xf32, #tpu.memory_space<vmem>>
      %dma_wait3A_827 = arith.constant 0 : i32
      %dma_wait3A_828 = tpu.memref_slice %arg5[%squeeze3A_384, %dma_wait3A_827] : memref<1000000x32xf32, #tpu.memory_space<hbm>> -> memref<1x32xf32, #tpu.memory_space<hbm>>
      tpu.wait_dma2 semaphore(%arg15 : memref<!tpu.dma_semaphore, #tpu.memory_space<semaphore_mem>>) src(%dma_wait3A_828 : memref<1x32xf32, #tpu.memory_space<hbm>>) dst(%dma_wait3A_826 : memref<1x32xf32, #tpu.memory_space<vmem>>)
      %dma_wait3A_829 = arith.constant 12 : i32
      %dma_wait3A_830 = arith.constant 0 : i32
      %dma_wait3A_831 = arith.constant 0 : i32
      %dma_wait3A_832 = tpu.memref_slice %arg10[%dma_wait3A_829, %dma_wait3A_830, %dma_wait3A_831] : memref<16x1x32xf32, #tpu.memory_space<vmem>> -> memref<1x1x32xf32, #tpu.memory_space<vmem>>
      %dma_wait3A_833 = tpu.memref_squeeze %dma_wait3A_832 : memref<1x1x32xf32, #tpu.memory_space<vmem>> -> memref<1x32xf32, #tpu.memory_space<vmem>>
      %dma_wait3A_834 = arith.constant 0 : i32
      %dma_wait3A_835 = tpu.memref_slice %arg4[%squeeze3A_399, %dma_wait3A_834] : memref<1000000x32xf32, #tpu.memory_space<hbm>> -> memref<1x32xf32, #tpu.memory_space<hbm>>
      %dma_wait3A_836 = arith.constant 0 : i32
      %dma_wait3A_837 = arith.constant 0 : i32
      %dma_wait3A_838 = tpu.memref_slice %arg10[%dma_wait3A_829, %dma_wait3A_836, %dma_wait3A_837] : memref<16x1x32xf32, #tpu.memory_space<vmem>> -> memref<1x1x32xf32, #tpu.memory_space<vmem>>
      %dma_wait3A_839 = tpu.memref_squeeze %dma_wait3A_838 : memref<1x1x32xf32, #tpu.memory_space<vmem>> -> memref<1x32xf32, #tpu.memory_space<vmem>>
      %dma_wait3A_840 = arith.constant 0 : i32
      %dma_wait3A_841 = tpu.memref_slice %arg4[%squeeze3A_399, %dma_wait3A_840] : memref<1000000x32xf32, #tpu.memory_space<hbm>> -> memref<1x32xf32, #tpu.memory_space<hbm>>
      tpu.wait_dma2 semaphore(%arg14 : memref<!tpu.dma_semaphore, #tpu.memory_space<semaphore_mem>>) src(%dma_wait3A_841 : memref<1x32xf32, #tpu.memory_space<hbm>>) dst(%dma_wait3A_839 : memref<1x32xf32, #tpu.memory_space<vmem>>)
      %dma_wait3A_842 = arith.constant 12 : i32
      %dma_wait3A_843 = arith.constant 0 : i32
      %dma_wait3A_844 = arith.constant 0 : i32
      %dma_wait3A_845 = tpu.memref_slice %arg11[%dma_wait3A_842, %dma_wait3A_843, %dma_wait3A_844] : memref<16x1x32xf32, #tpu.memory_space<vmem>> -> memref<1x1x32xf32, #tpu.memory_space<vmem>>
      %dma_wait3A_846 = tpu.memref_squeeze %dma_wait3A_845 : memref<1x1x32xf32, #tpu.memory_space<vmem>> -> memref<1x32xf32, #tpu.memory_space<vmem>>
      %dma_wait3A_847 = arith.constant 0 : i32
      %dma_wait3A_848 = tpu.memref_slice %arg5[%squeeze3A_414, %dma_wait3A_847] : memref<1000000x32xf32, #tpu.memory_space<hbm>> -> memref<1x32xf32, #tpu.memory_space<hbm>>
      %dma_wait3A_849 = arith.constant 0 : i32
      %dma_wait3A_850 = arith.constant 0 : i32
      %dma_wait3A_851 = tpu.memref_slice %arg11[%dma_wait3A_842, %dma_wait3A_849, %dma_wait3A_850] : memref<16x1x32xf32, #tpu.memory_space<vmem>> -> memref<1x1x32xf32, #tpu.memory_space<vmem>>
      %dma_wait3A_852 = tpu.memref_squeeze %dma_wait3A_851 : memref<1x1x32xf32, #tpu.memory_space<vmem>> -> memref<1x32xf32, #tpu.memory_space<vmem>>
      %dma_wait3A_853 = arith.constant 0 : i32
      %dma_wait3A_854 = tpu.memref_slice %arg5[%squeeze3A_414, %dma_wait3A_853] : memref<1000000x32xf32, #tpu.memory_space<hbm>> -> memref<1x32xf32, #tpu.memory_space<hbm>>
      tpu.wait_dma2 semaphore(%arg15 : memref<!tpu.dma_semaphore, #tpu.memory_space<semaphore_mem>>) src(%dma_wait3A_854 : memref<1x32xf32, #tpu.memory_space<hbm>>) dst(%dma_wait3A_852 : memref<1x32xf32, #tpu.memory_space<vmem>>)
      %dma_wait3A_855 = arith.constant 13 : i32
      %dma_wait3A_856 = arith.constant 0 : i32
      %dma_wait3A_857 = arith.constant 0 : i32
      %dma_wait3A_858 = tpu.memref_slice %arg10[%dma_wait3A_855, %dma_wait3A_856, %dma_wait3A_857] : memref<16x1x32xf32, #tpu.memory_space<vmem>> -> memref<1x1x32xf32, #tpu.memory_space<vmem>>
      %dma_wait3A_859 = tpu.memref_squeeze %dma_wait3A_858 : memref<1x1x32xf32, #tpu.memory_space<vmem>> -> memref<1x32xf32, #tpu.memory_space<vmem>>
      %dma_wait3A_860 = arith.constant 0 : i32
      %dma_wait3A_861 = tpu.memref_slice %arg4[%squeeze3A_429, %dma_wait3A_860] : memref<1000000x32xf32, #tpu.memory_space<hbm>> -> memref<1x32xf32, #tpu.memory_space<hbm>>
      %dma_wait3A_862 = arith.constant 0 : i32
      %dma_wait3A_863 = arith.constant 0 : i32
      %dma_wait3A_864 = tpu.memref_slice %arg10[%dma_wait3A_855, %dma_wait3A_862, %dma_wait3A_863] : memref<16x1x32xf32, #tpu.memory_space<vmem>> -> memref<1x1x32xf32, #tpu.memory_space<vmem>>
      %dma_wait3A_865 = tpu.memref_squeeze %dma_wait3A_864 : memref<1x1x32xf32, #tpu.memory_space<vmem>> -> memref<1x32xf32, #tpu.memory_space<vmem>>
      %dma_wait3A_866 = arith.constant 0 : i32
      %dma_wait3A_867 = tpu.memref_slice %arg4[%squeeze3A_429, %dma_wait3A_866] : memref<1000000x32xf32, #tpu.memory_space<hbm>> -> memref<1x32xf32, #tpu.memory_space<hbm>>
      tpu.wait_dma2 semaphore(%arg14 : memref<!tpu.dma_semaphore, #tpu.memory_space<semaphore_mem>>) src(%dma_wait3A_867 : memref<1x32xf32, #tpu.memory_space<hbm>>) dst(%dma_wait3A_865 : memref<1x32xf32, #tpu.memory_space<vmem>>)
      %dma_wait3A_868 = arith.constant 13 : i32
      %dma_wait3A_869 = arith.constant 0 : i32
      %dma_wait3A_870 = arith.constant 0 : i32
      %dma_wait3A_871 = tpu.memref_slice %arg11[%dma_wait3A_868, %dma_wait3A_869, %dma_wait3A_870] : memref<16x1x32xf32, #tpu.memory_space<vmem>> -> memref<1x1x32xf32, #tpu.memory_space<vmem>>
      %dma_wait3A_872 = tpu.memref_squeeze %dma_wait3A_871 : memref<1x1x32xf32, #tpu.memory_space<vmem>> -> memref<1x32xf32, #tpu.memory_space<vmem>>
      %dma_wait3A_873 = arith.constant 0 : i32
      %dma_wait3A_874 = tpu.memref_slice %arg5[%squeeze3A_444, %dma_wait3A_873] : memref<1000000x32xf32, #tpu.memory_space<hbm>> -> memref<1x32xf32, #tpu.memory_space<hbm>>
      %dma_wait3A_875 = arith.constant 0 : i32
      %dma_wait3A_876 = arith.constant 0 : i32
      %dma_wait3A_877 = tpu.memref_slice %arg11[%dma_wait3A_868, %dma_wait3A_875, %dma_wait3A_876] : memref<16x1x32xf32, #tpu.memory_space<vmem>> -> memref<1x1x32xf32, #tpu.memory_space<vmem>>
      %dma_wait3A_878 = tpu.memref_squeeze %dma_wait3A_877 : memref<1x1x32xf32, #tpu.memory_space<vmem>> -> memref<1x32xf32, #tpu.memory_space<vmem>>
      %dma_wait3A_879 = arith.constant 0 : i32
      %dma_wait3A_880 = tpu.memref_slice %arg5[%squeeze3A_444, %dma_wait3A_879] : memref<1000000x32xf32, #tpu.memory_space<hbm>> -> memref<1x32xf32, #tpu.memory_space<hbm>>
      tpu.wait_dma2 semaphore(%arg15 : memref<!tpu.dma_semaphore, #tpu.memory_space<semaphore_mem>>) src(%dma_wait3A_880 : memref<1x32xf32, #tpu.memory_space<hbm>>) dst(%dma_wait3A_878 : memref<1x32xf32, #tpu.memory_space<vmem>>)
      %dma_wait3A_881 = arith.constant 14 : i32
      %dma_wait3A_882 = arith.constant 0 : i32
      %dma_wait3A_883 = arith.constant 0 : i32
      %dma_wait3A_884 = tpu.memref_slice %arg10[%dma_wait3A_881, %dma_wait3A_882, %dma_wait3A_883] : memref<16x1x32xf32, #tpu.memory_space<vmem>> -> memref<1x1x32xf32, #tpu.memory_space<vmem>>
      %dma_wait3A_885 = tpu.memref_squeeze %dma_wait3A_884 : memref<1x1x32xf32, #tpu.memory_space<vmem>> -> memref<1x32xf32, #tpu.memory_space<vmem>>
      %dma_wait3A_886 = arith.constant 0 : i32
      %dma_wait3A_887 = tpu.memref_slice %arg4[%squeeze3A_459, %dma_wait3A_886] : memref<1000000x32xf32, #tpu.memory_space<hbm>> -> memref<1x32xf32, #tpu.memory_space<hbm>>
      %dma_wait3A_888 = arith.constant 0 : i32
      %dma_wait3A_889 = arith.constant 0 : i32
      %dma_wait3A_890 = tpu.memref_slice %arg10[%dma_wait3A_881, %dma_wait3A_888, %dma_wait3A_889] : memref<16x1x32xf32, #tpu.memory_space<vmem>> -> memref<1x1x32xf32, #tpu.memory_space<vmem>>
      %dma_wait3A_891 = tpu.memref_squeeze %dma_wait3A_890 : memref<1x1x32xf32, #tpu.memory_space<vmem>> -> memref<1x32xf32, #tpu.memory_space<vmem>>
      %dma_wait3A_892 = arith.constant 0 : i32
      %dma_wait3A_893 = tpu.memref_slice %arg4[%squeeze3A_459, %dma_wait3A_892] : memref<1000000x32xf32, #tpu.memory_space<hbm>> -> memref<1x32xf32, #tpu.memory_space<hbm>>
      tpu.wait_dma2 semaphore(%arg14 : memref<!tpu.dma_semaphore, #tpu.memory_space<semaphore_mem>>) src(%dma_wait3A_893 : memref<1x32xf32, #tpu.memory_space<hbm>>) dst(%dma_wait3A_891 : memref<1x32xf32, #tpu.memory_space<vmem>>)
      %dma_wait3A_894 = arith.constant 14 : i32
      %dma_wait3A_895 = arith.constant 0 : i32
      %dma_wait3A_896 = arith.constant 0 : i32
      %dma_wait3A_897 = tpu.memref_slice %arg11[%dma_wait3A_894, %dma_wait3A_895, %dma_wait3A_896] : memref<16x1x32xf32, #tpu.memory_space<vmem>> -> memref<1x1x32xf32, #tpu.memory_space<vmem>>
      %dma_wait3A_898 = tpu.memref_squeeze %dma_wait3A_897 : memref<1x1x32xf32, #tpu.memory_space<vmem>> -> memref<1x32xf32, #tpu.memory_space<vmem>>
      %dma_wait3A_899 = arith.constant 0 : i32
      %dma_wait3A_900 = tpu.memref_slice %arg5[%squeeze3A_474, %dma_wait3A_899] : memref<1000000x32xf32, #tpu.memory_space<hbm>> -> memref<1x32xf32, #tpu.memory_space<hbm>>
      %dma_wait3A_901 = arith.constant 0 : i32
      %dma_wait3A_902 = arith.constant 0 : i32
      %dma_wait3A_903 = tpu.memref_slice %arg11[%dma_wait3A_894, %dma_wait3A_901, %dma_wait3A_902] : memref<16x1x32xf32, #tpu.memory_space<vmem>> -> memref<1x1x32xf32, #tpu.memory_space<vmem>>
      %dma_wait3A_904 = tpu.memref_squeeze %dma_wait3A_903 : memref<1x1x32xf32, #tpu.memory_space<vmem>> -> memref<1x32xf32, #tpu.memory_space<vmem>>
      %dma_wait3A_905 = arith.constant 0 : i32
      %dma_wait3A_906 = tpu.memref_slice %arg5[%squeeze3A_474, %dma_wait3A_905] : memref<1000000x32xf32, #tpu.memory_space<hbm>> -> memref<1x32xf32, #tpu.memory_space<hbm>>
      tpu.wait_dma2 semaphore(%arg15 : memref<!tpu.dma_semaphore, #tpu.memory_space<semaphore_mem>>) src(%dma_wait3A_906 : memref<1x32xf32, #tpu.memory_space<hbm>>) dst(%dma_wait3A_904 : memref<1x32xf32, #tpu.memory_space<vmem>>)
      %dma_wait3A_907 = arith.constant 15 : i32
      %dma_wait3A_908 = arith.constant 0 : i32
      %dma_wait3A_909 = arith.constant 0 : i32
      %dma_wait3A_910 = tpu.memref_slice %arg10[%dma_wait3A_907, %dma_wait3A_908, %dma_wait3A_909] : memref<16x1x32xf32, #tpu.memory_space<vmem>> -> memref<1x1x32xf32, #tpu.memory_space<vmem>>
      %dma_wait3A_911 = tpu.memref_squeeze %dma_wait3A_910 : memref<1x1x32xf32, #tpu.memory_space<vmem>> -> memref<1x32xf32, #tpu.memory_space<vmem>>
      %dma_wait3A_912 = arith.constant 0 : i32
      %dma_wait3A_913 = tpu.memref_slice %arg4[%squeeze3A_489, %dma_wait3A_912] : memref<1000000x32xf32, #tpu.memory_space<hbm>> -> memref<1x32xf32, #tpu.memory_space<hbm>>
      %dma_wait3A_914 = arith.constant 0 : i32
      %dma_wait3A_915 = arith.constant 0 : i32
      %dma_wait3A_916 = tpu.memref_slice %arg10[%dma_wait3A_907, %dma_wait3A_914, %dma_wait3A_915] : memref<16x1x32xf32, #tpu.memory_space<vmem>> -> memref<1x1x32xf32, #tpu.memory_space<vmem>>
      %dma_wait3A_917 = tpu.memref_squeeze %dma_wait3A_916 : memref<1x1x32xf32, #tpu.memory_space<vmem>> -> memref<1x32xf32, #tpu.memory_space<vmem>>
      %dma_wait3A_918 = arith.constant 0 : i32
      %dma_wait3A_919 = tpu.memref_slice %arg4[%squeeze3A_489, %dma_wait3A_918] : memref<1000000x32xf32, #tpu.memory_space<hbm>> -> memref<1x32xf32, #tpu.memory_space<hbm>>
      tpu.wait_dma2 semaphore(%arg14 : memref<!tpu.dma_semaphore, #tpu.memory_space<semaphore_mem>>) src(%dma_wait3A_919 : memref<1x32xf32, #tpu.memory_space<hbm>>) dst(%dma_wait3A_917 : memref<1x32xf32, #tpu.memory_space<vmem>>)
      %dma_wait3A_920 = arith.constant 15 : i32
      %dma_wait3A_921 = arith.constant 0 : i32
      %dma_wait3A_922 = arith.constant 0 : i32
      %dma_wait3A_923 = tpu.memref_slice %arg11[%dma_wait3A_920, %dma_wait3A_921, %dma_wait3A_922] : memref<16x1x32xf32, #tpu.memory_space<vmem>> -> memref<1x1x32xf32, #tpu.memory_space<vmem>>
      %dma_wait3A_924 = tpu.memref_squeeze %dma_wait3A_923 : memref<1x1x32xf32, #tpu.memory_space<vmem>> -> memref<1x32xf32, #tpu.memory_space<vmem>>
      %dma_wait3A_925 = arith.constant 0 : i32
      %dma_wait3A_926 = tpu.memref_slice %arg5[%squeeze3A_504, %dma_wait3A_925] : memref<1000000x32xf32, #tpu.memory_space<hbm>> -> memref<1x32xf32, #tpu.memory_space<hbm>>
      %dma_wait3A_927 = arith.constant 0 : i32
      %dma_wait3A_928 = arith.constant 0 : i32
      %dma_wait3A_929 = tpu.memref_slice %arg11[%dma_wait3A_920, %dma_wait3A_927, %dma_wait3A_928] : memref<16x1x32xf32, #tpu.memory_space<vmem>> -> memref<1x1x32xf32, #tpu.memory_space<vmem>>
      %dma_wait3A_930 = tpu.memref_squeeze %dma_wait3A_929 : memref<1x1x32xf32, #tpu.memory_space<vmem>> -> memref<1x32xf32, #tpu.memory_space<vmem>>
      %dma_wait3A_931 = arith.constant 0 : i32
      %dma_wait3A_932 = tpu.memref_slice %arg5[%squeeze3A_504, %dma_wait3A_931] : memref<1000000x32xf32, #tpu.memory_space<hbm>> -> memref<1x32xf32, #tpu.memory_space<hbm>>
      tpu.wait_dma2 semaphore(%arg15 : memref<!tpu.dma_semaphore, #tpu.memory_space<semaphore_mem>>) src(%dma_wait3A_932 : memref<1x32xf32, #tpu.memory_space<hbm>>) dst(%dma_wait3A_930 : memref<1x32xf32, #tpu.memory_space<vmem>>)
      %add3A_933 = arith.constant 0 : i32
      %add3A_934 = arith.addi %mul3A_35, %add3A_933 : i32
      %get3A_935 = arith.constant 0 : i32
      %get3A_936 = arith.constant 0 : i32
      %get3A_937 = arith.index_cast %get3A_935 : i32 to index
      %get3A_938 = arith.index_cast %get3A_936 : i32 to index
      %get3A_939 = arith.constant 0 : index
      %get3A_940 = tpu.vector_load %arg10[%get3A_937, %get3A_938, %get3A_939] {strides = array<i32>} : memref<16x1x32xf32, #tpu.memory_space<vmem>>, vector<1x1x16xf32>,
      %get3A_941 = vector.shape_cast %get3A_940 : vector<1x1x16xf32> to vector<16xf32>
      %get3A_942 = arith.constant 0 : i32
      %get3A_943 = arith.constant 0 : i32
      %get3A_944 = arith.index_cast %get3A_942 : i32 to index
      %get3A_945 = arith.index_cast %get3A_943 : i32 to index
      %get3A_946 = arith.constant 16 : index
      %get3A_947 = tpu.vector_load %arg10[%get3A_944, %get3A_945, %get3A_946] {strides = array<i32>} : memref<16x1x32xf32, #tpu.memory_space<vmem>>, vector<1x1x16xf32>,
      %get3A_948 = vector.shape_cast %get3A_947 : vector<1x1x16xf32> to vector<16xf32>
      %get3A_949 = arith.constant 0 : i32
      %get3A_950 = arith.constant 0 : i32
      %get3A_951 = arith.index_cast %get3A_949 : i32 to index
      %get3A_952 = arith.index_cast %get3A_950 : i32 to index
      %get3A_953 = arith.constant 0 : index
      %get3A_954 = tpu.vector_load %arg11[%get3A_951, %get3A_952, %get3A_953] {strides = array<i32>} : memref<16x1x32xf32, #tpu.memory_space<vmem>>, vector<1x1x16xf32>,
      %get3A_955 = vector.shape_cast %get3A_954 : vector<1x1x16xf32> to vector<16xf32>
      %get3A_956 = arith.constant 0 : i32
      %get3A_957 = arith.constant 0 : i32
      %get3A_958 = arith.index_cast %get3A_956 : i32 to index
      %get3A_959 = arith.index_cast %get3A_957 : i32 to index
      %get3A_960 = arith.constant 16 : index
      %get3A_961 = tpu.vector_load %arg11[%get3A_958, %get3A_959, %get3A_960] {strides = array<i32>} : memref<16x1x32xf32, #tpu.memory_space<vmem>>, vector<1x1x16xf32>,
      %get3A_962 = vector.shape_cast %get3A_961 : vector<1x1x16xf32> to vector<16xf32>
      %mul3A_963 = arith.mulf %get3A_941, %get3A_955 : vector<16xf32>
      %mul3A_964 = arith.mulf %get3A_948, %get3A_962 : vector<16xf32>
      %mul3A_965 = arith.constant 32 : i32
      %mul3A_966 = arith.muli %add3A_934, %mul3A_965 : i32
      %swap3A = arith.index_cast %mul3A_966 : i32 to index
      %swap3A_967 = tpu.vector_load %arg12[%swap3A] {strides = array<i32>} : memref<16384xf32, #tpu.memory_space<vmem>>, vector<16xf32>,
      %swap3A_968 = vector.shape_cast %swap3A_967 : vector<16xf32> to vector<16xf32>
      %swap3A_969 = vector.shape_cast %mul3A_963 : vector<16xf32> to vector<16xf32>
      tpu.vector_store %arg12[%swap3A], %swap3A_969 {strides = array<i32>} : memref<16384xf32, #tpu.memory_space<vmem>>, vector<16xf32>,
      %mul3A_970 = arith.constant 32 : i32
      %mul3A_971 = arith.muli %add3A_934, %mul3A_970 : i32
      %add3A_972 = arith.constant 16 : i32
      %add3A_973 = arith.addi %mul3A_971, %add3A_972 : i32
      %swap3A_974 = arith.index_cast %add3A_973 : i32 to index
      %swap3A_975 = tpu.vector_load %arg12[%swap3A_974] {strides = array<i32>} : memref<16384xf32, #tpu.memory_space<vmem>>, vector<16xf32>,
      %swap3A_976 = vector.shape_cast %swap3A_975 : vector<16xf32> to vector<16xf32>
      %swap3A_977 = vector.shape_cast %mul3A_964 : vector<16xf32> to vector<16xf32>
      tpu.vector_store %arg12[%swap3A_974], %swap3A_977 {strides = array<i32>} : memref<16384xf32, #tpu.memory_space<vmem>>, vector<16xf32>,
      %add3A_978 = arith.addf %mul3A_963, %mul3A_964 : vector<16xf32>
      %add3A_979 = arith.constant 1 : i32
      %add3A_980 = arith.addi %mul3A_35, %add3A_979 : i32
      %get3A_981 = arith.constant 1 : i32
      %get3A_982 = arith.constant 0 : i32
      %get3A_983 = arith.index_cast %get3A_981 : i32 to index
      %get3A_984 = arith.index_cast %get3A_982 : i32 to index
      %get3A_985 = arith.constant 0 : index
      %get3A_986 = tpu.vector_load %arg10[%get3A_983, %get3A_984, %get3A_985] {strides = array<i32>} : memref<16x1x32xf32, #tpu.memory_space<vmem>>, vector<1x1x16xf32>,
      %get3A_987 = vector.shape_cast %get3A_986 : vector<1x1x16xf32> to vector<16xf32>
      %get3A_988 = arith.constant 1 : i32
      %get3A_989 = arith.constant 0 : i32
      %get3A_990 = arith.index_cast %get3A_988 : i32 to index
      %get3A_991 = arith.index_cast %get3A_989 : i32 to index
      %get3A_992 = arith.constant 16 : index
      %get3A_993 = tpu.vector_load %arg10[%get3A_990, %get3A_991, %get3A_992] {strides = array<i32>} : memref<16x1x32xf32, #tpu.memory_space<vmem>>, vector<1x1x16xf32>,
      %get3A_994 = vector.shape_cast %get3A_993 : vector<1x1x16xf32> to vector<16xf32>
      %get3A_995 = arith.constant 1 : i32
      %get3A_996 = arith.constant 0 : i32
      %get3A_997 = arith.index_cast %get3A_995 : i32 to index
      %get3A_998 = arith.index_cast %get3A_996 : i32 to index
      %get3A_999 = arith.constant 0 : index
      %get3A_1000 = tpu.vector_load %arg11[%get3A_997, %get3A_998, %get3A_999] {strides = array<i32>} : memref<16x1x32xf32, #tpu.memory_space<vmem>>, vector<1x1x16xf32>,
      %get3A_1001 = vector.shape_cast %get3A_1000 : vector<1x1x16xf32> to vector<16xf32>
      %get3A_1002 = arith.constant 1 : i32
      %get3A_1003 = arith.constant 0 : i32
      %get3A_1004 = arith.index_cast %get3A_1002 : i32 to index
      %get3A_1005 = arith.index_cast %get3A_1003 : i32 to index
      %get3A_1006 = arith.constant 16 : index
      %get3A_1007 = tpu.vector_load %arg11[%get3A_1004, %get3A_1005, %get3A_1006] {strides = array<i32>} : memref<16x1x32xf32, #tpu.memory_space<vmem>>, vector<1x1x16xf32>,
      %get3A_1008 = vector.shape_cast %get3A_1007 : vector<1x1x16xf32> to vector<16xf32>
      %mul3A_1009 = arith.mulf %get3A_987, %get3A_1001 : vector<16xf32>
      %mul3A_1010 = arith.mulf %get3A_994, %get3A_1008 : vector<16xf32>
      %mul3A_1011 = arith.constant 32 : i32
      %mul3A_1012 = arith.muli %add3A_980, %mul3A_1011 : i32
      %swap3A_1013 = arith.index_cast %mul3A_1012 : i32 to index
      %swap3A_1014 = tpu.vector_load %arg12[%swap3A_1013] {strides = array<i32>} : memref<16384xf32, #tpu.memory_space<vmem>>, vector<16xf32>,
      %swap3A_1015 = vector.shape_cast %swap3A_1014 : vector<16xf32> to vector<16xf32>
      %swap3A_1016 = vector.shape_cast %mul3A_1009 : vector<16xf32> to vector<16xf32>
      tpu.vector_store %arg12[%swap3A_1013], %swap3A_1016 {strides = array<i32>} : memref<16384xf32, #tpu.memory_space<vmem>>, vector<16xf32>,
      %mul3A_1017 = arith.constant 32 : i32
      %mul3A_1018 = arith.muli %add3A_980, %mul3A_1017 : i32
      %add3A_1019 = arith.constant 16 : i32
      %add3A_1020 = arith.addi %mul3A_1018, %add3A_1019 : i32
      %swap3A_1021 = arith.index_cast %add3A_1020 : i32 to index
      %swap3A_1022 = tpu.vector_load %arg12[%swap3A_1021] {strides = array<i32>} : memref<16384xf32, #tpu.memory_space<vmem>>, vector<16xf32>,
      %swap3A_1023 = vector.shape_cast %swap3A_1022 : vector<16xf32> to vector<16xf32>
      %swap3A_1024 = vector.shape_cast %mul3A_1010 : vector<16xf32> to vector<16xf32>
      tpu.vector_store %arg12[%swap3A_1021], %swap3A_1024 {strides = array<i32>} : memref<16384xf32, #tpu.memory_space<vmem>>, vector<16xf32>,
      %add3A_1025 = arith.addf %mul3A_1009, %mul3A_1010 : vector<16xf32>
      %add3A_1026 = arith.constant 2 : i32
      %add3A_1027 = arith.addi %mul3A_35, %add3A_1026 : i32
      %get3A_1028 = arith.constant 2 : i32
      %get3A_1029 = arith.constant 0 : i32
      %get3A_1030 = arith.index_cast %get3A_1028 : i32 to index
      %get3A_1031 = arith.index_cast %get3A_1029 : i32 to index
      %get3A_1032 = arith.constant 0 : index
      %get3A_1033 = tpu.vector_load %arg10[%get3A_1030, %get3A_1031, %get3A_1032] {strides = array<i32>} : memref<16x1x32xf32, #tpu.memory_space<vmem>>, vector<1x1x16xf32>,
      %get3A_1034 = vector.shape_cast %get3A_1033 : vector<1x1x16xf32> to vector<16xf32>
      %get3A_1035 = arith.constant 2 : i32
      %get3A_1036 = arith.constant 0 : i32
      %get3A_1037 = arith.index_cast %get3A_1035 : i32 to index
      %get3A_1038 = arith.index_cast %get3A_1036 : i32 to index
      %get3A_1039 = arith.constant 16 : index
      %get3A_1040 = tpu.vector_load %arg10[%get3A_1037, %get3A_1038, %get3A_1039] {strides = array<i32>} : memref<16x1x32xf32, #tpu.memory_space<vmem>>, vector<1x1x16xf32>,
      %get3A_1041 = vector.shape_cast %get3A_1040 : vector<1x1x16xf32> to vector<16xf32>
      %get3A_1042 = arith.constant 2 : i32
      %get3A_1043 = arith.constant 0 : i32
      %get3A_1044 = arith.index_cast %get3A_1042 : i32 to index
      %get3A_1045 = arith.index_cast %get3A_1043 : i32 to index
      %get3A_1046 = arith.constant 0 : index
      %get3A_1047 = tpu.vector_load %arg11[%get3A_1044, %get3A_1045, %get3A_1046] {strides = array<i32>} : memref<16x1x32xf32, #tpu.memory_space<vmem>>, vector<1x1x16xf32>,
      %get3A_1048 = vector.shape_cast %get3A_1047 : vector<1x1x16xf32> to vector<16xf32>
      %get3A_1049 = arith.constant 2 : i32
      %get3A_1050 = arith.constant 0 : i32
      %get3A_1051 = arith.index_cast %get3A_1049 : i32 to index
      %get3A_1052 = arith.index_cast %get3A_1050 : i32 to index
      %get3A_1053 = arith.constant 16 : index
      %get3A_1054 = tpu.vector_load %arg11[%get3A_1051, %get3A_1052, %get3A_1053] {strides = array<i32>} : memref<16x1x32xf32, #tpu.memory_space<vmem>>, vector<1x1x16xf32>,
      %get3A_1055 = vector.shape_cast %get3A_1054 : vector<1x1x16xf32> to vector<16xf32>
      %mul3A_1056 = arith.mulf %get3A_1034, %get3A_1048 : vector<16xf32>
      %mul3A_1057 = arith.mulf %get3A_1041, %get3A_1055 : vector<16xf32>
      %mul3A_1058 = arith.constant 32 : i32
      %mul3A_1059 = arith.muli %add3A_1027, %mul3A_1058 : i32
      %swap3A_1060 = arith.index_cast %mul3A_1059 : i32 to index
      %swap3A_1061 = tpu.vector_load %arg12[%swap3A_1060] {strides = array<i32>} : memref<16384xf32, #tpu.memory_space<vmem>>, vector<16xf32>,
      %swap3A_1062 = vector.shape_cast %swap3A_1061 : vector<16xf32> to vector<16xf32>
      %swap3A_1063 = vector.shape_cast %mul3A_1056 : vector<16xf32> to vector<16xf32>
      tpu.vector_store %arg12[%swap3A_1060], %swap3A_1063 {strides = array<i32>} : memref<16384xf32, #tpu.memory_space<vmem>>, vector<16xf32>,
      %mul3A_1064 = arith.constant 32 : i32
      %mul3A_1065 = arith.muli %add3A_1027, %mul3A_1064 : i32
      %add3A_1066 = arith.constant 16 : i32
      %add3A_1067 = arith.addi %mul3A_1065, %add3A_1066 : i32
      %swap3A_1068 = arith.index_cast %add3A_1067 : i32 to index
      %swap3A_1069 = tpu.vector_load %arg12[%swap3A_1068] {strides = array<i32>} : memref<16384xf32, #tpu.memory_space<vmem>>, vector<16xf32>,
      %swap3A_1070 = vector.shape_cast %swap3A_1069 : vector<16xf32> to vector<16xf32>
      %swap3A_1071 = vector.shape_cast %mul3A_1057 : vector<16xf32> to vector<16xf32>
      tpu.vector_store %arg12[%swap3A_1068], %swap3A_1071 {strides = array<i32>} : memref<16384xf32, #tpu.memory_space<vmem>>, vector<16xf32>,
      %add3A_1072 = arith.addf %mul3A_1056, %mul3A_1057 : vector<16xf32>
      %add3A_1073 = arith.constant 3 : i32
      %add3A_1074 = arith.addi %mul3A_35, %add3A_1073 : i32
      %get3A_1075 = arith.constant 3 : i32
      %get3A_1076 = arith.constant 0 : i32
      %get3A_1077 = arith.index_cast %get3A_1075 : i32 to index
      %get3A_1078 = arith.index_cast %get3A_1076 : i32 to index
      %get3A_1079 = arith.constant 0 : index
      %get3A_1080 = tpu.vector_load %arg10[%get3A_1077, %get3A_1078, %get3A_1079] {strides = array<i32>} : memref<16x1x32xf32, #tpu.memory_space<vmem>>, vector<1x1x16xf32>,
      %get3A_1081 = vector.shape_cast %get3A_1080 : vector<1x1x16xf32> to vector<16xf32>
      %get3A_1082 = arith.constant 3 : i32
      %get3A_1083 = arith.constant 0 : i32
      %get3A_1084 = arith.index_cast %get3A_1082 : i32 to index
      %get3A_1085 = arith.index_cast %get3A_1083 : i32 to index
      %get3A_1086 = arith.constant 16 : index
      %get3A_1087 = tpu.vector_load %arg10[%get3A_1084, %get3A_1085, %get3A_1086] {strides = array<i32>} : memref<16x1x32xf32, #tpu.memory_space<vmem>>, vector<1x1x16xf32>,
      %get3A_1088 = vector.shape_cast %get3A_1087 : vector<1x1x16xf32> to vector<16xf32>
      %get3A_1089 = arith.constant 3 : i32
      %get3A_1090 = arith.constant 0 : i32
      %get3A_1091 = arith.index_cast %get3A_1089 : i32 to index
      %get3A_1092 = arith.index_cast %get3A_1090 : i32 to index
      %get3A_1093 = arith.constant 0 : index
      %get3A_1094 = tpu.vector_load %arg11[%get3A_1091, %get3A_1092, %get3A_1093] {strides = array<i32>} : memref<16x1x32xf32, #tpu.memory_space<vmem>>, vector<1x1x16xf32>,
      %get3A_1095 = vector.shape_cast %get3A_1094 : vector<1x1x16xf32> to vector<16xf32>
      %get3A_1096 = arith.constant 3 : i32
      %get3A_1097 = arith.constant 0 : i32
      %get3A_1098 = arith.index_cast %get3A_1096 : i32 to index
      %get3A_1099 = arith.index_cast %get3A_1097 : i32 to index
      %get3A_1100 = arith.constant 16 : index
      %get3A_1101 = tpu.vector_load %arg11[%get3A_1098, %get3A_1099, %get3A_1100] {strides = array<i32>} : memref<16x1x32xf32, #tpu.memory_space<vmem>>, vector<1x1x16xf32>,
      %get3A_1102 = vector.shape_cast %get3A_1101 : vector<1x1x16xf32> to vector<16xf32>
      %mul3A_1103 = arith.mulf %get3A_1081, %get3A_1095 : vector<16xf32>
      %mul3A_1104 = arith.mulf %get3A_1088, %get3A_1102 : vector<16xf32>
      %mul3A_1105 = arith.constant 32 : i32
      %mul3A_1106 = arith.muli %add3A_1074, %mul3A_1105 : i32
      %swap3A_1107 = arith.index_cast %mul3A_1106 : i32 to index
      %swap3A_1108 = tpu.vector_load %arg12[%swap3A_1107] {strides = array<i32>} : memref<16384xf32, #tpu.memory_space<vmem>>, vector<16xf32>,
      %swap3A_1109 = vector.shape_cast %swap3A_1108 : vector<16xf32> to vector<16xf32>
      %swap3A_1110 = vector.shape_cast %mul3A_1103 : vector<16xf32> to vector<16xf32>
      tpu.vector_store %arg12[%swap3A_1107], %swap3A_1110 {strides = array<i32>} : memref<16384xf32, #tpu.memory_space<vmem>>, vector<16xf32>,
      %mul3A_1111 = arith.constant 32 : i32
      %mul3A_1112 = arith.muli %add3A_1074, %mul3A_1111 : i32
      %add3A_1113 = arith.constant 16 : i32
      %add3A_1114 = arith.addi %mul3A_1112, %add3A_1113 : i32
      %swap3A_1115 = arith.index_cast %add3A_1114 : i32 to index
      %swap3A_1116 = tpu.vector_load %arg12[%swap3A_1115] {strides = array<i32>} : memref<16384xf32, #tpu.memory_space<vmem>>, vector<16xf32>,
      %swap3A_1117 = vector.shape_cast %swap3A_1116 : vector<16xf32> to vector<16xf32>
      %swap3A_1118 = vector.shape_cast %mul3A_1104 : vector<16xf32> to vector<16xf32>
      tpu.vector_store %arg12[%swap3A_1115], %swap3A_1118 {strides = array<i32>} : memref<16384xf32, #tpu.memory_space<vmem>>, vector<16xf32>,
      %add3A_1119 = arith.addf %mul3A_1103, %mul3A_1104 : vector<16xf32>
      %add3A_1120 = arith.constant 4 : i32
      %add3A_1121 = arith.addi %mul3A_35, %add3A_1120 : i32
      %get3A_1122 = arith.constant 4 : i32
      %get3A_1123 = arith.constant 0 : i32
      %get3A_1124 = arith.index_cast %get3A_1122 : i32 to index
      %get3A_1125 = arith.index_cast %get3A_1123 : i32 to index
      %get3A_1126 = arith.constant 0 : index
      %get3A_1127 = tpu.vector_load %arg10[%get3A_1124, %get3A_1125, %get3A_1126] {strides = array<i32>} : memref<16x1x32xf32, #tpu.memory_space<vmem>>, vector<1x1x16xf32>,
      %get3A_1128 = vector.shape_cast %get3A_1127 : vector<1x1x16xf32> to vector<16xf32>
      %get3A_1129 = arith.constant 4 : i32
      %get3A_1130 = arith.constant 0 : i32
      %get3A_1131 = arith.index_cast %get3A_1129 : i32 to index
      %get3A_1132 = arith.index_cast %get3A_1130 : i32 to index
      %get3A_1133 = arith.constant 16 : index
      %get3A_1134 = tpu.vector_load %arg10[%get3A_1131, %get3A_1132, %get3A_1133] {strides = array<i32>} : memref<16x1x32xf32, #tpu.memory_space<vmem>>, vector<1x1x16xf32>,
      %get3A_1135 = vector.shape_cast %get3A_1134 : vector<1x1x16xf32> to vector<16xf32>
      %get3A_1136 = arith.constant 4 : i32
      %get3A_1137 = arith.constant 0 : i32
      %get3A_1138 = arith.index_cast %get3A_1136 : i32 to index
      %get3A_1139 = arith.index_cast %get3A_1137 : i32 to index
      %get3A_1140 = arith.constant 0 : index
      %get3A_1141 = tpu.vector_load %arg11[%get3A_1138, %get3A_1139, %get3A_1140] {strides = array<i32>} : memref<16x1x32xf32, #tpu.memory_space<vmem>>, vector<1x1x16xf32>,
      %get3A_1142 = vector.shape_cast %get3A_1141 : vector<1x1x16xf32> to vector<16xf32>
      %get3A_1143 = arith.constant 4 : i32
      %get3A_1144 = arith.constant 0 : i32
      %get3A_1145 = arith.index_cast %get3A_1143 : i32 to index
      %get3A_1146 = arith.index_cast %get3A_1144 : i32 to index
      %get3A_1147 = arith.constant 16 : index
      %get3A_1148 = tpu.vector_load %arg11[%get3A_1145, %get3A_1146, %get3A_1147] {strides = array<i32>} : memref<16x1x32xf32, #tpu.memory_space<vmem>>, vector<1x1x16xf32>,
      %get3A_1149 = vector.shape_cast %get3A_1148 : vector<1x1x16xf32> to vector<16xf32>
      %mul3A_1150 = arith.mulf %get3A_1128, %get3A_1142 : vector<16xf32>
      %mul3A_1151 = arith.mulf %get3A_1135, %get3A_1149 : vector<16xf32>
      %mul3A_1152 = arith.constant 32 : i32
      %mul3A_1153 = arith.muli %add3A_1121, %mul3A_1152 : i32
      %swap3A_1154 = arith.index_cast %mul3A_1153 : i32 to index
      %swap3A_1155 = tpu.vector_load %arg12[%swap3A_1154] {strides = array<i32>} : memref<16384xf32, #tpu.memory_space<vmem>>, vector<16xf32>,
      %swap3A_1156 = vector.shape_cast %swap3A_1155 : vector<16xf32> to vector<16xf32>
      %swap3A_1157 = vector.shape_cast %mul3A_1150 : vector<16xf32> to vector<16xf32>
      tpu.vector_store %arg12[%swap3A_1154], %swap3A_1157 {strides = array<i32>} : memref<16384xf32, #tpu.memory_space<vmem>>, vector<16xf32>,
      %mul3A_1158 = arith.constant 32 : i32
      %mul3A_1159 = arith.muli %add3A_1121, %mul3A_1158 : i32
      %add3A_1160 = arith.constant 16 : i32
      %add3A_1161 = arith.addi %mul3A_1159, %add3A_1160 : i32
      %swap3A_1162 = arith.index_cast %add3A_1161 : i32 to index
      %swap3A_1163 = tpu.vector_load %arg12[%swap3A_1162] {strides = array<i32>} : memref<16384xf32, #tpu.memory_space<vmem>>, vector<16xf32>,
      %swap3A_1164 = vector.shape_cast %swap3A_1163 : vector<16xf32> to vector<16xf32>
      %swap3A_1165 = vector.shape_cast %mul3A_1151 : vector<16xf32> to vector<16xf32>
      tpu.vector_store %arg12[%swap3A_1162], %swap3A_1165 {strides = array<i32>} : memref<16384xf32, #tpu.memory_space<vmem>>, vector<16xf32>,
      %add3A_1166 = arith.addf %mul3A_1150, %mul3A_1151 : vector<16xf32>
      %add3A_1167 = arith.constant 5 : i32
      %add3A_1168 = arith.addi %mul3A_35, %add3A_1167 : i32
      %get3A_1169 = arith.constant 5 : i32
      %get3A_1170 = arith.constant 0 : i32
      %get3A_1171 = arith.index_cast %get3A_1169 : i32 to index
      %get3A_1172 = arith.index_cast %get3A_1170 : i32 to index
      %get3A_1173 = arith.constant 0 : index
      %get3A_1174 = tpu.vector_load %arg10[%get3A_1171, %get3A_1172, %get3A_1173] {strides = array<i32>} : memref<16x1x32xf32, #tpu.memory_space<vmem>>, vector<1x1x16xf32>,
      %get3A_1175 = vector.shape_cast %get3A_1174 : vector<1x1x16xf32> to vector<16xf32>
      %get3A_1176 = arith.constant 5 : i32
      %get3A_1177 = arith.constant 0 : i32
      %get3A_1178 = arith.index_cast %get3A_1176 : i32 to index
      %get3A_1179 = arith.index_cast %get3A_1177 : i32 to index
      %get3A_1180 = arith.constant 16 : index
      %get3A_1181 = tpu.vector_load %arg10[%get3A_1178, %get3A_1179, %get3A_1180] {strides = array<i32>} : memref<16x1x32xf32, #tpu.memory_space<vmem>>, vector<1x1x16xf32>,
      %get3A_1182 = vector.shape_cast %get3A_1181 : vector<1x1x16xf32> to vector<16xf32>
      %get3A_1183 = arith.constant 5 : i32
      %get3A_1184 = arith.constant 0 : i32
      %get3A_1185 = arith.index_cast %get3A_1183 : i32 to index
      %get3A_1186 = arith.index_cast %get3A_1184 : i32 to index
      %get3A_1187 = arith.constant 0 : index
      %get3A_1188 = tpu.vector_load %arg11[%get3A_1185, %get3A_1186, %get3A_1187] {strides = array<i32>} : memref<16x1x32xf32, #tpu.memory_space<vmem>>, vector<1x1x16xf32>,
      %get3A_1189 = vector.shape_cast %get3A_1188 : vector<1x1x16xf32> to vector<16xf32>
      %get3A_1190 = arith.constant 5 : i32
      %get3A_1191 = arith.constant 0 : i32
      %get3A_1192 = arith.index_cast %get3A_1190 : i32 to index
      %get3A_1193 = arith.index_cast %get3A_1191 : i32 to index
      %get3A_1194 = arith.constant 16 : index
      %get3A_1195 = tpu.vector_load %arg11[%get3A_1192, %get3A_1193, %get3A_1194] {strides = array<i32>} : memref<16x1x32xf32, #tpu.memory_space<vmem>>, vector<1x1x16xf32>,
      %get3A_1196 = vector.shape_cast %get3A_1195 : vector<1x1x16xf32> to vector<16xf32>
      %mul3A_1197 = arith.mulf %get3A_1175, %get3A_1189 : vector<16xf32>
      %mul3A_1198 = arith.mulf %get3A_1182, %get3A_1196 : vector<16xf32>
      %mul3A_1199 = arith.constant 32 : i32
      %mul3A_1200 = arith.muli %add3A_1168, %mul3A_1199 : i32
      %swap3A_1201 = arith.index_cast %mul3A_1200 : i32 to index
      %swap3A_1202 = tpu.vector_load %arg12[%swap3A_1201] {strides = array<i32>} : memref<16384xf32, #tpu.memory_space<vmem>>, vector<16xf32>,
      %swap3A_1203 = vector.shape_cast %swap3A_1202 : vector<16xf32> to vector<16xf32>
      %swap3A_1204 = vector.shape_cast %mul3A_1197 : vector<16xf32> to vector<16xf32>
      tpu.vector_store %arg12[%swap3A_1201], %swap3A_1204 {strides = array<i32>} : memref<16384xf32, #tpu.memory_space<vmem>>, vector<16xf32>,
      %mul3A_1205 = arith.constant 32 : i32
      %mul3A_1206 = arith.muli %add3A_1168, %mul3A_1205 : i32
      %add3A_1207 = arith.constant 16 : i32
      %add3A_1208 = arith.addi %mul3A_1206, %add3A_1207 : i32
      %swap3A_1209 = arith.index_cast %add3A_1208 : i32 to index
      %swap3A_1210 = tpu.vector_load %arg12[%swap3A_1209] {strides = array<i32>} : memref<16384xf32, #tpu.memory_space<vmem>>, vector<16xf32>,
      %swap3A_1211 = vector.shape_cast %swap3A_1210 : vector<16xf32> to vector<16xf32>
      %swap3A_1212 = vector.shape_cast %mul3A_1198 : vector<16xf32> to vector<16xf32>
      tpu.vector_store %arg12[%swap3A_1209], %swap3A_1212 {strides = array<i32>} : memref<16384xf32, #tpu.memory_space<vmem>>, vector<16xf32>,
      %add3A_1213 = arith.addf %mul3A_1197, %mul3A_1198 : vector<16xf32>
      %add3A_1214 = arith.constant 6 : i32
      %add3A_1215 = arith.addi %mul3A_35, %add3A_1214 : i32
      %get3A_1216 = arith.constant 6 : i32
      %get3A_1217 = arith.constant 0 : i32
      %get3A_1218 = arith.index_cast %get3A_1216 : i32 to index
      %get3A_1219 = arith.index_cast %get3A_1217 : i32 to index
      %get3A_1220 = arith.constant 0 : index
      %get3A_1221 = tpu.vector_load %arg10[%get3A_1218, %get3A_1219, %get3A_1220] {strides = array<i32>} : memref<16x1x32xf32, #tpu.memory_space<vmem>>, vector<1x1x16xf32>,
      %get3A_1222 = vector.shape_cast %get3A_1221 : vector<1x1x16xf32> to vector<16xf32>
      %get3A_1223 = arith.constant 6 : i32
      %get3A_1224 = arith.constant 0 : i32
      %get3A_1225 = arith.index_cast %get3A_1223 : i32 to index
      %get3A_1226 = arith.index_cast %get3A_1224 : i32 to index
      %get3A_1227 = arith.constant 16 : index
      %get3A_1228 = tpu.vector_load %arg10[%get3A_1225, %get3A_1226, %get3A_1227] {strides = array<i32>} : memref<16x1x32xf32, #tpu.memory_space<vmem>>, vector<1x1x16xf32>,
      %get3A_1229 = vector.shape_cast %get3A_1228 : vector<1x1x16xf32> to vector<16xf32>
      %get3A_1230 = arith.constant 6 : i32
      %get3A_1231 = arith.constant 0 : i32
      %get3A_1232 = arith.index_cast %get3A_1230 : i32 to index
      %get3A_1233 = arith.index_cast %get3A_1231 : i32 to index
      %get3A_1234 = arith.constant 0 : index
      %get3A_1235 = tpu.vector_load %arg11[%get3A_1232, %get3A_1233, %get3A_1234] {strides = array<i32>} : memref<16x1x32xf32, #tpu.memory_space<vmem>>, vector<1x1x16xf32>,
      %get3A_1236 = vector.shape_cast %get3A_1235 : vector<1x1x16xf32> to vector<16xf32>
      %get3A_1237 = arith.constant 6 : i32
      %get3A_1238 = arith.constant 0 : i32
      %get3A_1239 = arith.index_cast %get3A_1237 : i32 to index
      %get3A_1240 = arith.index_cast %get3A_1238 : i32 to index
      %get3A_1241 = arith.constant 16 : index
      %get3A_1242 = tpu.vector_load %arg11[%get3A_1239, %get3A_1240, %get3A_1241] {strides = array<i32>} : memref<16x1x32xf32, #tpu.memory_space<vmem>>, vector<1x1x16xf32>,
      %get3A_1243 = vector.shape_cast %get3A_1242 : vector<1x1x16xf32> to vector<16xf32>
      %mul3A_1244 = arith.mulf %get3A_1222, %get3A_1236 : vector<16xf32>
      %mul3A_1245 = arith.mulf %get3A_1229, %get3A_1243 : vector<16xf32>
      %mul3A_1246 = arith.constant 32 : i32
      %mul3A_1247 = arith.muli %add3A_1215, %mul3A_1246 : i32
      %swap3A_1248 = arith.index_cast %mul3A_1247 : i32 to index
      %swap3A_1249 = tpu.vector_load %arg12[%swap3A_1248] {strides = array<i32>} : memref<16384xf32, #tpu.memory_space<vmem>>, vector<16xf32>,
      %swap3A_1250 = vector.shape_cast %swap3A_1249 : vector<16xf32> to vector<16xf32>
      %swap3A_1251 = vector.shape_cast %mul3A_1244 : vector<16xf32> to vector<16xf32>
      tpu.vector_store %arg12[%swap3A_1248], %swap3A_1251 {strides = array<i32>} : memref<16384xf32, #tpu.memory_space<vmem>>, vector<16xf32>,
      %mul3A_1252 = arith.constant 32 : i32
      %mul3A_1253 = arith.muli %add3A_1215, %mul3A_1252 : i32
      %add3A_1254 = arith.constant 16 : i32
      %add3A_1255 = arith.addi %mul3A_1253, %add3A_1254 : i32
      %swap3A_1256 = arith.index_cast %add3A_1255 : i32 to index
      %swap3A_1257 = tpu.vector_load %arg12[%swap3A_1256] {strides = array<i32>} : memref<16384xf32, #tpu.memory_space<vmem>>, vector<16xf32>,
      %swap3A_1258 = vector.shape_cast %swap3A_1257 : vector<16xf32> to vector<16xf32>
      %swap3A_1259 = vector.shape_cast %mul3A_1245 : vector<16xf32> to vector<16xf32>
      tpu.vector_store %arg12[%swap3A_1256], %swap3A_1259 {strides = array<i32>} : memref<16384xf32, #tpu.memory_space<vmem>>, vector<16xf32>,
      %add3A_1260 = arith.addf %mul3A_1244, %mul3A_1245 : vector<16xf32>
      %add3A_1261 = arith.constant 7 : i32
      %add3A_1262 = arith.addi %mul3A_35, %add3A_1261 : i32
      %get3A_1263 = arith.constant 7 : i32
      %get3A_1264 = arith.constant 0 : i32
      %get3A_1265 = arith.index_cast %get3A_1263 : i32 to index
      %get3A_1266 = arith.index_cast %get3A_1264 : i32 to index
      %get3A_1267 = arith.constant 0 : index
      %get3A_1268 = tpu.vector_load %arg10[%get3A_1265, %get3A_1266, %get3A_1267] {strides = array<i32>} : memref<16x1x32xf32, #tpu.memory_space<vmem>>, vector<1x1x16xf32>,
      %get3A_1269 = vector.shape_cast %get3A_1268 : vector<1x1x16xf32> to vector<16xf32>
      %get3A_1270 = arith.constant 7 : i32
      %get3A_1271 = arith.constant 0 : i32
      %get3A_1272 = arith.index_cast %get3A_1270 : i32 to index
      %get3A_1273 = arith.index_cast %get3A_1271 : i32 to index
      %get3A_1274 = arith.constant 16 : index
      %get3A_1275 = tpu.vector_load %arg10[%get3A_1272, %get3A_1273, %get3A_1274] {strides = array<i32>} : memref<16x1x32xf32, #tpu.memory_space<vmem>>, vector<1x1x16xf32>,
      %get3A_1276 = vector.shape_cast %get3A_1275 : vector<1x1x16xf32> to vector<16xf32>
      %get3A_1277 = arith.constant 7 : i32
      %get3A_1278 = arith.constant 0 : i32
      %get3A_1279 = arith.index_cast %get3A_1277 : i32 to index
      %get3A_1280 = arith.index_cast %get3A_1278 : i32 to index
      %get3A_1281 = arith.constant 0 : index
      %get3A_1282 = tpu.vector_load %arg11[%get3A_1279, %get3A_1280, %get3A_1281] {strides = array<i32>} : memref<16x1x32xf32, #tpu.memory_space<vmem>>, vector<1x1x16xf32>,
      %get3A_1283 = vector.shape_cast %get3A_1282 : vector<1x1x16xf32> to vector<16xf32>
      %get3A_1284 = arith.constant 7 : i32
      %get3A_1285 = arith.constant 0 : i32
      %get3A_1286 = arith.index_cast %get3A_1284 : i32 to index
      %get3A_1287 = arith.index_cast %get3A_1285 : i32 to index
      %get3A_1288 = arith.constant 16 : index
      %get3A_1289 = tpu.vector_load %arg11[%get3A_1286, %get3A_1287, %get3A_1288] {strides = array<i32>} : memref<16x1x32xf32, #tpu.memory_space<vmem>>, vector<1x1x16xf32>,
      %get3A_1290 = vector.shape_cast %get3A_1289 : vector<1x1x16xf32> to vector<16xf32>
      %mul3A_1291 = arith.mulf %get3A_1269, %get3A_1283 : vector<16xf32>
      %mul3A_1292 = arith.mulf %get3A_1276, %get3A_1290 : vector<16xf32>
      %mul3A_1293 = arith.constant 32 : i32
      %mul3A_1294 = arith.muli %add3A_1262, %mul3A_1293 : i32
      %swap3A_1295 = arith.index_cast %mul3A_1294 : i32 to index
      %swap3A_1296 = tpu.vector_load %arg12[%swap3A_1295] {strides = array<i32>} : memref<16384xf32, #tpu.memory_space<vmem>>, vector<16xf32>,
      %swap3A_1297 = vector.shape_cast %swap3A_1296 : vector<16xf32> to vector<16xf32>
      %swap3A_1298 = vector.shape_cast %mul3A_1291 : vector<16xf32> to vector<16xf32>
      tpu.vector_store %arg12[%swap3A_1295], %swap3A_1298 {strides = array<i32>} : memref<16384xf32, #tpu.memory_space<vmem>>, vector<16xf32>,
      %mul3A_1299 = arith.constant 32 : i32
      %mul3A_1300 = arith.muli %add3A_1262, %mul3A_1299 : i32
      %add3A_1301 = arith.constant 16 : i32
      %add3A_1302 = arith.addi %mul3A_1300, %add3A_1301 : i32
      %swap3A_1303 = arith.index_cast %add3A_1302 : i32 to index
      %swap3A_1304 = tpu.vector_load %arg12[%swap3A_1303] {strides = array<i32>} : memref<16384xf32, #tpu.memory_space<vmem>>, vector<16xf32>,
      %swap3A_1305 = vector.shape_cast %swap3A_1304 : vector<16xf32> to vector<16xf32>
      %swap3A_1306 = vector.shape_cast %mul3A_1292 : vector<16xf32> to vector<16xf32>
      tpu.vector_store %arg12[%swap3A_1303], %swap3A_1306 {strides = array<i32>} : memref<16384xf32, #tpu.memory_space<vmem>>, vector<16xf32>,
      %add3A_1307 = arith.addf %mul3A_1291, %mul3A_1292 : vector<16xf32>
      %add3A_1308 = arith.constant 8 : i32
      %add3A_1309 = arith.addi %mul3A_35, %add3A_1308 : i32
      %get3A_1310 = arith.constant 8 : i32
      %get3A_1311 = arith.constant 0 : i32
      %get3A_1312 = arith.index_cast %get3A_1310 : i32 to index
      %get3A_1313 = arith.index_cast %get3A_1311 : i32 to index
      %get3A_1314 = arith.constant 0 : index
      %get3A_1315 = tpu.vector_load %arg10[%get3A_1312, %get3A_1313, %get3A_1314] {strides = array<i32>} : memref<16x1x32xf32, #tpu.memory_space<vmem>>, vector<1x1x16xf32>,
      %get3A_1316 = vector.shape_cast %get3A_1315 : vector<1x1x16xf32> to vector<16xf32>
      %get3A_1317 = arith.constant 8 : i32
      %get3A_1318 = arith.constant 0 : i32
      %get3A_1319 = arith.index_cast %get3A_1317 : i32 to index
      %get3A_1320 = arith.index_cast %get3A_1318 : i32 to index
      %get3A_1321 = arith.constant 16 : index
      %get3A_1322 = tpu.vector_load %arg10[%get3A_1319, %get3A_1320, %get3A_1321] {strides = array<i32>} : memref<16x1x32xf32, #tpu.memory_space<vmem>>, vector<1x1x16xf32>,
      %get3A_1323 = vector.shape_cast %get3A_1322 : vector<1x1x16xf32> to vector<16xf32>
      %get3A_1324 = arith.constant 8 : i32
      %get3A_1325 = arith.constant 0 : i32
      %get3A_1326 = arith.index_cast %get3A_1324 : i32 to index
      %get3A_1327 = arith.index_cast %get3A_1325 : i32 to index
      %get3A_1328 = arith.constant 0 : index
      %get3A_1329 = tpu.vector_load %arg11[%get3A_1326, %get3A_1327, %get3A_1328] {strides = array<i32>} : memref<16x1x32xf32, #tpu.memory_space<vmem>>, vector<1x1x16xf32>,
      %get3A_1330 = vector.shape_cast %get3A_1329 : vector<1x1x16xf32> to vector<16xf32>
      %get3A_1331 = arith.constant 8 : i32
      %get3A_1332 = arith.constant 0 : i32
      %get3A_1333 = arith.index_cast %get3A_1331 : i32 to index
      %get3A_1334 = arith.index_cast %get3A_1332 : i32 to index
      %get3A_1335 = arith.constant 16 : index
      %get3A_1336 = tpu.vector_load %arg11[%get3A_1333, %get3A_1334, %get3A_1335] {strides = array<i32>} : memref<16x1x32xf32, #tpu.memory_space<vmem>>, vector<1x1x16xf32>,
      %get3A_1337 = vector.shape_cast %get3A_1336 : vector<1x1x16xf32> to vector<16xf32>
      %mul3A_1338 = arith.mulf %get3A_1316, %get3A_1330 : vector<16xf32>
      %mul3A_1339 = arith.mulf %get3A_1323, %get3A_1337 : vector<16xf32>
      %mul3A_1340 = arith.constant 32 : i32
      %mul3A_1341 = arith.muli %add3A_1309, %mul3A_1340 : i32
      %swap3A_1342 = arith.index_cast %mul3A_1341 : i32 to index
      %swap3A_1343 = tpu.vector_load %arg12[%swap3A_1342] {strides = array<i32>} : memref<16384xf32, #tpu.memory_space<vmem>>, vector<16xf32>,
      %swap3A_1344 = vector.shape_cast %swap3A_1343 : vector<16xf32> to vector<16xf32>
      %swap3A_1345 = vector.shape_cast %mul3A_1338 : vector<16xf32> to vector<16xf32>
      tpu.vector_store %arg12[%swap3A_1342], %swap3A_1345 {strides = array<i32>} : memref<16384xf32, #tpu.memory_space<vmem>>, vector<16xf32>,
      %mul3A_1346 = arith.constant 32 : i32
      %mul3A_1347 = arith.muli %add3A_1309, %mul3A_1346 : i32
      %add3A_1348 = arith.constant 16 : i32
      %add3A_1349 = arith.addi %mul3A_1347, %add3A_1348 : i32
      %swap3A_1350 = arith.index_cast %add3A_1349 : i32 to index
      %swap3A_1351 = tpu.vector_load %arg12[%swap3A_1350] {strides = array<i32>} : memref<16384xf32, #tpu.memory_space<vmem>>, vector<16xf32>,
      %swap3A_1352 = vector.shape_cast %swap3A_1351 : vector<16xf32> to vector<16xf32>
      %swap3A_1353 = vector.shape_cast %mul3A_1339 : vector<16xf32> to vector<16xf32>
      tpu.vector_store %arg12[%swap3A_1350], %swap3A_1353 {strides = array<i32>} : memref<16384xf32, #tpu.memory_space<vmem>>, vector<16xf32>,
      %add3A_1354 = arith.addf %mul3A_1338, %mul3A_1339 : vector<16xf32>
      %add3A_1355 = arith.constant 9 : i32
      %add3A_1356 = arith.addi %mul3A_35, %add3A_1355 : i32
      %get3A_1357 = arith.constant 9 : i32
      %get3A_1358 = arith.constant 0 : i32
      %get3A_1359 = arith.index_cast %get3A_1357 : i32 to index
      %get3A_1360 = arith.index_cast %get3A_1358 : i32 to index
      %get3A_1361 = arith.constant 0 : index
      %get3A_1362 = tpu.vector_load %arg10[%get3A_1359, %get3A_1360, %get3A_1361] {strides = array<i32>} : memref<16x1x32xf32, #tpu.memory_space<vmem>>, vector<1x1x16xf32>,
      %get3A_1363 = vector.shape_cast %get3A_1362 : vector<1x1x16xf32> to vector<16xf32>
      %get3A_1364 = arith.constant 9 : i32
      %get3A_1365 = arith.constant 0 : i32
      %get3A_1366 = arith.index_cast %get3A_1364 : i32 to index
      %get3A_1367 = arith.index_cast %get3A_1365 : i32 to index
      %get3A_1368 = arith.constant 16 : index
      %get3A_1369 = tpu.vector_load %arg10[%get3A_1366, %get3A_1367, %get3A_1368] {strides = array<i32>} : memref<16x1x32xf32, #tpu.memory_space<vmem>>, vector<1x1x16xf32>,
      %get3A_1370 = vector.shape_cast %get3A_1369 : vector<1x1x16xf32> to vector<16xf32>
      %get3A_1371 = arith.constant 9 : i32
      %get3A_1372 = arith.constant 0 : i32
      %get3A_1373 = arith.index_cast %get3A_1371 : i32 to index
      %get3A_1374 = arith.index_cast %get3A_1372 : i32 to index
      %get3A_1375 = arith.constant 0 : index
      %get3A_1376 = tpu.vector_load %arg11[%get3A_1373, %get3A_1374, %get3A_1375] {strides = array<i32>} : memref<16x1x32xf32, #tpu.memory_space<vmem>>, vector<1x1x16xf32>,
      %get3A_1377 = vector.shape_cast %get3A_1376 : vector<1x1x16xf32> to vector<16xf32>
      %get3A_1378 = arith.constant 9 : i32
      %get3A_1379 = arith.constant 0 : i32
      %get3A_1380 = arith.index_cast %get3A_1378 : i32 to index
      %get3A_1381 = arith.index_cast %get3A_1379 : i32 to index
      %get3A_1382 = arith.constant 16 : index
      %get3A_1383 = tpu.vector_load %arg11[%get3A_1380, %get3A_1381, %get3A_1382] {strides = array<i32>} : memref<16x1x32xf32, #tpu.memory_space<vmem>>, vector<1x1x16xf32>,
      %get3A_1384 = vector.shape_cast %get3A_1383 : vector<1x1x16xf32> to vector<16xf32>
      %mul3A_1385 = arith.mulf %get3A_1363, %get3A_1377 : vector<16xf32>
      %mul3A_1386 = arith.mulf %get3A_1370, %get3A_1384 : vector<16xf32>
      %mul3A_1387 = arith.constant 32 : i32
      %mul3A_1388 = arith.muli %add3A_1356, %mul3A_1387 : i32
      %swap3A_1389 = arith.index_cast %mul3A_1388 : i32 to index
      %swap3A_1390 = tpu.vector_load %arg12[%swap3A_1389] {strides = array<i32>} : memref<16384xf32, #tpu.memory_space<vmem>>, vector<16xf32>,
      %swap3A_1391 = vector.shape_cast %swap3A_1390 : vector<16xf32> to vector<16xf32>
      %swap3A_1392 = vector.shape_cast %mul3A_1385 : vector<16xf32> to vector<16xf32>
      tpu.vector_store %arg12[%swap3A_1389], %swap3A_1392 {strides = array<i32>} : memref<16384xf32, #tpu.memory_space<vmem>>, vector<16xf32>,
      %mul3A_1393 = arith.constant 32 : i32
      %mul3A_1394 = arith.muli %add3A_1356, %mul3A_1393 : i32
      %add3A_1395 = arith.constant 16 : i32
      %add3A_1396 = arith.addi %mul3A_1394, %add3A_1395 : i32
      %swap3A_1397 = arith.index_cast %add3A_1396 : i32 to index
      %swap3A_1398 = tpu.vector_load %arg12[%swap3A_1397] {strides = array<i32>} : memref<16384xf32, #tpu.memory_space<vmem>>, vector<16xf32>,
      %swap3A_1399 = vector.shape_cast %swap3A_1398 : vector<16xf32> to vector<16xf32>
      %swap3A_1400 = vector.shape_cast %mul3A_1386 : vector<16xf32> to vector<16xf32>
      tpu.vector_store %arg12[%swap3A_1397], %swap3A_1400 {strides = array<i32>} : memref<16384xf32, #tpu.memory_space<vmem>>, vector<16xf32>,
      %add3A_1401 = arith.addf %mul3A_1385, %mul3A_1386 : vector<16xf32>
      %add3A_1402 = arith.constant 10 : i32
      %add3A_1403 = arith.addi %mul3A_35, %add3A_1402 : i32
      %get3A_1404 = arith.constant 10 : i32
      %get3A_1405 = arith.constant 0 : i32
      %get3A_1406 = arith.index_cast %get3A_1404 : i32 to index
      %get3A_1407 = arith.index_cast %get3A_1405 : i32 to index
      %get3A_1408 = arith.constant 0 : index
      %get3A_1409 = tpu.vector_load %arg10[%get3A_1406, %get3A_1407, %get3A_1408] {strides = array<i32>} : memref<16x1x32xf32, #tpu.memory_space<vmem>>, vector<1x1x16xf32>,
      %get3A_1410 = vector.shape_cast %get3A_1409 : vector<1x1x16xf32> to vector<16xf32>
      %get3A_1411 = arith.constant 10 : i32
      %get3A_1412 = arith.constant 0 : i32
      %get3A_1413 = arith.index_cast %get3A_1411 : i32 to index
      %get3A_1414 = arith.index_cast %get3A_1412 : i32 to index
      %get3A_1415 = arith.constant 16 : index
      %get3A_1416 = tpu.vector_load %arg10[%get3A_1413, %get3A_1414, %get3A_1415] {strides = array<i32>} : memref<16x1x32xf32, #tpu.memory_space<vmem>>, vector<1x1x16xf32>,
      %get3A_1417 = vector.shape_cast %get3A_1416 : vector<1x1x16xf32> to vector<16xf32>
      %get3A_1418 = arith.constant 10 : i32
      %get3A_1419 = arith.constant 0 : i32
      %get3A_1420 = arith.index_cast %get3A_1418 : i32 to index
      %get3A_1421 = arith.index_cast %get3A_1419 : i32 to index
      %get3A_1422 = arith.constant 0 : index
      %get3A_1423 = tpu.vector_load %arg11[%get3A_1420, %get3A_1421, %get3A_1422] {strides = array<i32>} : memref<16x1x32xf32, #tpu.memory_space<vmem>>, vector<1x1x16xf32>,
      %get3A_1424 = vector.shape_cast %get3A_1423 : vector<1x1x16xf32> to vector<16xf32>
      %get3A_1425 = arith.constant 10 : i32
      %get3A_1426 = arith.constant 0 : i32
      %get3A_1427 = arith.index_cast %get3A_1425 : i32 to index
      %get3A_1428 = arith.index_cast %get3A_1426 : i32 to index
      %get3A_1429 = arith.constant 16 : index
      %get3A_1430 = tpu.vector_load %arg11[%get3A_1427, %get3A_1428, %get3A_1429] {strides = array<i32>} : memref<16x1x32xf32, #tpu.memory_space<vmem>>, vector<1x1x16xf32>,
      %get3A_1431 = vector.shape_cast %get3A_1430 : vector<1x1x16xf32> to vector<16xf32>
      %mul3A_1432 = arith.mulf %get3A_1410, %get3A_1424 : vector<16xf32>
      %mul3A_1433 = arith.mulf %get3A_1417, %get3A_1431 : vector<16xf32>
      %mul3A_1434 = arith.constant 32 : i32
      %mul3A_1435 = arith.muli %add3A_1403, %mul3A_1434 : i32
      %swap3A_1436 = arith.index_cast %mul3A_1435 : i32 to index
      %swap3A_1437 = tpu.vector_load %arg12[%swap3A_1436] {strides = array<i32>} : memref<16384xf32, #tpu.memory_space<vmem>>, vector<16xf32>,
      %swap3A_1438 = vector.shape_cast %swap3A_1437 : vector<16xf32> to vector<16xf32>
      %swap3A_1439 = vector.shape_cast %mul3A_1432 : vector<16xf32> to vector<16xf32>
      tpu.vector_store %arg12[%swap3A_1436], %swap3A_1439 {strides = array<i32>} : memref<16384xf32, #tpu.memory_space<vmem>>, vector<16xf32>,
      %mul3A_1440 = arith.constant 32 : i32
      %mul3A_1441 = arith.muli %add3A_1403, %mul3A_1440 : i32
      %add3A_1442 = arith.constant 16 : i32
      %add3A_1443 = arith.addi %mul3A_1441, %add3A_1442 : i32
      %swap3A_1444 = arith.index_cast %add3A_1443 : i32 to index
      %swap3A_1445 = tpu.vector_load %arg12[%swap3A_1444] {strides = array<i32>} : memref<16384xf32, #tpu.memory_space<vmem>>, vector<16xf32>,
      %swap3A_1446 = vector.shape_cast %swap3A_1445 : vector<16xf32> to vector<16xf32>
      %swap3A_1447 = vector.shape_cast %mul3A_1433 : vector<16xf32> to vector<16xf32>
      tpu.vector_store %arg12[%swap3A_1444], %swap3A_1447 {strides = array<i32>} : memref<16384xf32, #tpu.memory_space<vmem>>, vector<16xf32>,
      %add3A_1448 = arith.addf %mul3A_1432, %mul3A_1433 : vector<16xf32>
      %add3A_1449 = arith.constant 11 : i32
      %add3A_1450 = arith.addi %mul3A_35, %add3A_1449 : i32
      %get3A_1451 = arith.constant 11 : i32
      %get3A_1452 = arith.constant 0 : i32
      %get3A_1453 = arith.index_cast %get3A_1451 : i32 to index
      %get3A_1454 = arith.index_cast %get3A_1452 : i32 to index
      %get3A_1455 = arith.constant 0 : index
      %get3A_1456 = tpu.vector_load %arg10[%get3A_1453, %get3A_1454, %get3A_1455] {strides = array<i32>} : memref<16x1x32xf32, #tpu.memory_space<vmem>>, vector<1x1x16xf32>,
      %get3A_1457 = vector.shape_cast %get3A_1456 : vector<1x1x16xf32> to vector<16xf32>
      %get3A_1458 = arith.constant 11 : i32
      %get3A_1459 = arith.constant 0 : i32
      %get3A_1460 = arith.index_cast %get3A_1458 : i32 to index
      %get3A_1461 = arith.index_cast %get3A_1459 : i32 to index
      %get3A_1462 = arith.constant 16 : index
      %get3A_1463 = tpu.vector_load %arg10[%get3A_1460, %get3A_1461, %get3A_1462] {strides = array<i32>} : memref<16x1x32xf32, #tpu.memory_space<vmem>>, vector<1x1x16xf32>,
      %get3A_1464 = vector.shape_cast %get3A_1463 : vector<1x1x16xf32> to vector<16xf32>
      %get3A_1465 = arith.constant 11 : i32
      %get3A_1466 = arith.constant 0 : i32
      %get3A_1467 = arith.index_cast %get3A_1465 : i32 to index
      %get3A_1468 = arith.index_cast %get3A_1466 : i32 to index
      %get3A_1469 = arith.constant 0 : index
      %get3A_1470 = tpu.vector_load %arg11[%get3A_1467, %get3A_1468, %get3A_1469] {strides = array<i32>} : memref<16x1x32xf32, #tpu.memory_space<vmem>>, vector<1x1x16xf32>,
      %get3A_1471 = vector.shape_cast %get3A_1470 : vector<1x1x16xf32> to vector<16xf32>
      %get3A_1472 = arith.constant 11 : i32
      %get3A_1473 = arith.constant 0 : i32
      %get3A_1474 = arith.index_cast %get3A_1472 : i32 to index
      %get3A_1475 = arith.index_cast %get3A_1473 : i32 to index
      %get3A_1476 = arith.constant 16 : index
      %get3A_1477 = tpu.vector_load %arg11[%get3A_1474, %get3A_1475, %get3A_1476] {strides = array<i32>} : memref<16x1x32xf32, #tpu.memory_space<vmem>>, vector<1x1x16xf32>,
      %get3A_1478 = vector.shape_cast %get3A_1477 : vector<1x1x16xf32> to vector<16xf32>
      %mul3A_1479 = arith.mulf %get3A_1457, %get3A_1471 : vector<16xf32>
      %mul3A_1480 = arith.mulf %get3A_1464, %get3A_1478 : vector<16xf32>
      %mul3A_1481 = arith.constant 32 : i32
      %mul3A_1482 = arith.muli %add3A_1450, %mul3A_1481 : i32
      %swap3A_1483 = arith.index_cast %mul3A_1482 : i32 to index
      %swap3A_1484 = tpu.vector_load %arg12[%swap3A_1483] {strides = array<i32>} : memref<16384xf32, #tpu.memory_space<vmem>>, vector<16xf32>,
      %swap3A_1485 = vector.shape_cast %swap3A_1484 : vector<16xf32> to vector<16xf32>
      %swap3A_1486 = vector.shape_cast %mul3A_1479 : vector<16xf32> to vector<16xf32>
      tpu.vector_store %arg12[%swap3A_1483], %swap3A_1486 {strides = array<i32>} : memref<16384xf32, #tpu.memory_space<vmem>>, vector<16xf32>,
      %mul3A_1487 = arith.constant 32 : i32
      %mul3A_1488 = arith.muli %add3A_1450, %mul3A_1487 : i32
      %add3A_1489 = arith.constant 16 : i32
      %add3A_1490 = arith.addi %mul3A_1488, %add3A_1489 : i32
      %swap3A_1491 = arith.index_cast %add3A_1490 : i32 to index
      %swap3A_1492 = tpu.vector_load %arg12[%swap3A_1491] {strides = array<i32>} : memref<16384xf32, #tpu.memory_space<vmem>>, vector<16xf32>,
      %swap3A_1493 = vector.shape_cast %swap3A_1492 : vector<16xf32> to vector<16xf32>
      %swap3A_1494 = vector.shape_cast %mul3A_1480 : vector<16xf32> to vector<16xf32>
      tpu.vector_store %arg12[%swap3A_1491], %swap3A_1494 {strides = array<i32>} : memref<16384xf32, #tpu.memory_space<vmem>>, vector<16xf32>,
      %add3A_1495 = arith.addf %mul3A_1479, %mul3A_1480 : vector<16xf32>
      %add3A_1496 = arith.constant 12 : i32
      %add3A_1497 = arith.addi %mul3A_35, %add3A_1496 : i32
      %get3A_1498 = arith.constant 12 : i32
      %get3A_1499 = arith.constant 0 : i32
      %get3A_1500 = arith.index_cast %get3A_1498 : i32 to index
      %get3A_1501 = arith.index_cast %get3A_1499 : i32 to index
      %get3A_1502 = arith.constant 0 : index
      %get3A_1503 = tpu.vector_load %arg10[%get3A_1500, %get3A_1501, %get3A_1502] {strides = array<i32>} : memref<16x1x32xf32, #tpu.memory_space<vmem>>, vector<1x1x16xf32>,
      %get3A_1504 = vector.shape_cast %get3A_1503 : vector<1x1x16xf32> to vector<16xf32>
      %get3A_1505 = arith.constant 12 : i32
      %get3A_1506 = arith.constant 0 : i32
      %get3A_1507 = arith.index_cast %get3A_1505 : i32 to index
      %get3A_1508 = arith.index_cast %get3A_1506 : i32 to index
      %get3A_1509 = arith.constant 16 : index
      %get3A_1510 = tpu.vector_load %arg10[%get3A_1507, %get3A_1508, %get3A_1509] {strides = array<i32>} : memref<16x1x32xf32, #tpu.memory_space<vmem>>, vector<1x1x16xf32>,
      %get3A_1511 = vector.shape_cast %get3A_1510 : vector<1x1x16xf32> to vector<16xf32>
      %get3A_1512 = arith.constant 12 : i32
      %get3A_1513 = arith.constant 0 : i32
      %get3A_1514 = arith.index_cast %get3A_1512 : i32 to index
      %get3A_1515 = arith.index_cast %get3A_1513 : i32 to index
      %get3A_1516 = arith.constant 0 : index
      %get3A_1517 = tpu.vector_load %arg11[%get3A_1514, %get3A_1515, %get3A_1516] {strides = array<i32>} : memref<16x1x32xf32, #tpu.memory_space<vmem>>, vector<1x1x16xf32>,
      %get3A_1518 = vector.shape_cast %get3A_1517 : vector<1x1x16xf32> to vector<16xf32>
      %get3A_1519 = arith.constant 12 : i32
      %get3A_1520 = arith.constant 0 : i32
      %get3A_1521 = arith.index_cast %get3A_1519 : i32 to index
      %get3A_1522 = arith.index_cast %get3A_1520 : i32 to index
      %get3A_1523 = arith.constant 16 : index
      %get3A_1524 = tpu.vector_load %arg11[%get3A_1521, %get3A_1522, %get3A_1523] {strides = array<i32>} : memref<16x1x32xf32, #tpu.memory_space<vmem>>, vector<1x1x16xf32>,
      %get3A_1525 = vector.shape_cast %get3A_1524 : vector<1x1x16xf32> to vector<16xf32>
      %mul3A_1526 = arith.mulf %get3A_1504, %get3A_1518 : vector<16xf32>
      %mul3A_1527 = arith.mulf %get3A_1511, %get3A_1525 : vector<16xf32>
      %mul3A_1528 = arith.constant 32 : i32
      %mul3A_1529 = arith.muli %add3A_1497, %mul3A_1528 : i32
      %swap3A_1530 = arith.index_cast %mul3A_1529 : i32 to index
      %swap3A_1531 = tpu.vector_load %arg12[%swap3A_1530] {strides = array<i32>} : memref<16384xf32, #tpu.memory_space<vmem>>, vector<16xf32>,
      %swap3A_1532 = vector.shape_cast %swap3A_1531 : vector<16xf32> to vector<16xf32>
      %swap3A_1533 = vector.shape_cast %mul3A_1526 : vector<16xf32> to vector<16xf32>
      tpu.vector_store %arg12[%swap3A_1530], %swap3A_1533 {strides = array<i32>} : memref<16384xf32, #tpu.memory_space<vmem>>, vector<16xf32>,
      %mul3A_1534 = arith.constant 32 : i32
      %mul3A_1535 = arith.muli %add3A_1497, %mul3A_1534 : i32
      %add3A_1536 = arith.constant 16 : i32
      %add3A_1537 = arith.addi %mul3A_1535, %add3A_1536 : i32
      %swap3A_1538 = arith.index_cast %add3A_1537 : i32 to index
      %swap3A_1539 = tpu.vector_load %arg12[%swap3A_1538] {strides = array<i32>} : memref<16384xf32, #tpu.memory_space<vmem>>, vector<16xf32>,
      %swap3A_1540 = vector.shape_cast %swap3A_1539 : vector<16xf32> to vector<16xf32>
      %swap3A_1541 = vector.shape_cast %mul3A_1527 : vector<16xf32> to vector<16xf32>
      tpu.vector_store %arg12[%swap3A_1538], %swap3A_1541 {strides = array<i32>} : memref<16384xf32, #tpu.memory_space<vmem>>, vector<16xf32>,
      %add3A_1542 = arith.addf %mul3A_1526, %mul3A_1527 : vector<16xf32>
      %add3A_1543 = arith.constant 13 : i32
      %add3A_1544 = arith.addi %mul3A_35, %add3A_1543 : i32
      %get3A_1545 = arith.constant 13 : i32
      %get3A_1546 = arith.constant 0 : i32
      %get3A_1547 = arith.index_cast %get3A_1545 : i32 to index
      %get3A_1548 = arith.index_cast %get3A_1546 : i32 to index
      %get3A_1549 = arith.constant 0 : index
      %get3A_1550 = tpu.vector_load %arg10[%get3A_1547, %get3A_1548, %get3A_1549] {strides = array<i32>} : memref<16x1x32xf32, #tpu.memory_space<vmem>>, vector<1x1x16xf32>,
      %get3A_1551 = vector.shape_cast %get3A_1550 : vector<1x1x16xf32> to vector<16xf32>
      %get3A_1552 = arith.constant 13 : i32
      %get3A_1553 = arith.constant 0 : i32
      %get3A_1554 = arith.index_cast %get3A_1552 : i32 to index
      %get3A_1555 = arith.index_cast %get3A_1553 : i32 to index
      %get3A_1556 = arith.constant 16 : index
      %get3A_1557 = tpu.vector_load %arg10[%get3A_1554, %get3A_1555, %get3A_1556] {strides = array<i32>} : memref<16x1x32xf32, #tpu.memory_space<vmem>>, vector<1x1x16xf32>,
      %get3A_1558 = vector.shape_cast %get3A_1557 : vector<1x1x16xf32> to vector<16xf32>
      %get3A_1559 = arith.constant 13 : i32
      %get3A_1560 = arith.constant 0 : i32
      %get3A_1561 = arith.index_cast %get3A_1559 : i32 to index
      %get3A_1562 = arith.index_cast %get3A_1560 : i32 to index
      %get3A_1563 = arith.constant 0 : index
      %get3A_1564 = tpu.vector_load %arg11[%get3A_1561, %get3A_1562, %get3A_1563] {strides = array<i32>} : memref<16x1x32xf32, #tpu.memory_space<vmem>>, vector<1x1x16xf32>,
      %get3A_1565 = vector.shape_cast %get3A_1564 : vector<1x1x16xf32> to vector<16xf32>
      %get3A_1566 = arith.constant 13 : i32
      %get3A_1567 = arith.constant 0 : i32
      %get3A_1568 = arith.index_cast %get3A_1566 : i32 to index
      %get3A_1569 = arith.index_cast %get3A_1567 : i32 to index
      %get3A_1570 = arith.constant 16 : index
      %get3A_1571 = tpu.vector_load %arg11[%get3A_1568, %get3A_1569, %get3A_1570] {strides = array<i32>} : memref<16x1x32xf32, #tpu.memory_space<vmem>>, vector<1x1x16xf32>,
      %get3A_1572 = vector.shape_cast %get3A_1571 : vector<1x1x16xf32> to vector<16xf32>
      %mul3A_1573 = arith.mulf %get3A_1551, %get3A_1565 : vector<16xf32>
      %mul3A_1574 = arith.mulf %get3A_1558, %get3A_1572 : vector<16xf32>
      %mul3A_1575 = arith.constant 32 : i32
      %mul3A_1576 = arith.muli %add3A_1544, %mul3A_1575 : i32
      %swap3A_1577 = arith.index_cast %mul3A_1576 : i32 to index
      %swap3A_1578 = tpu.vector_load %arg12[%swap3A_1577] {strides = array<i32>} : memref<16384xf32, #tpu.memory_space<vmem>>, vector<16xf32>,
      %swap3A_1579 = vector.shape_cast %swap3A_1578 : vector<16xf32> to vector<16xf32>
      %swap3A_1580 = vector.shape_cast %mul3A_1573 : vector<16xf32> to vector<16xf32>
      tpu.vector_store %arg12[%swap3A_1577], %swap3A_1580 {strides = array<i32>} : memref<16384xf32, #tpu.memory_space<vmem>>, vector<16xf32>,
      %mul3A_1581 = arith.constant 32 : i32
      %mul3A_1582 = arith.muli %add3A_1544, %mul3A_1581 : i32
      %add3A_1583 = arith.constant 16 : i32
      %add3A_1584 = arith.addi %mul3A_1582, %add3A_1583 : i32
      %swap3A_1585 = arith.index_cast %add3A_1584 : i32 to index
      %swap3A_1586 = tpu.vector_load %arg12[%swap3A_1585] {strides = array<i32>} : memref<16384xf32, #tpu.memory_space<vmem>>, vector<16xf32>,
      %swap3A_1587 = vector.shape_cast %swap3A_1586 : vector<16xf32> to vector<16xf32>
      %swap3A_1588 = vector.shape_cast %mul3A_1574 : vector<16xf32> to vector<16xf32>
      tpu.vector_store %arg12[%swap3A_1585], %swap3A_1588 {strides = array<i32>} : memref<16384xf32, #tpu.memory_space<vmem>>, vector<16xf32>,
      %add3A_1589 = arith.addf %mul3A_1573, %mul3A_1574 : vector<16xf32>
      %add3A_1590 = arith.constant 14 : i32
      %add3A_1591 = arith.addi %mul3A_35, %add3A_1590 : i32
      %get3A_1592 = arith.constant 14 : i32
      %get3A_1593 = arith.constant 0 : i32
      %get3A_1594 = arith.index_cast %get3A_1592 : i32 to index
      %get3A_1595 = arith.index_cast %get3A_1593 : i32 to index
      %get3A_1596 = arith.constant 0 : index
      %get3A_1597 = tpu.vector_load %arg10[%get3A_1594, %get3A_1595, %get3A_1596] {strides = array<i32>} : memref<16x1x32xf32, #tpu.memory_space<vmem>>, vector<1x1x16xf32>,
      %get3A_1598 = vector.shape_cast %get3A_1597 : vector<1x1x16xf32> to vector<16xf32>
      %get3A_1599 = arith.constant 14 : i32
      %get3A_1600 = arith.constant 0 : i32
      %get3A_1601 = arith.index_cast %get3A_1599 : i32 to index
      %get3A_1602 = arith.index_cast %get3A_1600 : i32 to index
      %get3A_1603 = arith.constant 16 : index
      %get3A_1604 = tpu.vector_load %arg10[%get3A_1601, %get3A_1602, %get3A_1603] {strides = array<i32>} : memref<16x1x32xf32, #tpu.memory_space<vmem>>, vector<1x1x16xf32>,
      %get3A_1605 = vector.shape_cast %get3A_1604 : vector<1x1x16xf32> to vector<16xf32>
      %get3A_1606 = arith.constant 14 : i32
      %get3A_1607 = arith.constant 0 : i32
      %get3A_1608 = arith.index_cast %get3A_1606 : i32 to index
      %get3A_1609 = arith.index_cast %get3A_1607 : i32 to index
      %get3A_1610 = arith.constant 0 : index
      %get3A_1611 = tpu.vector_load %arg11[%get3A_1608, %get3A_1609, %get3A_1610] {strides = array<i32>} : memref<16x1x32xf32, #tpu.memory_space<vmem>>, vector<1x1x16xf32>,
      %get3A_1612 = vector.shape_cast %get3A_1611 : vector<1x1x16xf32> to vector<16xf32>
      %get3A_1613 = arith.constant 14 : i32
      %get3A_1614 = arith.constant 0 : i32
      %get3A_1615 = arith.index_cast %get3A_1613 : i32 to index
      %get3A_1616 = arith.index_cast %get3A_1614 : i32 to index
      %get3A_1617 = arith.constant 16 : index
      %get3A_1618 = tpu.vector_load %arg11[%get3A_1615, %get3A_1616, %get3A_1617] {strides = array<i32>} : memref<16x1x32xf32, #tpu.memory_space<vmem>>, vector<1x1x16xf32>,
      %get3A_1619 = vector.shape_cast %get3A_1618 : vector<1x1x16xf32> to vector<16xf32>
      %mul3A_1620 = arith.mulf %get3A_1598, %get3A_1612 : vector<16xf32>
      %mul3A_1621 = arith.mulf %get3A_1605, %get3A_1619 : vector<16xf32>
      %mul3A_1622 = arith.constant 32 : i32
      %mul3A_1623 = arith.muli %add3A_1591, %mul3A_1622 : i32
      %swap3A_1624 = arith.index_cast %mul3A_1623 : i32 to index
      %swap3A_1625 = tpu.vector_load %arg12[%swap3A_1624] {strides = array<i32>} : memref<16384xf32, #tpu.memory_space<vmem>>, vector<16xf32>,
      %swap3A_1626 = vector.shape_cast %swap3A_1625 : vector<16xf32> to vector<16xf32>
      %swap3A_1627 = vector.shape_cast %mul3A_1620 : vector<16xf32> to vector<16xf32>
      tpu.vector_store %arg12[%swap3A_1624], %swap3A_1627 {strides = array<i32>} : memref<16384xf32, #tpu.memory_space<vmem>>, vector<16xf32>,
      %mul3A_1628 = arith.constant 32 : i32
      %mul3A_1629 = arith.muli %add3A_1591, %mul3A_1628 : i32
      %add3A_1630 = arith.constant 16 : i32
      %add3A_1631 = arith.addi %mul3A_1629, %add3A_1630 : i32
      %swap3A_1632 = arith.index_cast %add3A_1631 : i32 to index
      %swap3A_1633 = tpu.vector_load %arg12[%swap3A_1632] {strides = array<i32>} : memref<16384xf32, #tpu.memory_space<vmem>>, vector<16xf32>,
      %swap3A_1634 = vector.shape_cast %swap3A_1633 : vector<16xf32> to vector<16xf32>
      %swap3A_1635 = vector.shape_cast %mul3A_1621 : vector<16xf32> to vector<16xf32>
      tpu.vector_store %arg12[%swap3A_1632], %swap3A_1635 {strides = array<i32>} : memref<16384xf32, #tpu.memory_space<vmem>>, vector<16xf32>,
      %add3A_1636 = arith.addf %mul3A_1620, %mul3A_1621 : vector<16xf32>
      %add3A_1637 = arith.constant 15 : i32
      %add3A_1638 = arith.addi %mul3A_35, %add3A_1637 : i32
      %get3A_1639 = arith.constant 15 : i32
      %get3A_1640 = arith.constant 0 : i32
      %get3A_1641 = arith.index_cast %get3A_1639 : i32 to index
      %get3A_1642 = arith.index_cast %get3A_1640 : i32 to index
      %get3A_1643 = arith.constant 0 : index
      %get3A_1644 = tpu.vector_load %arg10[%get3A_1641, %get3A_1642, %get3A_1643] {strides = array<i32>} : memref<16x1x32xf32, #tpu.memory_space<vmem>>, vector<1x1x16xf32>,
      %get3A_1645 = vector.shape_cast %get3A_1644 : vector<1x1x16xf32> to vector<16xf32>
      %get3A_1646 = arith.constant 15 : i32
      %get3A_1647 = arith.constant 0 : i32
      %get3A_1648 = arith.index_cast %get3A_1646 : i32 to index
      %get3A_1649 = arith.index_cast %get3A_1647 : i32 to index
      %get3A_1650 = arith.constant 16 : index
      %get3A_1651 = tpu.vector_load %arg10[%get3A_1648, %get3A_1649, %get3A_1650] {strides = array<i32>} : memref<16x1x32xf32, #tpu.memory_space<vmem>>, vector<1x1x16xf32>,
      %get3A_1652 = vector.shape_cast %get3A_1651 : vector<1x1x16xf32> to vector<16xf32>
      %get3A_1653 = arith.constant 15 : i32
      %get3A_1654 = arith.constant 0 : i32
      %get3A_1655 = arith.index_cast %get3A_1653 : i32 to index
      %get3A_1656 = arith.index_cast %get3A_1654 : i32 to index
      %get3A_1657 = arith.constant 0 : index
      %get3A_1658 = tpu.vector_load %arg11[%get3A_1655, %get3A_1656, %get3A_1657] {strides = array<i32>} : memref<16x1x32xf32, #tpu.memory_space<vmem>>, vector<1x1x16xf32>,
      %get3A_1659 = vector.shape_cast %get3A_1658 : vector<1x1x16xf32> to vector<16xf32>
      %get3A_1660 = arith.constant 15 : i32
      %get3A_1661 = arith.constant 0 : i32
      %get3A_1662 = arith.index_cast %get3A_1660 : i32 to index
      %get3A_1663 = arith.index_cast %get3A_1661 : i32 to index
      %get3A_1664 = arith.constant 16 : index
      %get3A_1665 = tpu.vector_load %arg11[%get3A_1662, %get3A_1663, %get3A_1664] {strides = array<i32>} : memref<16x1x32xf32, #tpu.memory_space<vmem>>, vector<1x1x16xf32>,
      %get3A_1666 = vector.shape_cast %get3A_1665 : vector<1x1x16xf32> to vector<16xf32>
      %mul3A_1667 = arith.mulf %get3A_1645, %get3A_1659 : vector<16xf32>
      %mul3A_1668 = arith.mulf %get3A_1652, %get3A_1666 : vector<16xf32>
      %mul3A_1669 = arith.constant 32 : i32
      %mul3A_1670 = arith.muli %add3A_1638, %mul3A_1669 : i32
      %swap3A_1671 = arith.index_cast %mul3A_1670 : i32 to index
      %swap3A_1672 = tpu.vector_load %arg12[%swap3A_1671] {strides = array<i32>} : memref<16384xf32, #tpu.memory_space<vmem>>, vector<16xf32>,
      %swap3A_1673 = vector.shape_cast %swap3A_1672 : vector<16xf32> to vector<16xf32>
      %swap3A_1674 = vector.shape_cast %mul3A_1667 : vector<16xf32> to vector<16xf32>
      tpu.vector_store %arg12[%swap3A_1671], %swap3A_1674 {strides = array<i32>} : memref<16384xf32, #tpu.memory_space<vmem>>, vector<16xf32>,
      %mul3A_1675 = arith.constant 32 : i32
      %mul3A_1676 = arith.muli %add3A_1638, %mul3A_1675 : i32
      %add3A_1677 = arith.constant 16 : i32
      %add3A_1678 = arith.addi %mul3A_1676, %add3A_1677 : i32
      %swap3A_1679 = arith.index_cast %add3A_1678 : i32 to index
      %swap3A_1680 = tpu.vector_load %arg12[%swap3A_1679] {strides = array<i32>} : memref<16384xf32, #tpu.memory_space<vmem>>, vector<16xf32>,
      %swap3A_1681 = vector.shape_cast %swap3A_1680 : vector<16xf32> to vector<16xf32>
      %swap3A_1682 = vector.shape_cast %mul3A_1668 : vector<16xf32> to vector<16xf32>
      tpu.vector_store %arg12[%swap3A_1679], %swap3A_1682 {strides = array<i32>} : memref<16384xf32, #tpu.memory_space<vmem>>, vector<16xf32>,
      %add3A_1683 = arith.addf %mul3A_1667, %mul3A_1668 : vector<16xf32>
      %and3A_1684 = arith.constant 8 : i32
      %and3A_1685 = vector.broadcast %and3A_1684 : i32 to vector<16xi32>
      %and3A_1686 = arith.andi %iota3A, %and3A_1685 : vector<16xi32>
      %eq3A = arith.constant 0 : i32
      %eq3A_1687 = vector.broadcast %eq3A : i32 to vector<16xi32>
      %eq3A_1688 = arith.cmpi eq, %and3A_1686, %eq3A_1687 : vector<16xi32>
      %xor3A = arith.constant 8 : i32
      %xor3A_1689 = vector.broadcast %xor3A : i32 to vector<16xi32>
      %xor3A_1690 = arith.xori %iota3A, %xor3A_1689 : vector<16xi32>
      %lt3A = arith.constant 0 : i32
      %lt3A_1691 = vector.broadcast %lt3A : i32 to vector<16xi32>
      %lt3A_1692 = arith.cmpi slt, %xor3A_1690, %lt3A_1691 : vector<16xi32>
      %add3A_1693 = arith.constant 16 : i32
      %add3A_1694 = vector.broadcast %add3A_1693 : i32 to vector<16xi32>
      %add3A_1695 = arith.addi %xor3A_1690, %add3A_1694 : vector<16xi32>
      %select_n3A = arith.select %lt3A_1692, %add3A_1695, %xor3A_1690 : vector<16xi1>, vector<16xi32>
      %broadcast_in_dim3A = vector.shape_cast %select_n3A : vector<16xi32> to vector<16x1xi32>
      %gather3A = vector.shape_cast %broadcast_in_dim3A : vector<16x1xi32> to vector<16xi32>
      %gather3A_1696 = tpu.dynamic_gather %add3A_978[%gather3A] in [0] : vector<16xf32>, vector<16xi32> -> vector<16xf32>
      %xor3A_1697 = arith.constant 8 : i32
      %xor3A_1698 = vector.broadcast %xor3A_1697 : i32 to vector<16xi32>
      %xor3A_1699 = arith.xori %iota3A, %xor3A_1698 : vector<16xi32>
      %lt3A_1700 = arith.constant 0 : i32
      %lt3A_1701 = vector.broadcast %lt3A_1700 : i32 to vector<16xi32>
      %lt3A_1702 = arith.cmpi slt, %xor3A_1699, %lt3A_1701 : vector<16xi32>
      %add3A_1703 = arith.constant 16 : i32
      %add3A_1704 = vector.broadcast %add3A_1703 : i32 to vector<16xi32>
      %add3A_1705 = arith.addi %xor3A_1699, %add3A_1704 : vector<16xi32>
      %select_n3A_1706 = arith.select %lt3A_1702, %add3A_1705, %xor3A_1699 : vector<16xi1>, vector<16xi32>
      %broadcast_in_dim3A_1707 = vector.shape_cast %select_n3A_1706 : vector<16xi32> to vector<16x1xi32>
      %gather3A_1708 = vector.shape_cast %broadcast_in_dim3A_1707 : vector<16x1xi32> to vector<16xi32>
      %gather3A_1709 = tpu.dynamic_gather %add3A_1025[%gather3A_1708] in [0] : vector<16xf32>, vector<16xi32> -> vector<16xf32>
      %add3A_1710 = arith.addf %add3A_978, %gather3A_1696 : vector<16xf32>
      %add3A_1711 = arith.addf %add3A_1025, %gather3A_1709 : vector<16xf32>
      %select_n3A_1712 = arith.select %eq3A_1688, %add3A_1710, %add3A_1711 : vector<16xi1>, vector<16xf32>
      %xor3A_1713 = arith.constant 8 : i32
      %xor3A_1714 = vector.broadcast %xor3A_1713 : i32 to vector<16xi32>
      %xor3A_1715 = arith.xori %iota3A, %xor3A_1714 : vector<16xi32>
      %lt3A_1716 = arith.constant 0 : i32
      %lt3A_1717 = vector.broadcast %lt3A_1716 : i32 to vector<16xi32>
      %lt3A_1718 = arith.cmpi slt, %xor3A_1715, %lt3A_1717 : vector<16xi32>
      %add3A_1719 = arith.constant 16 : i32
      %add3A_1720 = vector.broadcast %add3A_1719 : i32 to vector<16xi32>
      %add3A_1721 = arith.addi %xor3A_1715, %add3A_1720 : vector<16xi32>
      %select_n3A_1722 = arith.select %lt3A_1718, %add3A_1721, %xor3A_1715 : vector<16xi1>, vector<16xi32>
      %broadcast_in_dim3A_1723 = vector.shape_cast %select_n3A_1722 : vector<16xi32> to vector<16x1xi32>
      %gather3A_1724 = vector.shape_cast %broadcast_in_dim3A_1723 : vector<16x1xi32> to vector<16xi32>
      %gather3A_1725 = tpu.dynamic_gather %add3A_1072[%gather3A_1724] in [0] : vector<16xf32>, vector<16xi32> -> vector<16xf32>
      %xor3A_1726 = arith.constant 8 : i32
      %xor3A_1727 = vector.broadcast %xor3A_1726 : i32 to vector<16xi32>
      %xor3A_1728 = arith.xori %iota3A, %xor3A_1727 : vector<16xi32>
      %lt3A_1729 = arith.constant 0 : i32
      %lt3A_1730 = vector.broadcast %lt3A_1729 : i32 to vector<16xi32>
      %lt3A_1731 = arith.cmpi slt, %xor3A_1728, %lt3A_1730 : vector<16xi32>
      %add3A_1732 = arith.constant 16 : i32
      %add3A_1733 = vector.broadcast %add3A_1732 : i32 to vector<16xi32>
      %add3A_1734 = arith.addi %xor3A_1728, %add3A_1733 : vector<16xi32>
      %select_n3A_1735 = arith.select %lt3A_1731, %add3A_1734, %xor3A_1728 : vector<16xi1>, vector<16xi32>
      %broadcast_in_dim3A_1736 = vector.shape_cast %select_n3A_1735 : vector<16xi32> to vector<16x1xi32>
      %gather3A_1737 = vector.shape_cast %broadcast_in_dim3A_1736 : vector<16x1xi32> to vector<16xi32>
      %gather3A_1738 = tpu.dynamic_gather %add3A_1119[%gather3A_1737] in [0] : vector<16xf32>, vector<16xi32> -> vector<16xf32>
      %add3A_1739 = arith.addf %add3A_1072, %gather3A_1725 : vector<16xf32>
      %add3A_1740 = arith.addf %add3A_1119, %gather3A_1738 : vector<16xf32>
      %select_n3A_1741 = arith.select %eq3A_1688, %add3A_1739, %add3A_1740 : vector<16xi1>, vector<16xf32>
      %xor3A_1742 = arith.constant 8 : i32
      %xor3A_1743 = vector.broadcast %xor3A_1742 : i32 to vector<16xi32>
      %xor3A_1744 = arith.xori %iota3A, %xor3A_1743 : vector<16xi32>
      %lt3A_1745 = arith.constant 0 : i32
      %lt3A_1746 = vector.broadcast %lt3A_1745 : i32 to vector<16xi32>
      %lt3A_1747 = arith.cmpi slt, %xor3A_1744, %lt3A_1746 : vector<16xi32>
      %add3A_1748 = arith.constant 16 : i32
      %add3A_1749 = vector.broadcast %add3A_1748 : i32 to vector<16xi32>
      %add3A_1750 = arith.addi %xor3A_1744, %add3A_1749 : vector<16xi32>
      %select_n3A_1751 = arith.select %lt3A_1747, %add3A_1750, %xor3A_1744 : vector<16xi1>, vector<16xi32>
      %broadcast_in_dim3A_1752 = vector.shape_cast %select_n3A_1751 : vector<16xi32> to vector<16x1xi32>
      %gather3A_1753 = vector.shape_cast %broadcast_in_dim3A_1752 : vector<16x1xi32> to vector<16xi32>
      %gather3A_1754 = tpu.dynamic_gather %add3A_1166[%gather3A_1753] in [0] : vector<16xf32>, vector<16xi32> -> vector<16xf32>
      %xor3A_1755 = arith.constant 8 : i32
      %xor3A_1756 = vector.broadcast %xor3A_1755 : i32 to vector<16xi32>
      %xor3A_1757 = arith.xori %iota3A, %xor3A_1756 : vector<16xi32>
      %lt3A_1758 = arith.constant 0 : i32
      %lt3A_1759 = vector.broadcast %lt3A_1758 : i32 to vector<16xi32>
      %lt3A_1760 = arith.cmpi slt, %xor3A_1757, %lt3A_1759 : vector<16xi32>
      %add3A_1761 = arith.constant 16 : i32
      %add3A_1762 = vector.broadcast %add3A_1761 : i32 to vector<16xi32>
      %add3A_1763 = arith.addi %xor3A_1757, %add3A_1762 : vector<16xi32>
      %select_n3A_1764 = arith.select %lt3A_1760, %add3A_1763, %xor3A_1757 : vector<16xi1>, vector<16xi32>
      %broadcast_in_dim3A_1765 = vector.shape_cast %select_n3A_1764 : vector<16xi32> to vector<16x1xi32>
      %gather3A_1766 = vector.shape_cast %broadcast_in_dim3A_1765 : vector<16x1xi32> to vector<16xi32>
      %gather3A_1767 = tpu.dynamic_gather %add3A_1213[%gather3A_1766] in [0] : vector<16xf32>, vector<16xi32> -> vector<16xf32>
      %add3A_1768 = arith.addf %add3A_1166, %gather3A_1754 : vector<16xf32>
      %add3A_1769 = arith.addf %add3A_1213, %gather3A_1767 : vector<16xf32>
      %select_n3A_1770 = arith.select %eq3A_1688, %add3A_1768, %add3A_1769 : vector<16xi1>, vector<16xf32>
      %xor3A_1771 = arith.constant 8 : i32
      %xor3A_1772 = vector.broadcast %xor3A_1771 : i32 to vector<16xi32>
      %xor3A_1773 = arith.xori %iota3A, %xor3A_1772 : vector<16xi32>
      %lt3A_1774 = arith.constant 0 : i32
      %lt3A_1775 = vector.broadcast %lt3A_1774 : i32 to vector<16xi32>
      %lt3A_1776 = arith.cmpi slt, %xor3A_1773, %lt3A_1775 : vector<16xi32>
      %add3A_1777 = arith.constant 16 : i32
      %add3A_1778 = vector.broadcast %add3A_1777 : i32 to vector<16xi32>
      %add3A_1779 = arith.addi %xor3A_1773, %add3A_1778 : vector<16xi32>
      %select_n3A_1780 = arith.select %lt3A_1776, %add3A_1779, %xor3A_1773 : vector<16xi1>, vector<16xi32>
      %broadcast_in_dim3A_1781 = vector.shape_cast %select_n3A_1780 : vector<16xi32> to vector<16x1xi32>
      %gather3A_1782 = vector.shape_cast %broadcast_in_dim3A_1781 : vector<16x1xi32> to vector<16xi32>
      %gather3A_1783 = tpu.dynamic_gather %add3A_1260[%gather3A_1782] in [0] : vector<16xf32>, vector<16xi32> -> vector<16xf32>
      %xor3A_1784 = arith.constant 8 : i32
      %xor3A_1785 = vector.broadcast %xor3A_1784 : i32 to vector<16xi32>
      %xor3A_1786 = arith.xori %iota3A, %xor3A_1785 : vector<16xi32>
      %lt3A_1787 = arith.constant 0 : i32
      %lt3A_1788 = vector.broadcast %lt3A_1787 : i32 to vector<16xi32>
      %lt3A_1789 = arith.cmpi slt, %xor3A_1786, %lt3A_1788 : vector<16xi32>
      %add3A_1790 = arith.constant 16 : i32
      %add3A_1791 = vector.broadcast %add3A_1790 : i32 to vector<16xi32>
      %add3A_1792 = arith.addi %xor3A_1786, %add3A_1791 : vector<16xi32>
      %select_n3A_1793 = arith.select %lt3A_1789, %add3A_1792, %xor3A_1786 : vector<16xi1>, vector<16xi32>
      %broadcast_in_dim3A_1794 = vector.shape_cast %select_n3A_1793 : vector<16xi32> to vector<16x1xi32>
      %gather3A_1795 = vector.shape_cast %broadcast_in_dim3A_1794 : vector<16x1xi32> to vector<16xi32>
      %gather3A_1796 = tpu.dynamic_gather %add3A_1307[%gather3A_1795] in [0] : vector<16xf32>, vector<16xi32> -> vector<16xf32>
      %add3A_1797 = arith.addf %add3A_1260, %gather3A_1783 : vector<16xf32>
      %add3A_1798 = arith.addf %add3A_1307, %gather3A_1796 : vector<16xf32>
      %select_n3A_1799 = arith.select %eq3A_1688, %add3A_1797, %add3A_1798 : vector<16xi1>, vector<16xf32>
      %xor3A_1800 = arith.constant 8 : i32
      %xor3A_1801 = vector.broadcast %xor3A_1800 : i32 to vector<16xi32>
      %xor3A_1802 = arith.xori %iota3A, %xor3A_1801 : vector<16xi32>
      %lt3A_1803 = arith.constant 0 : i32
      %lt3A_1804 = vector.broadcast %lt3A_1803 : i32 to vector<16xi32>
      %lt3A_1805 = arith.cmpi slt, %xor3A_1802, %lt3A_1804 : vector<16xi32>
      %add3A_1806 = arith.constant 16 : i32
      %add3A_1807 = vector.broadcast %add3A_1806 : i32 to vector<16xi32>
      %add3A_1808 = arith.addi %xor3A_1802, %add3A_1807 : vector<16xi32>
      %select_n3A_1809 = arith.select %lt3A_1805, %add3A_1808, %xor3A_1802 : vector<16xi1>, vector<16xi32>
      %broadcast_in_dim3A_1810 = vector.shape_cast %select_n3A_1809 : vector<16xi32> to vector<16x1xi32>
      %gather3A_1811 = vector.shape_cast %broadcast_in_dim3A_1810 : vector<16x1xi32> to vector<16xi32>
      %gather3A_1812 = tpu.dynamic_gather %add3A_1354[%gather3A_1811] in [0] : vector<16xf32>, vector<16xi32> -> vector<16xf32>
      %xor3A_1813 = arith.constant 8 : i32
      %xor3A_1814 = vector.broadcast %xor3A_1813 : i32 to vector<16xi32>
      %xor3A_1815 = arith.xori %iota3A, %xor3A_1814 : vector<16xi32>
      %lt3A_1816 = arith.constant 0 : i32
      %lt3A_1817 = vector.broadcast %lt3A_1816 : i32 to vector<16xi32>
      %lt3A_1818 = arith.cmpi slt, %xor3A_1815, %lt3A_1817 : vector<16xi32>
      %add3A_1819 = arith.constant 16 : i32
      %add3A_1820 = vector.broadcast %add3A_1819 : i32 to vector<16xi32>
      %add3A_1821 = arith.addi %xor3A_1815, %add3A_1820 : vector<16xi32>
      %select_n3A_1822 = arith.select %lt3A_1818, %add3A_1821, %xor3A_1815 : vector<16xi1>, vector<16xi32>
      %broadcast_in_dim3A_1823 = vector.shape_cast %select_n3A_1822 : vector<16xi32> to vector<16x1xi32>
      %gather3A_1824 = vector.shape_cast %broadcast_in_dim3A_1823 : vector<16x1xi32> to vector<16xi32>
      %gather3A_1825 = tpu.dynamic_gather %add3A_1401[%gather3A_1824] in [0] : vector<16xf32>, vector<16xi32> -> vector<16xf32>
      %add3A_1826 = arith.addf %add3A_1354, %gather3A_1812 : vector<16xf32>
      %add3A_1827 = arith.addf %add3A_1401, %gather3A_1825 : vector<16xf32>
      %select_n3A_1828 = arith.select %eq3A_1688, %add3A_1826, %add3A_1827 : vector<16xi1>, vector<16xf32>
      %xor3A_1829 = arith.constant 8 : i32
      %xor3A_1830 = vector.broadcast %xor3A_1829 : i32 to vector<16xi32>
      %xor3A_1831 = arith.xori %iota3A, %xor3A_1830 : vector<16xi32>
      %lt3A_1832 = arith.constant 0 : i32
      %lt3A_1833 = vector.broadcast %lt3A_1832 : i32 to vector<16xi32>
      %lt3A_1834 = arith.cmpi slt, %xor3A_1831, %lt3A_1833 : vector<16xi32>
      %add3A_1835 = arith.constant 16 : i32
      %add3A_1836 = vector.broadcast %add3A_1835 : i32 to vector<16xi32>
      %add3A_1837 = arith.addi %xor3A_1831, %add3A_1836 : vector<16xi32>
      %select_n3A_1838 = arith.select %lt3A_1834, %add3A_1837, %xor3A_1831 : vector<16xi1>, vector<16xi32>
      %broadcast_in_dim3A_1839 = vector.shape_cast %select_n3A_1838 : vector<16xi32> to vector<16x1xi32>
      %gather3A_1840 = vector.shape_cast %broadcast_in_dim3A_1839 : vector<16x1xi32> to vector<16xi32>
      %gather3A_1841 = tpu.dynamic_gather %add3A_1448[%gather3A_1840] in [0] : vector<16xf32>, vector<16xi32> -> vector<16xf32>
      %xor3A_1842 = arith.constant 8 : i32
      %xor3A_1843 = vector.broadcast %xor3A_1842 : i32 to vector<16xi32>
      %xor3A_1844 = arith.xori %iota3A, %xor3A_1843 : vector<16xi32>
      %lt3A_1845 = arith.constant 0 : i32
      %lt3A_1846 = vector.broadcast %lt3A_1845 : i32 to vector<16xi32>
      %lt3A_1847 = arith.cmpi slt, %xor3A_1844, %lt3A_1846 : vector<16xi32>
      %add3A_1848 = arith.constant 16 : i32
      %add3A_1849 = vector.broadcast %add3A_1848 : i32 to vector<16xi32>
      %add3A_1850 = arith.addi %xor3A_1844, %add3A_1849 : vector<16xi32>
      %select_n3A_1851 = arith.select %lt3A_1847, %add3A_1850, %xor3A_1844 : vector<16xi1>, vector<16xi32>
      %broadcast_in_dim3A_1852 = vector.shape_cast %select_n3A_1851 : vector<16xi32> to vector<16x1xi32>
      %gather3A_1853 = vector.shape_cast %broadcast_in_dim3A_1852 : vector<16x1xi32> to vector<16xi32>
      %gather3A_1854 = tpu.dynamic_gather %add3A_1495[%gather3A_1853] in [0] : vector<16xf32>, vector<16xi32> -> vector<16xf32>
      %add3A_1855 = arith.addf %add3A_1448, %gather3A_1841 : vector<16xf32>
      %add3A_1856 = arith.addf %add3A_1495, %gather3A_1854 : vector<16xf32>
      %select_n3A_1857 = arith.select %eq3A_1688, %add3A_1855, %add3A_1856 : vector<16xi1>, vector<16xf32>
      %xor3A_1858 = arith.constant 8 : i32
      %xor3A_1859 = vector.broadcast %xor3A_1858 : i32 to vector<16xi32>
      %xor3A_1860 = arith.xori %iota3A, %xor3A_1859 : vector<16xi32>
      %lt3A_1861 = arith.constant 0 : i32
      %lt3A_1862 = vector.broadcast %lt3A_1861 : i32 to vector<16xi32>
      %lt3A_1863 = arith.cmpi slt, %xor3A_1860, %lt3A_1862 : vector<16xi32>
      %add3A_1864 = arith.constant 16 : i32
      %add3A_1865 = vector.broadcast %add3A_1864 : i32 to vector<16xi32>
      %add3A_1866 = arith.addi %xor3A_1860, %add3A_1865 : vector<16xi32>
      %select_n3A_1867 = arith.select %lt3A_1863, %add3A_1866, %xor3A_1860 : vector<16xi1>, vector<16xi32>
      %broadcast_in_dim3A_1868 = vector.shape_cast %select_n3A_1867 : vector<16xi32> to vector<16x1xi32>
      %gather3A_1869 = vector.shape_cast %broadcast_in_dim3A_1868 : vector<16x1xi32> to vector<16xi32>
      %gather3A_1870 = tpu.dynamic_gather %add3A_1542[%gather3A_1869] in [0] : vector<16xf32>, vector<16xi32> -> vector<16xf32>
      %xor3A_1871 = arith.constant 8 : i32
      %xor3A_1872 = vector.broadcast %xor3A_1871 : i32 to vector<16xi32>
      %xor3A_1873 = arith.xori %iota3A, %xor3A_1872 : vector<16xi32>
      %lt3A_1874 = arith.constant 0 : i32
      %lt3A_1875 = vector.broadcast %lt3A_1874 : i32 to vector<16xi32>
      %lt3A_1876 = arith.cmpi slt, %xor3A_1873, %lt3A_1875 : vector<16xi32>
      %add3A_1877 = arith.constant 16 : i32
      %add3A_1878 = vector.broadcast %add3A_1877 : i32 to vector<16xi32>
      %add3A_1879 = arith.addi %xor3A_1873, %add3A_1878 : vector<16xi32>
      %select_n3A_1880 = arith.select %lt3A_1876, %add3A_1879, %xor3A_1873 : vector<16xi1>, vector<16xi32>
      %broadcast_in_dim3A_1881 = vector.shape_cast %select_n3A_1880 : vector<16xi32> to vector<16x1xi32>
      %gather3A_1882 = vector.shape_cast %broadcast_in_dim3A_1881 : vector<16x1xi32> to vector<16xi32>
      %gather3A_1883 = tpu.dynamic_gather %add3A_1589[%gather3A_1882] in [0] : vector<16xf32>, vector<16xi32> -> vector<16xf32>
      %add3A_1884 = arith.addf %add3A_1542, %gather3A_1870 : vector<16xf32>
      %add3A_1885 = arith.addf %add3A_1589, %gather3A_1883 : vector<16xf32>
      %select_n3A_1886 = arith.select %eq3A_1688, %add3A_1884, %add3A_1885 : vector<16xi1>, vector<16xf32>
      %xor3A_1887 = arith.constant 8 : i32
      %xor3A_1888 = vector.broadcast %xor3A_1887 : i32 to vector<16xi32>
      %xor3A_1889 = arith.xori %iota3A, %xor3A_1888 : vector<16xi32>
      %lt3A_1890 = arith.constant 0 : i32
      %lt3A_1891 = vector.broadcast %lt3A_1890 : i32 to vector<16xi32>
      %lt3A_1892 = arith.cmpi slt, %xor3A_1889, %lt3A_1891 : vector<16xi32>
      %add3A_1893 = arith.constant 16 : i32
      %add3A_1894 = vector.broadcast %add3A_1893 : i32 to vector<16xi32>
      %add3A_1895 = arith.addi %xor3A_1889, %add3A_1894 : vector<16xi32>
      %select_n3A_1896 = arith.select %lt3A_1892, %add3A_1895, %xor3A_1889 : vector<16xi1>, vector<16xi32>
      %broadcast_in_dim3A_1897 = vector.shape_cast %select_n3A_1896 : vector<16xi32> to vector<16x1xi32>
      %gather3A_1898 = vector.shape_cast %broadcast_in_dim3A_1897 : vector<16x1xi32> to vector<16xi32>
      %gather3A_1899 = tpu.dynamic_gather %add3A_1636[%gather3A_1898] in [0] : vector<16xf32>, vector<16xi32> -> vector<16xf32>
      %xor3A_1900 = arith.constant 8 : i32
      %xor3A_1901 = vector.broadcast %xor3A_1900 : i32 to vector<16xi32>
      %xor3A_1902 = arith.xori %iota3A, %xor3A_1901 : vector<16xi32>
      %lt3A_1903 = arith.constant 0 : i32
      %lt3A_1904 = vector.broadcast %lt3A_1903 : i32 to vector<16xi32>
      %lt3A_1905 = arith.cmpi slt, %xor3A_1902, %lt3A_1904 : vector<16xi32>
      %add3A_1906 = arith.constant 16 : i32
      %add3A_1907 = vector.broadcast %add3A_1906 : i32 to vector<16xi32>
      %add3A_1908 = arith.addi %xor3A_1902, %add3A_1907 : vector<16xi32>
      %select_n3A_1909 = arith.select %lt3A_1905, %add3A_1908, %xor3A_1902 : vector<16xi1>, vector<16xi32>
      %broadcast_in_dim3A_1910 = vector.shape_cast %select_n3A_1909 : vector<16xi32> to vector<16x1xi32>
      %gather3A_1911 = vector.shape_cast %broadcast_in_dim3A_1910 : vector<16x1xi32> to vector<16xi32>
      %gather3A_1912 = tpu.dynamic_gather %add3A_1683[%gather3A_1911] in [0] : vector<16xf32>, vector<16xi32> -> vector<16xf32>
      %add3A_1913 = arith.addf %add3A_1636, %gather3A_1899 : vector<16xf32>
      %add3A_1914 = arith.addf %add3A_1683, %gather3A_1912 : vector<16xf32>
      %select_n3A_1915 = arith.select %eq3A_1688, %add3A_1913, %add3A_1914 : vector<16xi1>, vector<16xf32>
      %and3A_1916 = arith.constant 4 : i32
      %and3A_1917 = vector.broadcast %and3A_1916 : i32 to vector<16xi32>
      %and3A_1918 = arith.andi %iota3A, %and3A_1917 : vector<16xi32>
      %eq3A_1919 = arith.constant 0 : i32
      %eq3A_1920 = vector.broadcast %eq3A_1919 : i32 to vector<16xi32>
      %eq3A_1921 = arith.cmpi eq, %and3A_1918, %eq3A_1920 : vector<16xi32>
      %xor3A_1922 = arith.constant 4 : i32
      %xor3A_1923 = vector.broadcast %xor3A_1922 : i32 to vector<16xi32>
      %xor3A_1924 = arith.xori %iota3A, %xor3A_1923 : vector<16xi32>
      %lt3A_1925 = arith.constant 0 : i32
      %lt3A_1926 = vector.broadcast %lt3A_1925 : i32 to vector<16xi32>
      %lt3A_1927 = arith.cmpi slt, %xor3A_1924, %lt3A_1926 : vector<16xi32>
      %add3A_1928 = arith.constant 16 : i32
      %add3A_1929 = vector.broadcast %add3A_1928 : i32 to vector<16xi32>
      %add3A_1930 = arith.addi %xor3A_1924, %add3A_1929 : vector<16xi32>
      %select_n3A_1931 = arith.select %lt3A_1927, %add3A_1930, %xor3A_1924 : vector<16xi1>, vector<16xi32>
      %broadcast_in_dim3A_1932 = vector.shape_cast %select_n3A_1931 : vector<16xi32> to vector<16x1xi32>
      %gather3A_1933 = vector.shape_cast %broadcast_in_dim3A_1932 : vector<16x1xi32> to vector<16xi32>
      %gather3A_1934 = tpu.dynamic_gather %select_n3A_1712[%gather3A_1933] in [0] : vector<16xf32>, vector<16xi32> -> vector<16xf32>
      %xor3A_1935 = arith.constant 4 : i32
      %xor3A_1936 = vector.broadcast %xor3A_1935 : i32 to vector<16xi32>
      %xor3A_1937 = arith.xori %iota3A, %xor3A_1936 : vector<16xi32>
      %lt3A_1938 = arith.constant 0 : i32
      %lt3A_1939 = vector.broadcast %lt3A_1938 : i32 to vector<16xi32>
      %lt3A_1940 = arith.cmpi slt, %xor3A_1937, %lt3A_1939 : vector<16xi32>
      %add3A_1941 = arith.constant 16 : i32
      %add3A_1942 = vector.broadcast %add3A_1941 : i32 to vector<16xi32>
      %add3A_1943 = arith.addi %xor3A_1937, %add3A_1942 : vector<16xi32>
      %select_n3A_1944 = arith.select %lt3A_1940, %add3A_1943, %xor3A_1937 : vector<16xi1>, vector<16xi32>
      %broadcast_in_dim3A_1945 = vector.shape_cast %select_n3A_1944 : vector<16xi32> to vector<16x1xi32>
      %gather3A_1946 = vector.shape_cast %broadcast_in_dim3A_1945 : vector<16x1xi32> to vector<16xi32>
      %gather3A_1947 = tpu.dynamic_gather %select_n3A_1741[%gather3A_1946] in [0] : vector<16xf32>, vector<16xi32> -> vector<16xf32>
      %add3A_1948 = arith.addf %select_n3A_1712, %gather3A_1934 : vector<16xf32>
      %add3A_1949 = arith.addf %select_n3A_1741, %gather3A_1947 : vector<16xf32>
      %select_n3A_1950 = arith.select %eq3A_1921, %add3A_1948, %add3A_1949 : vector<16xi1>, vector<16xf32>
      %xor3A_1951 = arith.constant 4 : i32
      %xor3A_1952 = vector.broadcast %xor3A_1951 : i32 to vector<16xi32>
      %xor3A_1953 = arith.xori %iota3A, %xor3A_1952 : vector<16xi32>
      %lt3A_1954 = arith.constant 0 : i32
      %lt3A_1955 = vector.broadcast %lt3A_1954 : i32 to vector<16xi32>
      %lt3A_1956 = arith.cmpi slt, %xor3A_1953, %lt3A_1955 : vector<16xi32>
      %add3A_1957 = arith.constant 16 : i32
      %add3A_1958 = vector.broadcast %add3A_1957 : i32 to vector<16xi32>
      %add3A_1959 = arith.addi %xor3A_1953, %add3A_1958 : vector<16xi32>
      %select_n3A_1960 = arith.select %lt3A_1956, %add3A_1959, %xor3A_1953 : vector<16xi1>, vector<16xi32>
      %broadcast_in_dim3A_1961 = vector.shape_cast %select_n3A_1960 : vector<16xi32> to vector<16x1xi32>
      %gather3A_1962 = vector.shape_cast %broadcast_in_dim3A_1961 : vector<16x1xi32> to vector<16xi32>
      %gather3A_1963 = tpu.dynamic_gather %select_n3A_1770[%gather3A_1962] in [0] : vector<16xf32>, vector<16xi32> -> vector<16xf32>
      %xor3A_1964 = arith.constant 4 : i32
      %xor3A_1965 = vector.broadcast %xor3A_1964 : i32 to vector<16xi32>
      %xor3A_1966 = arith.xori %iota3A, %xor3A_1965 : vector<16xi32>
      %lt3A_1967 = arith.constant 0 : i32
      %lt3A_1968 = vector.broadcast %lt3A_1967 : i32 to vector<16xi32>
      %lt3A_1969 = arith.cmpi slt, %xor3A_1966, %lt3A_1968 : vector<16xi32>
      %add3A_1970 = arith.constant 16 : i32
      %add3A_1971 = vector.broadcast %add3A_1970 : i32 to vector<16xi32>
      %add3A_1972 = arith.addi %xor3A_1966, %add3A_1971 : vector<16xi32>
      %select_n3A_1973 = arith.select %lt3A_1969, %add3A_1972, %xor3A_1966 : vector<16xi1>, vector<16xi32>
      %broadcast_in_dim3A_1974 = vector.shape_cast %select_n3A_1973 : vector<16xi32> to vector<16x1xi32>
      %gather3A_1975 = vector.shape_cast %broadcast_in_dim3A_1974 : vector<16x1xi32> to vector<16xi32>
      %gather3A_1976 = tpu.dynamic_gather %select_n3A_1799[%gather3A_1975] in [0] : vector<16xf32>, vector<16xi32> -> vector<16xf32>
      %add3A_1977 = arith.addf %select_n3A_1770, %gather3A_1963 : vector<16xf32>
      %add3A_1978 = arith.addf %select_n3A_1799, %gather3A_1976 : vector<16xf32>
      %select_n3A_1979 = arith.select %eq3A_1921, %add3A_1977, %add3A_1978 : vector<16xi1>, vector<16xf32>
      %xor3A_1980 = arith.constant 4 : i32
      %xor3A_1981 = vector.broadcast %xor3A_1980 : i32 to vector<16xi32>
      %xor3A_1982 = arith.xori %iota3A, %xor3A_1981 : vector<16xi32>
      %lt3A_1983 = arith.constant 0 : i32
      %lt3A_1984 = vector.broadcast %lt3A_1983 : i32 to vector<16xi32>
      %lt3A_1985 = arith.cmpi slt, %xor3A_1982, %lt3A_1984 : vector<16xi32>
      %add3A_1986 = arith.constant 16 : i32
      %add3A_1987 = vector.broadcast %add3A_1986 : i32 to vector<16xi32>
      %add3A_1988 = arith.addi %xor3A_1982, %add3A_1987 : vector<16xi32>
      %select_n3A_1989 = arith.select %lt3A_1985, %add3A_1988, %xor3A_1982 : vector<16xi1>, vector<16xi32>
      %broadcast_in_dim3A_1990 = vector.shape_cast %select_n3A_1989 : vector<16xi32> to vector<16x1xi32>
      %gather3A_1991 = vector.shape_cast %broadcast_in_dim3A_1990 : vector<16x1xi32> to vector<16xi32>
      %gather3A_1992 = tpu.dynamic_gather %select_n3A_1828[%gather3A_1991] in [0] : vector<16xf32>, vector<16xi32> -> vector<16xf32>
      %xor3A_1993 = arith.constant 4 : i32
      %xor3A_1994 = vector.broadcast %xor3A_1993 : i32 to vector<16xi32>
      %xor3A_1995 = arith.xori %iota3A, %xor3A_1994 : vector<16xi32>
      %lt3A_1996 = arith.constant 0 : i32
      %lt3A_1997 = vector.broadcast %lt3A_1996 : i32 to vector<16xi32>
      %lt3A_1998 = arith.cmpi slt, %xor3A_1995, %lt3A_1997 : vector<16xi32>
      %add3A_1999 = arith.constant 16 : i32
      %add3A_2000 = vector.broadcast %add3A_1999 : i32 to vector<16xi32>
      %add3A_2001 = arith.addi %xor3A_1995, %add3A_2000 : vector<16xi32>
      %select_n3A_2002 = arith.select %lt3A_1998, %add3A_2001, %xor3A_1995 : vector<16xi1>, vector<16xi32>
      %broadcast_in_dim3A_2003 = vector.shape_cast %select_n3A_2002 : vector<16xi32> to vector<16x1xi32>
      %gather3A_2004 = vector.shape_cast %broadcast_in_dim3A_2003 : vector<16x1xi32> to vector<16xi32>
      %gather3A_2005 = tpu.dynamic_gather %select_n3A_1857[%gather3A_2004] in [0] : vector<16xf32>, vector<16xi32> -> vector<16xf32>
      %add3A_2006 = arith.addf %select_n3A_1828, %gather3A_1992 : vector<16xf32>
      %add3A_2007 = arith.addf %select_n3A_1857, %gather3A_2005 : vector<16xf32>
      %select_n3A_2008 = arith.select %eq3A_1921, %add3A_2006, %add3A_2007 : vector<16xi1>, vector<16xf32>
      %xor3A_2009 = arith.constant 4 : i32
      %xor3A_2010 = vector.broadcast %xor3A_2009 : i32 to vector<16xi32>
      %xor3A_2011 = arith.xori %iota3A, %xor3A_2010 : vector<16xi32>
      %lt3A_2012 = arith.constant 0 : i32
      %lt3A_2013 = vector.broadcast %lt3A_2012 : i32 to vector<16xi32>
      %lt3A_2014 = arith.cmpi slt, %xor3A_2011, %lt3A_2013 : vector<16xi32>
      %add3A_2015 = arith.constant 16 : i32
      %add3A_2016 = vector.broadcast %add3A_2015 : i32 to vector<16xi32>
      %add3A_2017 = arith.addi %xor3A_2011, %add3A_2016 : vector<16xi32>
      %select_n3A_2018 = arith.select %lt3A_2014, %add3A_2017, %xor3A_2011 : vector<16xi1>, vector<16xi32>
      %broadcast_in_dim3A_2019 = vector.shape_cast %select_n3A_2018 : vector<16xi32> to vector<16x1xi32>
      %gather3A_2020 = vector.shape_cast %broadcast_in_dim3A_2019 : vector<16x1xi32> to vector<16xi32>
      %gather3A_2021 = tpu.dynamic_gather %select_n3A_1886[%gather3A_2020] in [0] : vector<16xf32>, vector<16xi32> -> vector<16xf32>
      %xor3A_2022 = arith.constant 4 : i32
      %xor3A_2023 = vector.broadcast %xor3A_2022 : i32 to vector<16xi32>
      %xor3A_2024 = arith.xori %iota3A, %xor3A_2023 : vector<16xi32>
      %lt3A_2025 = arith.constant 0 : i32
      %lt3A_2026 = vector.broadcast %lt3A_2025 : i32 to vector<16xi32>
      %lt3A_2027 = arith.cmpi slt, %xor3A_2024, %lt3A_2026 : vector<16xi32>
      %add3A_2028 = arith.constant 16 : i32
      %add3A_2029 = vector.broadcast %add3A_2028 : i32 to vector<16xi32>
      %add3A_2030 = arith.addi %xor3A_2024, %add3A_2029 : vector<16xi32>
      %select_n3A_2031 = arith.select %lt3A_2027, %add3A_2030, %xor3A_2024 : vector<16xi1>, vector<16xi32>
      %broadcast_in_dim3A_2032 = vector.shape_cast %select_n3A_2031 : vector<16xi32> to vector<16x1xi32>
      %gather3A_2033 = vector.shape_cast %broadcast_in_dim3A_2032 : vector<16x1xi32> to vector<16xi32>
      %gather3A_2034 = tpu.dynamic_gather %select_n3A_1915[%gather3A_2033] in [0] : vector<16xf32>, vector<16xi32> -> vector<16xf32>
      %add3A_2035 = arith.addf %select_n3A_1886, %gather3A_2021 : vector<16xf32>
      %add3A_2036 = arith.addf %select_n3A_1915, %gather3A_2034 : vector<16xf32>
      %select_n3A_2037 = arith.select %eq3A_1921, %add3A_2035, %add3A_2036 : vector<16xi1>, vector<16xf32>
      %and3A_2038 = arith.constant 2 : i32
      %and3A_2039 = vector.broadcast %and3A_2038 : i32 to vector<16xi32>
      %and3A_2040 = arith.andi %iota3A, %and3A_2039 : vector<16xi32>
      %eq3A_2041 = arith.constant 0 : i32
      %eq3A_2042 = vector.broadcast %eq3A_2041 : i32 to vector<16xi32>
      %eq3A_2043 = arith.cmpi eq, %and3A_2040, %eq3A_2042 : vector<16xi32>
      %xor3A_2044 = arith.constant 2 : i32
      %xor3A_2045 = vector.broadcast %xor3A_2044 : i32 to vector<16xi32>
      %xor3A_2046 = arith.xori %iota3A, %xor3A_2045 : vector<16xi32>
      %lt3A_2047 = arith.constant 0 : i32
      %lt3A_2048 = vector.broadcast %lt3A_2047 : i32 to vector<16xi32>
      %lt3A_2049 = arith.cmpi slt, %xor3A_2046, %lt3A_2048 : vector<16xi32>
      %add3A_2050 = arith.constant 16 : i32
      %add3A_2051 = vector.broadcast %add3A_2050 : i32 to vector<16xi32>
      %add3A_2052 = arith.addi %xor3A_2046, %add3A_2051 : vector<16xi32>
      %select_n3A_2053 = arith.select %lt3A_2049, %add3A_2052, %xor3A_2046 : vector<16xi1>, vector<16xi32>
      %broadcast_in_dim3A_2054 = vector.shape_cast %select_n3A_2053 : vector<16xi32> to vector<16x1xi32>
      %gather3A_2055 = vector.shape_cast %broadcast_in_dim3A_2054 : vector<16x1xi32> to vector<16xi32>
      %gather3A_2056 = tpu.dynamic_gather %select_n3A_1950[%gather3A_2055] in [0] : vector<16xf32>, vector<16xi32> -> vector<16xf32>
      %xor3A_2057 = arith.constant 2 : i32
      %xor3A_2058 = vector.broadcast %xor3A_2057 : i32 to vector<16xi32>
      %xor3A_2059 = arith.xori %iota3A, %xor3A_2058 : vector<16xi32>
      %lt3A_2060 = arith.constant 0 : i32
      %lt3A_2061 = vector.broadcast %lt3A_2060 : i32 to vector<16xi32>
      %lt3A_2062 = arith.cmpi slt, %xor3A_2059, %lt3A_2061 : vector<16xi32>
      %add3A_2063 = arith.constant 16 : i32
      %add3A_2064 = vector.broadcast %add3A_2063 : i32 to vector<16xi32>
      %add3A_2065 = arith.addi %xor3A_2059, %add3A_2064 : vector<16xi32>
      %select_n3A_2066 = arith.select %lt3A_2062, %add3A_2065, %xor3A_2059 : vector<16xi1>, vector<16xi32>
      %broadcast_in_dim3A_2067 = vector.shape_cast %select_n3A_2066 : vector<16xi32> to vector<16x1xi32>
      %gather3A_2068 = vector.shape_cast %broadcast_in_dim3A_2067 : vector<16x1xi32> to vector<16xi32>
      %gather3A_2069 = tpu.dynamic_gather %select_n3A_1979[%gather3A_2068] in [0] : vector<16xf32>, vector<16xi32> -> vector<16xf32>
      %add3A_2070 = arith.addf %select_n3A_1950, %gather3A_2056 : vector<16xf32>
      %add3A_2071 = arith.addf %select_n3A_1979, %gather3A_2069 : vector<16xf32>
      %select_n3A_2072 = arith.select %eq3A_2043, %add3A_2070, %add3A_2071 : vector<16xi1>, vector<16xf32>
      %xor3A_2073 = arith.constant 2 : i32
      %xor3A_2074 = vector.broadcast %xor3A_2073 : i32 to vector<16xi32>
      %xor3A_2075 = arith.xori %iota3A, %xor3A_2074 : vector<16xi32>
      %lt3A_2076 = arith.constant 0 : i32
      %lt3A_2077 = vector.broadcast %lt3A_2076 : i32 to vector<16xi32>
      %lt3A_2078 = arith.cmpi slt, %xor3A_2075, %lt3A_2077 : vector<16xi32>
      %add3A_2079 = arith.constant 16 : i32
      %add3A_2080 = vector.broadcast %add3A_2079 : i32 to vector<16xi32>
      %add3A_2081 = arith.addi %xor3A_2075, %add3A_2080 : vector<16xi32>
      %select_n3A_2082 = arith.select %lt3A_2078, %add3A_2081, %xor3A_2075 : vector<16xi1>, vector<16xi32>
      %broadcast_in_dim3A_2083 = vector.shape_cast %select_n3A_2082 : vector<16xi32> to vector<16x1xi32>
      %gather3A_2084 = vector.shape_cast %broadcast_in_dim3A_2083 : vector<16x1xi32> to vector<16xi32>
      %gather3A_2085 = tpu.dynamic_gather %select_n3A_2008[%gather3A_2084] in [0] : vector<16xf32>, vector<16xi32> -> vector<16xf32>
      %xor3A_2086 = arith.constant 2 : i32
      %xor3A_2087 = vector.broadcast %xor3A_2086 : i32 to vector<16xi32>
      %xor3A_2088 = arith.xori %iota3A, %xor3A_2087 : vector<16xi32>
      %lt3A_2089 = arith.constant 0 : i32
      %lt3A_2090 = vector.broadcast %lt3A_2089 : i32 to vector<16xi32>
      %lt3A_2091 = arith.cmpi slt, %xor3A_2088, %lt3A_2090 : vector<16xi32>
      %add3A_2092 = arith.constant 16 : i32
      %add3A_2093 = vector.broadcast %add3A_2092 : i32 to vector<16xi32>
      %add3A_2094 = arith.addi %xor3A_2088, %add3A_2093 : vector<16xi32>
      %select_n3A_2095 = arith.select %lt3A_2091, %add3A_2094, %xor3A_2088 : vector<16xi1>, vector<16xi32>
      %broadcast_in_dim3A_2096 = vector.shape_cast %select_n3A_2095 : vector<16xi32> to vector<16x1xi32>
      %gather3A_2097 = vector.shape_cast %broadcast_in_dim3A_2096 : vector<16x1xi32> to vector<16xi32>
      %gather3A_2098 = tpu.dynamic_gather %select_n3A_2037[%gather3A_2097] in [0] : vector<16xf32>, vector<16xi32> -> vector<16xf32>
      %add3A_2099 = arith.addf %select_n3A_2008, %gather3A_2085 : vector<16xf32>
      %add3A_2100 = arith.addf %select_n3A_2037, %gather3A_2098 : vector<16xf32>
      %select_n3A_2101 = arith.select %eq3A_2043, %add3A_2099, %add3A_2100 : vector<16xi1>, vector<16xf32>
      %and3A_2102 = arith.constant 1 : i32
      %and3A_2103 = vector.broadcast %and3A_2102 : i32 to vector<16xi32>
      %and3A_2104 = arith.andi %iota3A, %and3A_2103 : vector<16xi32>
      %eq3A_2105 = arith.constant 0 : i32
      %eq3A_2106 = vector.broadcast %eq3A_2105 : i32 to vector<16xi32>
      %eq3A_2107 = arith.cmpi eq, %and3A_2104, %eq3A_2106 : vector<16xi32>
      %xor3A_2108 = arith.constant 1 : i32
      %xor3A_2109 = vector.broadcast %xor3A_2108 : i32 to vector<16xi32>
      %xor3A_2110 = arith.xori %iota3A, %xor3A_2109 : vector<16xi32>
      %lt3A_2111 = arith.constant 0 : i32
      %lt3A_2112 = vector.broadcast %lt3A_2111 : i32 to vector<16xi32>
      %lt3A_2113 = arith.cmpi slt, %xor3A_2110, %lt3A_2112 : vector<16xi32>
      %add3A_2114 = arith.constant 16 : i32
      %add3A_2115 = vector.broadcast %add3A_2114 : i32 to vector<16xi32>
      %add3A_2116 = arith.addi %xor3A_2110, %add3A_2115 : vector<16xi32>
      %select_n3A_2117 = arith.select %lt3A_2113, %add3A_2116, %xor3A_2110 : vector<16xi1>, vector<16xi32>
      %broadcast_in_dim3A_2118 = vector.shape_cast %select_n3A_2117 : vector<16xi32> to vector<16x1xi32>
      %gather3A_2119 = vector.shape_cast %broadcast_in_dim3A_2118 : vector<16x1xi32> to vector<16xi32>
      %gather3A_2120 = tpu.dynamic_gather %select_n3A_2072[%gather3A_2119] in [0] : vector<16xf32>, vector<16xi32> -> vector<16xf32>
      %xor3A_2121 = arith.constant 1 : i32
      %xor3A_2122 = vector.broadcast %xor3A_2121 : i32 to vector<16xi32>
      %xor3A_2123 = arith.xori %iota3A, %xor3A_2122 : vector<16xi32>
      %lt3A_2124 = arith.constant 0 : i32
      %lt3A_2125 = vector.broadcast %lt3A_2124 : i32 to vector<16xi32>
      %lt3A_2126 = arith.cmpi slt, %xor3A_2123, %lt3A_2125 : vector<16xi32>
      %add3A_2127 = arith.constant 16 : i32
      %add3A_2128 = vector.broadcast %add3A_2127 : i32 to vector<16xi32>
      %add3A_2129 = arith.addi %xor3A_2123, %add3A_2128 : vector<16xi32>
      %select_n3A_2130 = arith.select %lt3A_2126, %add3A_2129, %xor3A_2123 : vector<16xi1>, vector<16xi32>
      %broadcast_in_dim3A_2131 = vector.shape_cast %select_n3A_2130 : vector<16xi32> to vector<16x1xi32>
      %gather3A_2132 = vector.shape_cast %broadcast_in_dim3A_2131 : vector<16x1xi32> to vector<16xi32>
      %gather3A_2133 = tpu.dynamic_gather %select_n3A_2101[%gather3A_2132] in [0] : vector<16xf32>, vector<16xi32> -> vector<16xf32>
      %add3A_2134 = arith.addf %select_n3A_2072, %gather3A_2120 : vector<16xf32>
      %add3A_2135 = arith.addf %select_n3A_2101, %gather3A_2133 : vector<16xf32>
      %select_n3A_2136 = arith.select %eq3A_2107, %add3A_2134, %add3A_2135 : vector<16xi1>, vector<16xf32>
      %lt3A_2137 = arith.constant 0 : i32
      %lt3A_2138 = vector.broadcast %lt3A_2137 : i32 to vector<16xi32>
      %lt3A_2139 = arith.cmpi slt, %or3A_25, %lt3A_2138 : vector<16xi32>
      %add3A_2140 = arith.constant 16 : i32
      %add3A_2141 = vector.broadcast %add3A_2140 : i32 to vector<16xi32>
      %add3A_2142 = arith.addi %or3A_25, %add3A_2141 : vector<16xi32>
      %select_n3A_2143 = arith.select %lt3A_2139, %add3A_2142, %or3A_25 : vector<16xi1>, vector<16xi32>
      %broadcast_in_dim3A_2144 = vector.shape_cast %select_n3A_2143 : vector<16xi32> to vector<16x1xi32>
      %gather3A_2145 = vector.shape_cast %broadcast_in_dim3A_2144 : vector<16x1xi32> to vector<16xi32>
      %gather3A_2146 = tpu.dynamic_gather %select_n3A_2136[%gather3A_2145] in [0] : vector<16xf32>, vector<16xi32> -> vector<16xf32>
      %neg3A = arith.constant 0.000000e+00 : f32
      %neg3A_2147 = vector.broadcast %neg3A : f32 to vector<16xf32>
      %neg3A_2148 = arith.subf %neg3A_2147, %gather3A_2146 : vector<16xf32>
      %exp3A = math.exp %neg3A_2148 : vector<16xf32>
      %add3A_2149 = arith.constant 1.000000e+00 : f32
      %add3A_2150 = vector.broadcast %add3A_2149 : f32 to vector<16xf32>
      %add3A_2151 = arith.addf %add3A_2150, %exp3A : vector<16xf32>
      %div3A = arith.constant 1.000000e+00 : f32
      %div3A_2152 = vector.broadcast %div3A : f32 to vector<16xf32>
      %div3A_2153 = arith.divf %div3A_2152, %add3A_2151 : vector<16xf32>
      %swap3A_2154 = arith.index_cast %mul3A_35 : i32 to index
      %swap3A_2155 = tpu.vector_load %arg13[%swap3A_2154] {strides = array<i32>} : memref<512xf32, #tpu.memory_space<vmem>>, vector<16xf32>,
      %swap3A_2156 = vector.shape_cast %swap3A_2155 : vector<16xf32> to vector<16xf32>
      %swap3A_2157 = vector.shape_cast %div3A_2153 : vector<16xf32> to vector<16xf32>
      tpu.vector_store %arg13[%swap3A_2154], %swap3A_2157 {strides = array<i32>} : memref<512xf32, #tpu.memory_space<vmem>>, vector<16xf32>,
    }
    %scan3A_30 = arith.constant 32 : i32
    %mul3A_31 = arith.constant 32 : i32
    %mul3A_32 = arith.muli %mul3A_2, %mul3A_31 : i32
    "tpu.region"() ({
      %run_scoped3A = tpu.sem_alloc : memref<!tpu.dma_semaphore, #tpu.memory_space<semaphore_mem>>
      %dma_start3A = tpu.memref_slice %arg7[%mul3A_32] : memref<524288xf32, #tpu.memory_space<hbm>> -> memref<16384xf32, #tpu.memory_space<hbm>>
      %dma_start3A_33 = tpu.memref_slice %arg7[%mul3A_32] : memref<524288xf32, #tpu.memory_space<hbm>> -> memref<16384xf32, #tpu.memory_space<hbm>>
      tpu.enqueue_dma source(%arg12 : memref<16384xf32, #tpu.memory_space<vmem>>) target(%dma_start3A_33 : memref<16384xf32, #tpu.memory_space<hbm>>) target_semaphore(%run_scoped3A : memref<!tpu.dma_semaphore, #tpu.memory_space<semaphore_mem>>)
      %dma_wait3A = tpu.memref_slice %arg7[%mul3A_32] : memref<524288xf32, #tpu.memory_space<hbm>> -> memref<16384xf32, #tpu.memory_space<hbm>>
      %dma_wait3A_34 = tpu.memref_slice %arg7[%mul3A_32] : memref<524288xf32, #tpu.memory_space<hbm>> -> memref<16384xf32, #tpu.memory_space<hbm>>
      tpu.wait_dma2 semaphore(%run_scoped3A : memref<!tpu.dma_semaphore, #tpu.memory_space<semaphore_mem>>) src(%arg12 : memref<16384xf32, #tpu.memory_space<vmem>>) dst(%dma_wait3A_34 : memref<16384xf32, #tpu.memory_space<hbm>>)
      tpu.yield
    }) : () -> ()
    "tpu.region"() ({
      %run_scoped3A = tpu.sem_alloc : memref<!tpu.dma_semaphore, #tpu.memory_space<semaphore_mem>>
      %dma_start3A = tpu.memref_slice %arg6[%mul3A_2] : memref<16384xf32, #tpu.memory_space<hbm>> -> memref<512xf32, #tpu.memory_space<hbm>>
      %dma_start3A_33 = tpu.memref_slice %arg6[%mul3A_2] : memref<16384xf32, #tpu.memory_space<hbm>> -> memref<512xf32, #tpu.memory_space<hbm>>
      tpu.enqueue_dma source(%arg13 : memref<512xf32, #tpu.memory_space<vmem>>) target(%dma_start3A_33 : memref<512xf32, #tpu.memory_space<hbm>>) target_semaphore(%run_scoped3A : memref<!tpu.dma_semaphore, #tpu.memory_space<semaphore_mem>>)
      %dma_wait3A = tpu.memref_slice %arg6[%mul3A_2] : memref<16384xf32, #tpu.memory_space<hbm>> -> memref<512xf32, #tpu.memory_space<hbm>>
      %dma_wait3A_34 = tpu.memref_slice %arg6[%mul3A_2] : memref<16384xf32, #tpu.memory_space<hbm>> -> memref<512xf32, #tpu.memory_space<hbm>>
      tpu.wait_dma2 semaphore(%run_scoped3A : memref<!tpu.dma_semaphore, #tpu.memory_space<semaphore_mem>>) src(%arg13 : memref<512xf32, #tpu.memory_space<vmem>>) dst(%dma_wait3A_34 : memref<512xf32, #tpu.memory_space<hbm>>)
      tpu.yield
    }) : () -> ()
    return
  }
}

</mosaic_0001>

<sc_bundles>
// kernel: kernel.3.cloned.1.call-start
scs
__scs_entry_jumppad:
0x0: {  	(pc) =	sbr.rel $0x88, $3  }
0x1: {  	(tag) =	ssettag $0x0;
	lr =	simm.s32 $0x1  }
0x2: {  	[smem:$0x3F9D] =	sst lr;
	_ =	strace $0xD0000000  }
0x3: {  	_ = 	snop  }
0x4: {  	_ = 	snop  }
0x5: {  	_ = 	snop  }
0x6: {  	_ = 	snop  }
0x7: {  	_ = 	snop  }
__scs_overlays_trampoline_lowered:
0x8: {  	[smem:$0x3FAC] =	sst s0  }
0x9: {  	[smem:$0x3FAD] =	sst s1  }
0xa: {  	[smem:$0x3FAE] =	sst s2  }
0xb: {  	[smem:$0x3FAF] =	sst s3  }
0xc: {  	[smem:$0x3FB0] =	sst s4  }
0xd: {  	[smem:$0x3FB1] =	sst s5  }
0xe: {  	[smem:$0x3FB2] =	sst s6  }
0xf: {  	[smem:$0x3FB3] =	sst s7  }
0x10: {  	[smem:$0x3FB4] =	sst s8  }
0x11: {  	[smem:$0x3FB5] =	sst s9;
	s0 =	simm.s32 @!p0 $0x0  }
0x12: {  	s1 =	sld [smem:$0x3F9B];
	s0 =	simm.s32 @p0 $0x1  }
0x13: {  	[smem:$0x3FB6] =	sst s0;
	s0 =	simm.s32 @!p1 $0x0  }
0x14: {  	s2 =	sld [smem:$0x3F9A];
	s0 =	simm.s32 @p1 $0x1  }
0x15: {  	[smem:$0x3FB7] =	sst s0;
	s0 =	simm.s32 @!p2 $0x0  }
0x16: {  	s3 =	sld [smem:$0x3FDB];
	s0 =	simm.s32 @p2 $0x1  }
0x17: {  	s4 =	simm.s32 $0x1BF5;
	[smem:$0x3FB9] =	sst s0  }
0x18: {  	s0 =	sld [smem:$0x3F9C];
	_ =	swait.ge [sflag:s4], $0x0  }
0x19: {  	s7 =	sld [smem:$0x3F9D]  }
0x1a: {  	s8 =	sadd.s32 $0xFFFFE003, lr  }
0x1b: {  	s9 =	sadd.s32 $0xFFFFFEF7, lr;
	s5 =	simm.s32 $0xFFFFFFFF;
	p2 =	slt.u32 s8, $0xFFFFF086  }
0x1c: {  	p1 =	slt.u32 s9, $0xF7A;
	s5 =	simm.s32 @!p2 $0x0  }
0x1d: {  	s5 =	simm.s32 @p1 $0x1;
	p0 =	seq.s32 s7, s2  }
0x1e: {  	s7 =	smul.u32 @!p0 $0xF7A, s2;
	p2 =	seq.s32 @!p0 s5, $0x0  }
0x1f: {  	s9 =	smul.u32 $0xF7A, s1;
	s8 =	simm.s32 @!p0 $0x1BF5;
	p2 =	por !p2, p0  }
0x20: {  	[sflag:s8] =	ssyncset.s32 @!p0 $0xFFFFF086;
	s6 =	sadd.s32 @!p0 s3, s7;
	s7 =	simm.s32 @!p0 $0x108  }
0x21: {  	s3 =	sadd.s32 s3, s9;
	s6 =	sadd.s32 @!p0 $0x88, s6;
	s7 =	simm.s32 @p2 $0x1082  }
0x22: {  	[simem:s7], [sflag:s8] =	dma.local @!p0 [hbm:s6], $0xF7A  }
0x23: {  	s9 =	sor.u32 $0xD0000000, s2;
	s6 =	simm.s32 $0x108;
	_ =	swait.ge @!p0 [sflag:s8], $0x0  }
0x24: {  	s3 =	sadd.s32 $0x88, s3;
	s6 =	simm.s32 @!p1 $0x1082;
	[sflag:s4] =	ssyncset.s32 $0xFFFFF086  }
0x25: {  	[simem:s6], [sflag:s4] =	dma.local [hbm:s3], $0xF7A  }
0x26: {  	[smem:$0x3F9D] =	sst s1;
	(tag) =	ssettag s2;
	_ =	strace s9  }
0x27: {  	s1 =	sld [smem:$0x3FAD]  }
0x28: {  	s2 =	sld [smem:$0x3FAE]  }
0x29: {  	s4 =	sld [smem:$0x3FB0]  }
0x2a: {  	p0 =	seq.s32 s5, $0x0;
	s5 =	sld [smem:$0x3FB1]  }
0x2b: {  	s6 =	sld [smem:$0x3FB2]  }
0x2c: {  	s7 =	sld [smem:$0x3FB3]  }
0x2d: {  	s3 =	simm.s32 $0x108;
	s8 =	sld [smem:$0x3FB4]  }
0x2e: {  	s3 =	simm.s32 @!p0 $0x1082;
	s9 =	sld [smem:$0x3FB5]  }
0x2f: {  	lr =	sadd.s32 s0, s3;
	s0 =	sld [smem:$0x3FAC]  }
0x30: {  	s3 =	sld [smem:$0x3FAF]  }
0x31: {  	[smem:$0x3FB8] =	sst s10  }
0x32: {  	s10 =	sld [smem:$0x3FB6];
	_ =	sdelay $0x3  }
0x33: {  	p0 =	seq.s32 s10, $0x1;
	s10 =	sld [smem:$0x3FB8];
	_ =	sdelay $0x3  }
0x34: {  	[smem:$0x3FB8] =	sst s10  }
0x35: {  	s10 =	sld [smem:$0x3FB7];
	_ =	sdelay $0x3  }
0x36: {  	p1 =	seq.s32 s10, $0x1;
	s10 =	sld [smem:$0x3FB8];
	_ =	sdelay $0x3  }
0x37: {  	[smem:$0x3FB8] =	sst s10  }
0x38: {  	s10 =	sld [smem:$0x3FB9]  }
0x39: {  	_ = 	snop;
	(pc) =	sbr.ind lr, $3  }
0x3a: {  	_ = 	snop  }
0x3b: {  	_ = 	snop  }
0x3c: {  	p2 =	seq.s32 s10, $0x1;
	s10 =	sld [smem:$0x3FB8]  }
0x3d: {  	_ =	shalt  }
0x3e: {  	_ =	shalt  }
0x3f: {  	_ =	shalt  }
0x40: {  	_ =	shalt  }
0x41: {  	_ =	shalt  }
0x42: {  	_ =	shalt  }
0x43: {  	_ =	shalt  }
0x44: {  	_ =	shalt  }
0x45: {  	_ =	shalt  }
0x46: {  	_ =	shalt  }
0x47: {  	_ =	shalt  }
0x48: {  	_ =	shalt  }
0x49: {  	_ =	shalt  }
0x4a: {  	_ =	shalt  }
0x4b: {  	_ =	shalt  }
0x4c: {  	_ =	shalt  }
0x4d: {  	_ =	shalt  }
0x4e: {  	_ =	shalt  }
0x4f: {  	_ =	shalt  }
0x50: {  	_ =	shalt  }
0x51: {  	_ =	shalt  }
0x52: {  	_ =	shalt  }
0x53: {  	_ =	shalt  }
0x54: {  	_ =	shalt  }
0x55: {  	_ =	shalt  }
0x56: {  	_ =	shalt  }
0x57: {  	_ =	shalt  }
0x58: {  	_ =	shalt  }
0x59: {  	_ =	shalt  }
0x5a: {  	_ =	shalt  }
0x5b: {  	_ =	shalt  }
0x5c: {  	_ =	shalt  }
0x5d: {  	_ =	shalt  }
0x5e: {  	_ =	shalt  }
0x5f: {  	_ =	shalt  }
0x60: {  	_ =	shalt  }
0x61: {  	_ =	shalt  }
0x62: {  	_ =	shalt  }
0x63: {  	_ =	shalt  }
0x64: {  	_ =	shalt  }
0x65: {  	_ =	shalt  }
0x66: {  	_ =	shalt  }
0x67: {  	_ =	shalt  }
0x68: {  	_ =	shalt  }
0x69: {  	_ =	shalt  }
0x6a: {  	_ =	shalt  }
0x6b: {  	_ =	shalt  }
0x6c: {  	_ =	shalt  }
0x6d: {  	_ =	shalt  }
0x6e: {  	_ =	shalt  }
0x6f: {  	_ =	shalt  }
0x70: {  	_ =	shalt  }
0x71: {  	_ =	shalt  }
0x72: {  	_ =	shalt  }
0x73: {  	_ =	shalt  }
0x74: {  	_ =	shalt  }
0x75: {  	_ =	shalt  }
0x76: {  	_ =	shalt  }
0x77: {  	_ =	shalt  }
0x78: {  	_ =	shalt  }
0x79: {  	_ =	shalt  }
0x7a: {  	_ =	shalt  }
0x7b: {  	_ =	shalt  }
0x7c: {  	_ =	shalt  }
0x7d: {  	_ =	shalt  }
0x7e: {  	_ =	shalt  }
0x7f: {  	_ =	shalt  }
0x80: {  	_ =	shalt  }
0x81: {  	_ =	shalt  }
0x82: {  	_ =	shalt  }
0x83: {  	_ =	shalt  }
0x84: {  	_ =	shalt  }
0x85: {  	_ =	shalt  }
0x86: {  	_ =	shalt  }
0x87: {  	_ =	shalt  }
.Lfunc_end0:
.L_simem_size_0:
called_computation_lowered:
.L_overlay_start_0:
0x88: {  	s2 =	sld [smem:$0x3FD9]  }
0x89: {  	s3 =	sld [smem:$0x3FFE];
	_ =	sdelay $0x1  }
0x8a: {  	s1 =	srdreg.scid  }
0x8b: {  	s0 =	sand.u32 $0x1, s1  }
0x8c: {  	s14 =	sshll.u32 s0, $0xA;
	s2 =	sadd.s32 s3, s2  }
0x8d: {  	s2 =	sadd.s32 s2, s14  }
0x8e: {  	[smem:$0x3FC4] =	sst s2  }
0x8f: {  	_ = 	snop  }
0x90: {  	s2 =	sld [smem:$0x3FD0];
	_ =	sdelay $0x1  }
0x91: {  	s15 =	sld [smem:$0x3FC9]  }
0x92: {  	s5 =	simm.s32 $0xA;
	s6 =	simm.s32 $0x10;
	s4 =	sld [smem:$0x3FC8]  }
0x93: {  	[smem:s6], [sflag:s5] =	dma.local [hbm:s2], $0x1  }
0x94: {  	_ =	swait.eq [sflag:s5], $0x1  }
0x95: {  	[sflag:s5] =	ssyncset.done $0x0  }
0x96: {  	s16 =	sld [smem:$0x10];
	[sflag:s5] =	ssyncadd.s32 $0xFFFFFFFF  }
0x97: {  	s17 =	sld [smem:$0x11];
	(tm) =	ssettm $0x1  }
0x98: {  	s18 =	sld [smem:$0x3FFB];
	_ =	sdelay $0x3  }
0x99: {  	_ =	strace s18  }
0x9a: {  	s6 =	sld [smem:$0x3FFC];
	_ =	sdelay $0x3  }
0x9b: {  	_ =	strace s6  }
0x9c: {  	s6 =	sld [smem:$0x3FFD];
	_ =	sdelay $0x3  }
0x9d: {  	_ =	strace s6  }
0x9e: {  	_ =	strace $0x8FFFFFFF  }
0x9f: {  	s19 =	sld [smem:$0x3FDB];
	_ =	sdelay $0x1  }
0xa0: {  	s7 =	simm.s32 $_scs_section_size  }
0xa1: {  	s8 =	simm.s32 $_size__tile_overlayer_lowered;
	s9 =	simm.s32 $_tile_overlayer_lowered  }
0xa2: {  	s22 =	simm.s32 $0x1BFF;
	s21 =	sshll.u32 s9, $0x1;
	s6 =	sadd.s32 s7, s19  }
0xa3: {  	s10 =	simm.s32 $0x0;
	s20 =	sshll.u32 s8, $0x1;
	s8 =	sadd.s32 s21, s6  }
0xa4: {  	[timem:s10], [sflag:s22] =	dma.local [hbm:s8], s20  }
0xa5: {  	_ =	swait.ge [sflag:s22], s20  }
0xa6: {  	s7 =	ssub.s32 $0x0, s20;
	[sflag:s22] =	ssyncset.done $0x0  }
0xa7: {  	[sflag:s22] =	ssyncadd.s32 s7;
	_ =	sdelay $0x1  }
0xa8: {  	s23 =	simm.s32 $0x1B8B  }
0xa9: {  	_ =	swait.ge [sflag:s23], $0x1  }
0xaa: {  	[sflag:s23] =	ssyncset.done $0x0  }
0xab: {  	s25 =	simm.s32 $0x1B8E;
	s24 =	sld [smem:$0x3FFE];
	[sflag:s23] =	ssyncadd.s32 $0xFFFFFFFF  }
0xac: {  	s26 =	simm.s32 $execute0_lowered;
	[smem:$0x3FD2] =	sst s25  }
0xad: {  	s8 =	sshll.u32 s26, $0x1;
	_ =	strace $0x80000046;
	[dreg:$0x1] =	wrdreg $0xFFFFFFFF  }
0xae: {  	s28 =	simm.s32 $_size_execute0_lowered;
	s6 =	sadd.s32 s6, s8;
	[dreg:$0x0] =	wrdreg $0x0  }
0xaf: {  	s8 =	sshll.u32 s28, $0x1;
	[dreg:$0x2] =	wrdreg s6  }
0xb0: {  	[dreg:$0x3] =	wrdreg s8  }
0xb1: {  	[dreg:$0x4] =	wrdreg $0xC0  }
0xb2: {  	_ =	task [dreg:s10], $0x5FFFF  }
0xb3: {  	[dreg:$0x1] =	wrdreg $0xFFFFFFFF  }
0xb4: {  	[dreg:$0x0] =	wrdreg $0x60  }
0xb5: {  	[dreg:$0x2] =	wrdreg s15  }
0xb6: {  	[dreg:$0x3] =	wrdreg s4  }
0xb7: {  	[dreg:$0x4] =	wrdreg s24  }
0xb8: {  	[dreg:$0x5] =	wrdreg s16  }
0xb9: {  	[dreg:$0x6] =	wrdreg s17  }
0xba: {  	[dreg:$0x7] =	wrdreg $0x9  }
0xbb: {  	_ =	task.clear_ibuf [dreg:s10], $0x8FFFF;
	_ =	strace $0x90000046  }
0xbc: {  	s29 =	simm.s32 $0x9;
	_ =	strace $0x80000048  }
0xbd: {  	_ =	swait.ge [sflag:s29], $0x1  }
0xbe: {  	[sflag:s29] =	ssyncadd.s32 $0xFFFFFFFF  }
0xbf: {  	_ =	strace $0x90000048  }
0xc0: {  	_ =	sfence  }
0xc1: {  	s30 =	sld [smem:$0x0];
	_ =	sdelay $0x2  }
0xc2: {  	s31 =	sshll.u32 s1, $0xD;
	s1 =	sshrl.u32 s1, $0x2  }
0xc3: {  	s3 =	sand.u32 $0x4000, s31;
	s1 =	sadd.s32 s1, s30  }
0xc4: {  	s0 =	sor.u32 s3, s0;
	s1 =	sshll.u32 s1, $0x11  }
0xc5: {  	s0 =	sor.u32 s1, s0  }
0xc6: {  	s0 =	sadd.s32 $0x8F2B, s0  }
0xc7: {  	[sflag:s0] =	ssyncadd.remote.s32 $0x1  }
0xc8: {  	_ =	sfence.sel $0xFFFF  }
0xc9: {  	[dreg:$0x0] =	wrdreg $0xFFFFFFFF;
	(pc) =	sbr.abs _section_cstart, $3  }
0xca: {  	[dreg:$0x1] =	wrdreg $0xFFFFFFFF  }
0xcb: {  	_ =	task.clear_ibuf [dreg:s10], $0x2FFFF;
	_ =	strace $0x9FFFFFFF  }
0xcc: {  	(tm) =	ssettm $0x7FFFFFFF  }
0xcd: {  	_ =	shalt  }
tec
execute0_lowered:
.L_overlay_start_1:
0x0: {  	(tag) =	ssettag $0x1  }
0x1: {  	s5 =	rddreg [dreg:$0x0]  }
0x2: {  	s6 =	rddreg [dreg:$0x1]  }
0x3: {  	s3 =	rddreg [dreg:$0x2]  }
0x4: {  	s8 =	rddreg [dreg:$0x3]  }
0x5: {  	s7 =	rddreg [dreg:$0x4]  }
0x6: {  	s0 =	rddreg [dreg:$0x5];
	s1 =	simm.s32 $0x0  }
0x7: {  	s2 =	simm.s32 $0x400;
	[smem:$0x7FF] =	sst s1  }
0x8: {  	s24 =	simm.s32 $0xC00;
	_ =	strace $0x80000047;
	[dreg:$0x6] =	wrdreg s2  }
0x9: {  	s25 =	simm.s32 $0x480;
	[dreg:$0x7] =	wrdreg s24  }
0xa: {  	s26 =	simm.s32 $0xC80;
	[dreg:$0x8] =	wrdreg s25  }
0xb: {  	s28 =	simm.s32 $0x500;
	[dreg:$0x9] =	wrdreg s26  }
0xc: {  	s29 =	simm.s32 $0xD00;
	[dreg:$0xa] =	wrdreg s28  }
0xd: {  	s30 =	simm.s32 $0x580;
	[dreg:$0xb] =	wrdreg s29  }
0xe: {  	s31 =	simm.s32 $0xD80;
	[dreg:$0xc] =	wrdreg s30  }
0xf: {  	s4 =	simm.s32 $0x600;
	[dreg:$0xd] =	wrdreg s31  }
0x10: {  	s9 =	simm.s32 $0xE00;
	[dreg:$0xe] =	wrdreg s4  }
0x11: {  	s10 =	simm.s32 $0x680;
	[dreg:$0xf] =	wrdreg s9  }
0x12: {  	s11 =	simm.s32 $0xE80;
	[dreg:$0x10] =	wrdreg s10  }
0x13: {  	s12 =	simm.s32 $0xF00;
	[dreg:$0x11] =	wrdreg s11  }
0x14: {  	v0 =	vimm.s32 $0x76543210;
	s13 =	simm.s32 $0x780;
	[dreg:$0x13] =	wrdreg s12  }
0x15: {  	v1 =	vimm.s32 $0xFEDCBA98;
	v2 =	vimm.s32 $0xBA98FEDC;
	s14 =	simm.s32 $0x800;
	[dreg:$0x14] =	wrdreg s13  }
0x16: {  	v3 =	vimm.s32 $0x32107654;
	v4 =	vimm.s32 $0xDCFE98BA;
	s15 =	simm.s32 $0x1000;
	[dreg:$0x16] =	wrdreg s14  }
0x17: {  	v5 =	vimm.s32 $0x54761032;
	s16 =	simm.s32 $0x880;
	vm0 =	vcmask $0x2F20;
	vm1 =	vcmask $0xF00;
	[dreg:$0x17] =	wrdreg s15  }
0x18: {  	s17 =	simm.s32 $0x1080;
	vm2 =	vcmask $0x700;
	vm3 =	vcmask $0xB08;
	vm4 =	vcmask $0x300;
	[dreg:$0x18] =	wrdreg s16  }
0x19: {  	s18 =	simm.s32 $0x900;
	v6 =	vimm.s32 $0xE6A2C480;
	v0 =	vunpack.c.l.s4.s8 v0;
	v1 =	vunpack.c.l.s4.s8 v1;
	[dreg:$0x19] =	wrdreg s17  }
0x1a: {  	s20 =	simm.s32 $0x1100;
	s21 =	simm.s32 $0x980;
	v2 =	vunpack.c.l.s4.s8 v2;
	v3 =	vunpack.c.l.s4.s8 v3;
	v4 =	vunpack.c.l.s4.s8 v4;
	[dreg:$0x1a] =	wrdreg s18  }
0x1b: {  	s22 =	simm.s32 $0x1180;
	s23 =	simm.s32 $0xA00;
	v5 =	vunpack.c.l.s4.s8 v5;
	vm0 =	vmor vm1, vm0;
	vm1 =	vcmask $0x1710;
	[dreg:$0x1b] =	wrdreg s20  }
0x1c: {  	vm3 =	vmor vm4, vm3;
	vm4 =	vcmask $0x1310;
	v6 =	vunpack.c.l.s4.s8 v6;
	s4 =	simm.s32 $0x700;
	s2 =	sadd.s32 $0x800, s3;
	[dreg:$0x1c] =	wrdreg s21  }
0x1d: {  	s3 =	sadd.s32 $0xF42C00, s3;
	s9 =	srdreg.scid;
	vm1 =	vmor vm2, vm1;
	vm2 =	vcmask $0x2720;
	[dreg:$0x1d] =	wrdreg s22;
	v1 =	vunpack.c.0.s8.s32 v1  }
0x1e: {  	s10 =	simm.s32 $0xF80;
	[dreg:$0x1e] =	wrdreg s23;
	s24 =	simm.s32 $0x1200;
	vm3 =	vmor vm3, vm4;
	vm4 =	vcmask $0x1B18;
	v0 =	vunpack.c.0.s8.s32 v0  }
0x1f: {  	s25 =	simm.s32 $0xA80;
	s26 =	simm.s32 $0x1280;
	[dreg:$0x12] =	wrdreg s4;
	v2 =	vunpack.c.0.s8.s32 v2;
	v3 =	vunpack.c.0.s8.s32 v3;
	v1 =	vand.u32 $0xF, v1  }
0x20: {  	s28 =	simm.s32 $0xB00;
	s29 =	simm.s32 $0x1300;
	[dreg:$0x15] =	wrdreg s10;
	vm3 =	vmor vm3, vm4;
	vm4 =	vcmask $0x2320;
	v0 =	vcombine.low v1, v0  }
0x21: {  	s30 =	simm.s32 $0xB80;
	s31 =	simm.s32 $0x1380;
	[dreg:$0x1f] =	wrdreg s24;
	v1 =	vcombine.low v3, v2;
	v2 =	vunpack.c.0.s8.s32 v4;
	v3 =	vunpack.c.0.s8.s32 v5  }
0x22: {  	s13 =	simm.s32 $0x2;
	s14 =	simm.s32 $0x1400;
	vm1 =	vmor vm1, vm2;
	vm2 =	vcmask $0x3730;
	[smem:$0x7F8] =	sst s25;
	vm3 =	vmor vm3, vm4  }
0x23: {  	s15 =	simm.s32 $0x5400;
	s16 =	simm.s32 $0x0;
	[smem:$0x7F9] =	sst s26;
	v4 =	vimm.s32 $0x67452301;
	v2 =	vcombine.low v3, v2;
	v3 =	vimm.s32 $0xEFCDAB89  }
0x24: {  	s4 =	stileid.u32;
	s9 =	sand.u32 $0x1, s9;
	[smem:$0x7FA] =	sst s28;
	vm4 =	vcmask $0x2B28;
	v4 =	vunpack.c.l.s4.s8 v4;
	v3 =	vunpack.c.l.s4.s8 v3  }
0x25: {  	s10 =	simm.s32 $0x3;
	s11 =	ssub.s32 $0x2, s9;
	s19 =	sshll.u32 s4, $0x1;
	vm3 =	vmor vm3, vm4;
	vm4 =	vcmask $0x3330;
	v5 =	vimm.s32 $0xF7B3D591  }
0x26: {  	[smem:$0x7FB] =	sst s29;
	s12 =	sshrl.u32 s11, $0x1;
	s9 =	sor.u32 s9, s19;
	v5 =	vunpack.c.l.s4.s8 v5;
	v4 =	vunpack.c.0.s8.s32 v4;
	v3 =	vunpack.c.0.s8.s32 v3  }
0x27: {  	[smem:$0x7FC] =	sst s30;
	vm1 =	vmor vm1, vm2;
	s11 =	ssub.s32 s11, s12;
	s12 =	sshll.u32 s9, $0x6;
	vm2 =	vmor vm3, vm4;
	vm3 =	vcmask $0x3B38  }
0x28: {  	[smem:$0x7FD] =	sst s31;
	s9 =	sshll.u32 s9, $0xB;
	s5 =	sadd.s32 s5, s12;
	v3 =	vcombine.low v4, v3;
	v4 =	vunpack.c.0.s8.s32 v5;
	v5 =	vunpack.c.0.s8.s32 v6  }
0x29: {  	s6 =	sadd.s32 s6, s12;
	s7 =	sadd.s32 s7, s9;
	s8 =	sadd.s32 s8, s12;
	vm2 =	vmor vm2, vm3;
	vm3 =	vmmov $0xff;
	v1 =	vand.u32 $0xF, v1  }
0x2a: {  	s9 =	smax.u32 s11, $0x1;
	s11 =	simm.s32 $0x200;
	s12 =	simm.s32 $0x1;
	v2 =	vand.u32 $0xF, v2;
	v3 =	vand.u32 $0xF, v3;
	v4 =	vcombine.low v5, v4  }
.LBB2_1:
0x2b: {  	[tilespmem:s1], [sflag:$0x3] =	stream.linear.gather [hbm4b:s5+s1], $0x200, $0x38;
	[tilespmem:$0x5600] =	vst v63  }
0x2c: {  	_ =	swait.ge [sflag:s10], $0x200  }
0x2d: {  	[sflag:s10] =	ssyncset.done $0x0  }
0x2e: {  	[sflag:s10] =	ssyncadd.s32 $0xFFFFFE00  }
0x2f: {  	[tilespmem:s11], [sflag:$0x3] =	stream.linear.gather [hbm4b:s6+s1], $0x200, $0x38;
	[tilespmem:$0x5600] =	vst v63  }
0x30: {  	_ =	swait.ge [sflag:s10], $0x200  }
0x31: {  	[sflag:s10] =	ssyncset.done $0x0  }
0x32: {  	s17 =	simm.s32 $0x1500;
	s18 =	simm.s32 $0x0;
	[sflag:s10] =	ssyncadd.s32 $0xFFFFFE00  }
.LBB2_2:
0x33: {  	s19 =	sshra.s32 s18, $0x2  }
0x34: {  	v5 =	vld [tilespmem:s19+$0x0];
	_ =	sdelay $0x1  }
0x35: {  	v7 =	vld [tilespmem:s19+$0x200];
	_ =	sdelay $0x2  }
0x36: {  	v6 =	vshll.u32 v5, $0x4  }
0x37: {  	(v2sf) =	vpush v6, $0x0  }
0x38: {  	v5 =	vshll.u32 v7, $0x4  }
0x39: {  	(v2sf) =	vpush v5, $0x0;
	_ =	sdelay $0x2  }
0x3a: {  	(v2sf) =	vpush v6, $0x1;
	_ =	sdelay $0x1  }
0x3b: {  	(v2sf) =	vpush v5, $0x1;
	_ =	sdelay $0x7  }
0x3c: {  	s20 =	spop (v2sf);
	(v2sf) =	vpush v6, $0x2;
	_ =	sdelay $0x1  }
0x3d: {  	s20 =	sand.u32 $0x1FFFFFF0, s20;
	s30 =	spop (v2sf);
	(v2sf) =	vpush v5, $0x2  }
0x3e: {  	s21 =	rddreg [dreg:$0x6];
	s20 =	sadd.s32 s2, s20  }
0x3f: {  	[tilespmem:s21], [sflag:$0x1] =	stream.linear.gather [hbm4b:s20+s1], $0x80, $0x38;
	[tilespmem:$0x5600] =	vst v63  }
0x40: {  	s21 =	spop (v2sf);
	(v2sf) =	vpush v6, $0x3;
	_ =	sdelay $0x1  }
0x41: {  	s23 =	spop (v2sf);
	(v2sf) =	vpush v5, $0x3;
	_ =	sdelay $0x7  }
0x42: {  	s25 =	spop (v2sf);
	(v2sf) =	vpush v6, $0x4  }
0x43: {  	s20 =	sand.u32 $0x1FFFFFF0, s30  }
0x44: {  	s31 =	rddreg [dreg:$0x7];
	s20 =	sadd.s32 s3, s20;
	s28 =	spop (v2sf);
	(v2sf) =	vpush v5, $0x4  }
0x45: {  	[tilespmem:s31], [sflag:$0x2] =	stream.linear.gather [hbm4b:s20+s1], $0x80, $0x38;
	[tilespmem:$0x5600] =	vst v63  }
0x46: {  	s20 =	sand.u32 $0x1FFFFFF0, s21  }
0x47: {  	s22 =	rddreg [dreg:$0x8];
	s20 =	sadd.s32 s2, s20;
	s30 =	spop (v2sf);
	(v2sf) =	vpush v6, $0x5  }
0x48: {  	[tilespmem:s22], [sflag:$0x1] =	stream.linear.gather [hbm4b:s20+s1], $0x80, $0x38;
	[tilespmem:$0x5600] =	vst v63  }
0x49: {  	s21 =	spop (v2sf);
	(v2sf) =	vpush v5, $0x5  }
0x4a: {  	s20 =	sand.u32 $0x1FFFFFF0, s23  }
0x4b: {  	s24 =	rddreg [dreg:$0x9];
	s20 =	sadd.s32 s3, s20  }
0x4c: {  	[tilespmem:s24], [sflag:$0x2] =	stream.linear.gather [hbm4b:s20+s1], $0x80, $0x38;
	[tilespmem:$0x5600] =	vst v63  }
0x4d: {  	s20 =	sand.u32 $0x1FFFFFF0, s25  }
0x4e: {  	s26 =	rddreg [dreg:$0xa];
	s20 =	sadd.s32 s2, s20  }
0x4f: {  	[tilespmem:s26], [sflag:$0x1] =	stream.linear.gather [hbm4b:s20+s1], $0x80, $0x38;
	[tilespmem:$0x5600] =	vst v63  }
0x50: {  	s20 =	sand.u32 $0x1FFFFFF0, s28  }
0x51: {  	s29 =	rddreg [dreg:$0xb];
	s20 =	sadd.s32 s3, s20;
	s23 =	spop (v2sf);
	(v2sf) =	vpush v6, $0x6  }
0x52: {  	[tilespmem:s29], [sflag:$0x2] =	stream.linear.gather [hbm4b:s20+s1], $0x80, $0x38;
	[tilespmem:$0x5600] =	vst v63  }
0x53: {  	s20 =	sand.u32 $0x1FFFFFF0, s30;
	s25 =	spop (v2sf);
	(v2sf) =	vpush v5, $0x6  }
0x54: {  	s31 =	rddreg [dreg:$0xc];
	s20 =	sadd.s32 s2, s20  }
0x55: {  	[tilespmem:s31], [sflag:$0x1] =	stream.linear.gather [hbm4b:s20+s1], $0x80, $0x38;
	[tilespmem:$0x5600] =	vst v63  }
0x56: {  	s28 =	spop (v2sf);
	(v2sf) =	vpush v6, $0x7  }
0x57: {  	s20 =	sand.u32 $0x1FFFFFF0, s21  }
0x58: {  	s22 =	rddreg [dreg:$0xd];
	s20 =	sadd.s32 s3, s20;
	s30 =	spop (v2sf);
	(v2sf) =	vpush v5, $0x7  }
0x59: {  	[tilespmem:s22], [sflag:$0x2] =	stream.linear.gather [hbm4b:s20+s1], $0x80, $0x38;
	[tilespmem:$0x5600] =	vst v63  }
0x5a: {  	s20 =	sand.u32 $0x1FFFFFF0, s23  }
0x5b: {  	s24 =	rddreg [dreg:$0xe];
	s20 =	sadd.s32 s2, s20  }
0x5c: {  	[tilespmem:s24], [sflag:$0x1] =	stream.linear.gather [hbm4b:s20+s1], $0x80, $0x38;
	[tilespmem:$0x5600] =	vst v63  }
0x5d: {  	s20 =	sand.u32 $0x1FFFFFF0, s25  }
0x5e: {  	s26 =	rddreg [dreg:$0xf];
	s20 =	sadd.s32 s3, s20  }
0x5f: {  	[tilespmem:s26], [sflag:$0x2] =	stream.linear.gather [hbm4b:s20+s1], $0x80, $0x38;
	[tilespmem:$0x5600] =	vst v63  }
0x60: {  	s21 =	spop (v2sf);
	(v2sf) =	vpush v6, $0x8  }
0x61: {  	s20 =	sand.u32 $0x1FFFFFF0, s28  }
0x62: {  	s29 =	rddreg [dreg:$0x10];
	s20 =	sadd.s32 s2, s20;
	s23 =	spop (v2sf);
	(v2sf) =	vpush v5, $0x8  }
0x63: {  	[tilespmem:s29], [sflag:$0x1] =	stream.linear.gather [hbm4b:s20+s1], $0x80, $0x38;
	[tilespmem:$0x5600] =	vst v63  }
0x64: {  	s20 =	sand.u32 $0x1FFFFFF0, s30  }
0x65: {  	s31 =	rddreg [dreg:$0x11];
	s20 =	sadd.s32 s3, s20;
	s25 =	spop (v2sf);
	(v2sf) =	vpush v6, $0x9  }
0x66: {  	[tilespmem:s31], [sflag:$0x2] =	stream.linear.gather [hbm4b:s20+s1], $0x80, $0x38;
	[tilespmem:$0x5600] =	vst v63  }
0x67: {  	s28 =	spop (v2sf);
	(v2sf) =	vpush v5, $0x9  }
0x68: {  	s20 =	sand.u32 $0x1FFFFFF0, s21  }
0x69: {  	s22 =	rddreg [dreg:$0x12];
	s20 =	sadd.s32 s2, s20  }
0x6a: {  	[tilespmem:s22], [sflag:$0x1] =	stream.linear.gather [hbm4b:s20+s1], $0x80, $0x38;
	[tilespmem:$0x5600] =	vst v63  }
0x6b: {  	s20 =	sand.u32 $0x1FFFFFF0, s23  }
0x6c: {  	s24 =	rddreg [dreg:$0x13];
	s20 =	sadd.s32 s3, s20  }
0x6d: {  	[tilespmem:s24], [sflag:$0x2] =	stream.linear.gather [hbm4b:s20+s1], $0x80, $0x38;
	[tilespmem:$0x5600] =	vst v63  }
0x6e: {  	s20 =	sand.u32 $0x1FFFFFF0, s25  }
0x6f: {  	s26 =	rddreg [dreg:$0x14];
	s20 =	sadd.s32 s2, s20;
	s30 =	spop (v2sf);
	(v2sf) =	vpush v6, $0xA  }
0x70: {  	[tilespmem:s26], [sflag:$0x1] =	stream.linear.gather [hbm4b:s20+s1], $0x80, $0x38;
	[tilespmem:$0x5600] =	vst v63  }
0x71: {  	s20 =	sand.u32 $0x1FFFFFF0, s28;
	s21 =	spop (v2sf);
	(v2sf) =	vpush v5, $0xA  }
0x72: {  	s29 =	rddreg [dreg:$0x15];
	s20 =	sadd.s32 s3, s20  }
0x73: {  	[tilespmem:s29], [sflag:$0x2] =	stream.linear.gather [hbm4b:s20+s1], $0x80, $0x38;
	[tilespmem:$0x5600] =	vst v63  }
0x74: {  	s23 =	spop (v2sf);
	(v2sf) =	vpush v6, $0xB  }
0x75: {  	s20 =	sand.u32 $0x1FFFFFF0, s30  }
0x76: {  	s31 =	rddreg [dreg:$0x16];
	s20 =	sadd.s32 s2, s20;
	s25 =	spop (v2sf);
	(v2sf) =	vpush v5, $0xB  }
0x77: {  	[tilespmem:s31], [sflag:$0x1] =	stream.linear.gather [hbm4b:s20+s1], $0x80, $0x38;
	[tilespmem:$0x5600] =	vst v63  }
0x78: {  	s20 =	sand.u32 $0x1FFFFFF0, s21  }
0x79: {  	s22 =	rddreg [dreg:$0x17];
	s20 =	sadd.s32 s3, s20  }
0x7a: {  	[tilespmem:s22], [sflag:$0x2] =	stream.linear.gather [hbm4b:s20+s1], $0x80, $0x38;
	[tilespmem:$0x5600] =	vst v63  }
0x7b: {  	s20 =	sand.u32 $0x1FFFFFF0, s23  }
0x7c: {  	s24 =	rddreg [dreg:$0x18];
	s20 =	sadd.s32 s2, s20  }
0x7d: {  	[tilespmem:s24], [sflag:$0x1] =	stream.linear.gather [hbm4b:s20+s1], $0x80, $0x38;
	[tilespmem:$0x5600] =	vst v63  }
0x7e: {  	s28 =	spop (v2sf);
	(v2sf) =	vpush v6, $0xC  }
0x7f: {  	s20 =	sand.u32 $0x1FFFFFF0, s25  }
0x80: {  	s26 =	rddreg [dreg:$0x19];
	s20 =	sadd.s32 s3, s20;
	s30 =	spop (v2sf);
	(v2sf) =	vpush v5, $0xC  }
0x81: {  	[tilespmem:s26], [sflag:$0x2] =	stream.linear.gather [hbm4b:s20+s1], $0x80, $0x38;
	[tilespmem:$0x5600] =	vst v63  }
0x82: {  	s20 =	sand.u32 $0x1FFFFFF0, s28  }
0x83: {  	s29 =	rddreg [dreg:$0x1a];
	s20 =	sadd.s32 s2, s20;
	s21 =	spop (v2sf);
	(v2sf) =	vpush v6, $0xD  }
0x84: {  	[tilespmem:s29], [sflag:$0x1] =	stream.linear.gather [hbm4b:s20+s1], $0x80, $0x38;
	[tilespmem:$0x5600] =	vst v63  }
0x85: {  	s23 =	spop (v2sf);
	(v2sf) =	vpush v5, $0xD  }
0x86: {  	s20 =	sand.u32 $0x1FFFFFF0, s30  }
0x87: {  	s31 =	rddreg [dreg:$0x1b];
	s20 =	sadd.s32 s3, s20  }
0x88: {  	[tilespmem:s31], [sflag:$0x2] =	stream.linear.gather [hbm4b:s20+s1], $0x80, $0x38;
	[tilespmem:$0x5600] =	vst v63  }
0x89: {  	s20 =	sand.u32 $0x1FFFFFF0, s21  }
0x8a: {  	s22 =	rddreg [dreg:$0x1c];
	s20 =	sadd.s32 s2, s20  }
0x8b: {  	[tilespmem:s22], [sflag:$0x1] =	stream.linear.gather [hbm4b:s20+s1], $0x80, $0x38;
	[tilespmem:$0x5600] =	vst v63  }
0x8c: {  	s20 =	sand.u32 $0x1FFFFFF0, s23  }
0x8d: {  	s24 =	rddreg [dreg:$0x1d];
	s20 =	sadd.s32 s3, s20;
	s25 =	spop (v2sf);
	(v2sf) =	vpush v6, $0xE  }
0x8e: {  	[tilespmem:s24], [sflag:$0x2] =	stream.linear.gather [hbm4b:s20+s1], $0x80, $0x38;
	[tilespmem:$0x5600] =	vst v63  }
0x8f: {  	s20 =	sand.u32 $0x1FFFFFF0, s25;
	s28 =	spop (v2sf);
	(v2sf) =	vpush v5, $0xE  }
0x90: {  	s26 =	rddreg [dreg:$0x1e];
	s20 =	sadd.s32 s2, s20  }
0x91: {  	[tilespmem:s26], [sflag:$0x1] =	stream.linear.gather [hbm4b:s20+s1], $0x80, $0x38;
	[tilespmem:$0x5600] =	vst v63  }
0x92: {  	s30 =	spop (v2sf);
	(v2sf) =	vpush v6, $0xF  }
0x93: {  	s29 =	rddreg [dreg:$0x1f];
	s20 =	sand.u32 $0x1FFFFFF0, s28  }
0x94: {  	s31 =	sld [smem:$0x7F8];
	s20 =	sadd.s32 s3, s20;
	s21 =	spop (v2sf)  }
0x95: {  	(v2sf) =	vpush v5, $0xF;
	[tilespmem:s29], [sflag:$0x2] =	stream.linear.gather [hbm4b:s20+s1], $0x80, $0x38;
	[tilespmem:$0x5600] =	vst v63  }
0x96: {  	s20 =	sand.u32 $0x1FFFFFF0, s30  }
0x97: {  	s22 =	sld [smem:$0x7F9];
	s20 =	sadd.s32 s2, s20  }
0x98: {  	[tilespmem:s31], [sflag:$0x1] =	stream.linear.gather [hbm4b:s20+s1], $0x80, $0x38;
	[tilespmem:$0x5600] =	vst v63  }
0x99: {  	s20 =	sand.u32 $0x1FFFFFF0, s21  }
0x9a: {  	s20 =	sadd.s32 s3, s20  }
0x9b: {  	[tilespmem:s22], [sflag:$0x2] =	stream.linear.gather [hbm4b:s20+s1], $0x80, $0x38;
	[tilespmem:$0x5600] =	vst v63  }
0x9c: {  	s24 =	sld [smem:$0x7FA];
	s23 =	spop (v2sf)  }
0x9d: {  	s20 =	sand.u32 $0x1FFFFFF0, s23  }
0x9e: {  	s26 =	sld [smem:$0x7FB];
	s25 =	spop (v2sf);
	s20 =	sadd.s32 s2, s20  }
0x9f: {  	[tilespmem:s24], [sflag:$0x1] =	stream.linear.gather [hbm4b:s20+s1], $0x80, $0x38;
	[tilespmem:$0x5600] =	vst v63  }
0xa0: {  	s20 =	sand.u32 $0x1FFFFFF0, s25  }
0xa1: {  	s29 =	sld [smem:$0x7FC];
	s28 =	spop (v2sf);
	s20 =	sadd.s32 s3, s20  }
0xa2: {  	[tilespmem:s26], [sflag:$0x2] =	stream.linear.gather [hbm4b:s20+s1], $0x80, $0x38;
	[tilespmem:$0x5600] =	vst v63  }
0xa3: {  	s20 =	sand.u32 $0x1FFFFFF0, s28  }
0xa4: {  	s31 =	sld [smem:$0x7FD];
	s30 =	spop (v2sf);
	s20 =	sadd.s32 s2, s20  }
0xa5: {  	[tilespmem:s29], [sflag:$0x1] =	stream.linear.gather [hbm4b:s20+s1], $0x80, $0x38;
	[tilespmem:$0x5600] =	vst v63  }
0xa6: {  	s20 =	sand.u32 $0x1FFFFFF0, s30  }
0xa7: {  	s20 =	sadd.s32 s3, s20  }
0xa8: {  	[tilespmem:s31], [sflag:$0x2] =	stream.linear.gather [hbm4b:s20+s1], $0x80, $0x38;
	[tilespmem:$0x5600] =	vst v63  }
0xa9: {  	_ =	swait.ge [sflag:s12], $0x80  }
0xaa: {  	[sflag:s12] =	ssyncset.done $0x0  }
0xab: {  	[sflag:s12] =	ssyncadd.s32 $0xFFFFFF80  }
0xac: {  	_ =	swait.ge [sflag:s13], $0x80  }
0xad: {  	[sflag:s13] =	ssyncset.done $0x0  }
0xae: {  	[sflag:s13] =	ssyncadd.s32 $0xFFFFFF80  }
0xaf: {  	_ =	swait.ge [sflag:s12], $0x80  }
0xb0: {  	[sflag:s12] =	ssyncset.done $0x0  }
0xb1: {  	[sflag:s12] =	ssyncadd.s32 $0xFFFFFF80  }
0xb2: {  	_ =	swait.ge [sflag:s13], $0x80  }
0xb3: {  	[sflag:s13] =	ssyncset.done $0x0  }
0xb4: {  	[sflag:s13] =	ssyncadd.s32 $0xFFFFFF80  }
0xb5: {  	_ =	swait.ge [sflag:s12], $0x80  }
0xb6: {  	[sflag:s12] =	ssyncset.done $0x0  }
0xb7: {  	[sflag:s12] =	ssyncadd.s32 $0xFFFFFF80  }
0xb8: {  	_ =	swait.ge [sflag:s13], $0x80  }
0xb9: {  	[sflag:s13] =	ssyncset.done $0x0  }
0xba: {  	[sflag:s13] =	ssyncadd.s32 $0xFFFFFF80  }
0xbb: {  	_ =	swait.ge [sflag:s12], $0x80  }
0xbc: {  	[sflag:s12] =	ssyncset.done $0x0  }
0xbd: {  	[sflag:s12] =	ssyncadd.s32 $0xFFFFFF80  }
0xbe: {  	_ =	swait.ge [sflag:s13], $0x80  }
0xbf: {  	[sflag:s13] =	ssyncset.done $0x0  }
0xc0: {  	[sflag:s13] =	ssyncadd.s32 $0xFFFFFF80  }
0xc1: {  	_ =	swait.ge [sflag:s12], $0x80  }
0xc2: {  	[sflag:s12] =	ssyncset.done $0x0  }
0xc3: {  	[sflag:s12] =	ssyncadd.s32 $0xFFFFFF80  }
0xc4: {  	_ =	swait.ge [sflag:s13], $0x80  }
0xc5: {  	[sflag:s13] =	ssyncset.done $0x0  }
0xc6: {  	[sflag:s13] =	ssyncadd.s32 $0xFFFFFF80  }
0xc7: {  	_ =	swait.ge [sflag:s12], $0x80  }
0xc8: {  	[sflag:s12] =	ssyncset.done $0x0  }
0xc9: {  	[sflag:s12] =	ssyncadd.s32 $0xFFFFFF80  }
0xca: {  	_ =	swait.ge [sflag:s13], $0x80  }
0xcb: {  	[sflag:s13] =	ssyncset.done $0x0  }
0xcc: {  	[sflag:s13] =	ssyncadd.s32 $0xFFFFFF80  }
0xcd: {  	_ =	swait.ge [sflag:s12], $0x80  }
0xce: {  	[sflag:s12] =	ssyncset.done $0x0  }
0xcf: {  	[sflag:s12] =	ssyncadd.s32 $0xFFFFFF80  }
0xd0: {  	_ =	swait.ge [sflag:s13], $0x80  }
0xd1: {  	[sflag:s13] =	ssyncset.done $0x0  }
0xd2: {  	[sflag:s13] =	ssyncadd.s32 $0xFFFFFF80  }
0xd3: {  	_ =	swait.ge [sflag:s12], $0x80  }
0xd4: {  	[sflag:s12] =	ssyncset.done $0x0  }
0xd5: {  	[sflag:s12] =	ssyncadd.s32 $0xFFFFFF80  }
0xd6: {  	_ =	swait.ge [sflag:s13], $0x80  }
0xd7: {  	[sflag:s13] =	ssyncset.done $0x0  }
0xd8: {  	[sflag:s13] =	ssyncadd.s32 $0xFFFFFF80  }
0xd9: {  	_ =	swait.ge [sflag:s12], $0x80  }
0xda: {  	[sflag:s12] =	ssyncset.done $0x0  }
0xdb: {  	[sflag:s12] =	ssyncadd.s32 $0xFFFFFF80  }
0xdc: {  	_ =	swait.ge [sflag:s13], $0x80  }
0xdd: {  	[sflag:s13] =	ssyncset.done $0x0  }
0xde: {  	[sflag:s13] =	ssyncadd.s32 $0xFFFFFF80  }
0xdf: {  	_ =	swait.ge [sflag:s12], $0x80  }
0xe0: {  	[sflag:s12] =	ssyncset.done $0x0  }
0xe1: {  	[sflag:s12] =	ssyncadd.s32 $0xFFFFFF80  }
0xe2: {  	_ =	swait.ge [sflag:s13], $0x80  }
0xe3: {  	[sflag:s13] =	ssyncset.done $0x0  }
0xe4: {  	[sflag:s13] =	ssyncadd.s32 $0xFFFFFF80  }
0xe5: {  	_ =	swait.ge [sflag:s12], $0x80  }
0xe6: {  	[sflag:s12] =	ssyncset.done $0x0  }
0xe7: {  	[sflag:s12] =	ssyncadd.s32 $0xFFFFFF80  }
0xe8: {  	_ =	swait.ge [sflag:s13], $0x80  }
0xe9: {  	[sflag:s13] =	ssyncset.done $0x0  }
0xea: {  	[sflag:s13] =	ssyncadd.s32 $0xFFFFFF80  }
0xeb: {  	_ =	swait.ge [sflag:s12], $0x80  }
0xec: {  	[sflag:s12] =	ssyncset.done $0x0  }
0xed: {  	[sflag:s12] =	ssyncadd.s32 $0xFFFFFF80  }
0xee: {  	_ =	swait.ge [sflag:s13], $0x80  }
0xef: {  	[sflag:s13] =	ssyncset.done $0x0  }
0xf0: {  	[sflag:s13] =	ssyncadd.s32 $0xFFFFFF80  }
0xf1: {  	_ =	swait.ge [sflag:s12], $0x80  }
0xf2: {  	[sflag:s12] =	ssyncset.done $0x0  }
0xf3: {  	[sflag:s12] =	ssyncadd.s32 $0xFFFFFF80  }
0xf4: {  	_ =	swait.ge [sflag:s13], $0x80  }
0xf5: {  	[sflag:s13] =	ssyncset.done $0x0  }
0xf6: {  	[sflag:s13] =	ssyncadd.s32 $0xFFFFFF80  }
0xf7: {  	_ =	swait.ge [sflag:s12], $0x80  }
0xf8: {  	[sflag:s12] =	ssyncset.done $0x0  }
0xf9: {  	[sflag:s12] =	ssyncadd.s32 $0xFFFFFF80  }
0xfa: {  	_ =	swait.ge [sflag:s13], $0x80  }
0xfb: {  	[sflag:s13] =	ssyncset.done $0x0  }
0xfc: {  	[sflag:s13] =	ssyncadd.s32 $0xFFFFFF80  }
0xfd: {  	_ =	swait.ge [sflag:s12], $0x80  }
0xfe: {  	[sflag:s12] =	ssyncset.done $0x0  }
0xff: {  	[sflag:s12] =	ssyncadd.s32 $0xFFFFFF80  }
0x100: {  	_ =	swait.ge [sflag:s13], $0x80  }
0x101: {  	[sflag:s13] =	ssyncset.done $0x0  }
0x102: {  	[sflag:s13] =	ssyncadd.s32 $0xFFFFFF80  }
0x103: {  	_ =	swait.ge [sflag:s12], $0x80  }
0x104: {  	[sflag:s12] =	ssyncset.done $0x0  }
0x105: {  	[sflag:s12] =	ssyncadd.s32 $0xFFFFFF80  }
0x106: {  	_ =	swait.ge [sflag:s13], $0x80  }
0x107: {  	[sflag:s13] =	ssyncset.done $0x0  }
0x108: {  	[sflag:s13] =	ssyncadd.s32 $0xFFFFFF80  }
0x109: {  	v5 =	vld [tilespmem:$0x400]  }
0x10a: {  	v6 =	vld [tilespmem:$0x410]  }
0x10b: {  	v7 =	vld [tilespmem:$0xC00]  }
0x10c: {  	v8 =	vld [tilespmem:$0xC10];
	_ =	sdelay $0x3  }
0x10d: {  	v5 =	vmul.f32 v7, v5  }
0x10e: {  	v6 =	vmul.f32 v8, v6  }
0x10f: {  	[tilespmem:s17+$0xFFFFFF00] =	vst v5  }
0x110: {  	[tilespmem:s17+$0xFFFFFF10] =	vst v6  }
0x111: {  	v7 =	vld [tilespmem:$0x480]  }
0x112: {  	v21 =	vld [tilespmem:$0x490]  }
0x113: {  	v9 =	vld [tilespmem:$0xC80]  }
0x114: {  	v10 =	vld [tilespmem:$0xC90];
	_ =	sdelay $0x3  }
0x115: {  	v7 =	vmul.f32 v9, v7  }
0x116: {  	v8 =	vmul.f32 v10, v21  }
0x117: {  	[tilespmem:s17+$0xFFFFFF20] =	vst v7  }
0x118: {  	[tilespmem:s17+$0xFFFFFF30] =	vst v8  }
0x119: {  	v22 =	vld [tilespmem:$0x500]  }
0x11a: {  	v23 =	vld [tilespmem:$0x510]  }
0x11b: {  	v11 =	vld [tilespmem:$0xD00]  }
0x11c: {  	v12 =	vld [tilespmem:$0xD10];
	_ =	sdelay $0x3  }
0x11d: {  	v9 =	vmul.f32 v11, v22  }
0x11e: {  	v10 =	vmul.f32 v12, v23  }
0x11f: {  	[tilespmem:s17+$0xFFFFFF40] =	vst v9  }
0x120: {  	[tilespmem:s17+$0xFFFFFF50] =	vst v10  }
0x121: {  	v24 =	vld [tilespmem:$0x580]  }
0x122: {  	v25 =	vld [tilespmem:$0x590]  }
0x123: {  	v13 =	vld [tilespmem:$0xD80]  }
0x124: {  	v14 =	vld [tilespmem:$0xD90];
	_ =	sdelay $0x3  }
0x125: {  	v11 =	vmul.f32 v13, v24  }
0x126: {  	v12 =	vmul.f32 v14, v25  }
0x127: {  	[tilespmem:s17+$0xFFFFFF60] =	vst v11  }
0x128: {  	[tilespmem:s17+$0xFFFFFF70] =	vst v12  }
0x129: {  	v26 =	vld [tilespmem:$0x600]  }
0x12a: {  	v27 =	vld [tilespmem:$0x610]  }
0x12b: {  	v15 =	vld [tilespmem:$0xE00]  }
0x12c: {  	v16 =	vld [tilespmem:$0xE10];
	_ =	sdelay $0x3  }
0x12d: {  	v13 =	vmul.f32 v15, v26  }
0x12e: {  	v14 =	vmul.f32 v16, v27  }
0x12f: {  	[tilespmem:s17+$0xFFFFFF80] =	vst v13  }
0x130: {  	[tilespmem:s17+$0xFFFFFF90] =	vst v14  }
0x131: {  	v28 =	vld [tilespmem:$0x680]  }
0x132: {  	v29 =	vld [tilespmem:$0x690]  }
0x133: {  	v17 =	vld [tilespmem:$0xE80]  }
0x134: {  	v18 =	vld [tilespmem:$0xE90];
	_ =	sdelay $0x3  }
0x135: {  	v15 =	vmul.f32 v17, v28  }
0x136: {  	v16 =	vmul.f32 v18, v29  }
0x137: {  	[tilespmem:s17+$0xFFFFFFA0] =	vst v15  }
0x138: {  	[tilespmem:s17+$0xFFFFFFB0] =	vst v16  }
0x139: {  	v30 =	vld [tilespmem:$0x700]  }
0x13a: {  	v31 =	vld [tilespmem:$0x710]  }
0x13b: {  	v19 =	vld [tilespmem:$0xF00]  }
0x13c: {  	v20 =	vld [tilespmem:$0xF10];
	_ =	sdelay $0x3  }
0x13d: {  	v17 =	vmul.f32 v19, v30  }
0x13e: {  	v18 =	vmul.f32 v20, v31  }
0x13f: {  	[tilespmem:s17+$0xFFFFFFC0] =	vst v17  }
0x140: {  	[tilespmem:s17+$0xFFFFFFD0] =	vst v18  }
0x141: {  	v32 =	vld [tilespmem:$0x780]  }
0x142: {  	v33 =	vld [tilespmem:$0x790]  }
0x143: {  	v21 =	vld [tilespmem:$0xF80]  }
0x144: {  	v22 =	vld [tilespmem:$0xF90];
	_ =	sdelay $0x3  }
0x145: {  	v19 =	vmul.f32 v21, v32  }
0x146: {  	v20 =	vmul.f32 v22, v33  }
0x147: {  	[tilespmem:s17+$0xFFFFFFE0] =	vst v19  }
0x148: {  	[tilespmem:s17+$0xFFFFFFF0] =	vst v20  }
0x149: {  	v34 =	vld [tilespmem:$0x800]  }
0x14a: {  	v35 =	vld [tilespmem:$0x810]  }
0x14b: {  	v23 =	vld [tilespmem:$0x1000]  }
0x14c: {  	v24 =	vld [tilespmem:$0x1010];
	_ =	sdelay $0x3  }
0x14d: {  	v21 =	vmul.f32 v23, v34  }
0x14e: {  	v22 =	vmul.f32 v24, v35  }
0x14f: {  	[tilespmem:s17+$0x0] =	vst v21  }
0x150: {  	[tilespmem:s17+$0x10] =	vst v22  }
0x151: {  	v36 =	vld [tilespmem:$0x880]  }
0x152: {  	v37 =	vld [tilespmem:$0x890]  }
0x153: {  	v25 =	vld [tilespmem:$0x1080]  }
0x154: {  	v26 =	vld [tilespmem:$0x1090];
	_ =	sdelay $0x3  }
0x155: {  	v23 =	vmul.f32 v25, v36  }
0x156: {  	v24 =	vmul.f32 v26, v37  }
0x157: {  	[tilespmem:s17+$0x20] =	vst v23  }
0x158: {  	[tilespmem:s17+$0x30] =	vst v24  }
0x159: {  	v38 =	vld [tilespmem:$0x900]  }
0x15a: {  	v39 =	vld [tilespmem:$0x910]  }
0x15b: {  	v27 =	vld [tilespmem:$0x1100]  }
0x15c: {  	v28 =	vld [tilespmem:$0x1110];
	_ =	sdelay $0x3  }
0x15d: {  	v25 =	vmul.f32 v27, v38  }
0x15e: {  	v26 =	vmul.f32 v28, v39  }
0x15f: {  	[tilespmem:s17+$0x40] =	vst v25  }
0x160: {  	[tilespmem:s17+$0x50] =	vst v26  }
0x161: {  	v40 =	vld [tilespmem:$0x980]  }
0x162: {  	v41 =	vld [tilespmem:$0x990]  }
0x163: {  	v29 =	vld [tilespmem:$0x1180]  }
0x164: {  	v30 =	vld [tilespmem:$0x1190];
	_ =	sdelay $0x3  }
0x165: {  	v27 =	vmul.f32 v29, v40  }
0x166: {  	v28 =	vmul.f32 v30, v41  }
0x167: {  	[tilespmem:s17+$0x60] =	vst v27  }
0x168: {  	[tilespmem:s17+$0x70] =	vst v28  }
0x169: {  	v42 =	vld [tilespmem:$0xA00]  }
0x16a: {  	v43 =	vld [tilespmem:$0xA10]  }
0x16b: {  	v31 =	vld [tilespmem:$0x1200]  }
0x16c: {  	v32 =	vld [tilespmem:$0x1210];
	_ =	sdelay $0x3  }
0x16d: {  	v29 =	vmul.f32 v31, v42  }
0x16e: {  	v30 =	vmul.f32 v32, v43  }
0x16f: {  	[tilespmem:s17+$0x80] =	vst v29  }
0x170: {  	[tilespmem:s17+$0x90] =	vst v30  }
0x171: {  	v44 =	vld [tilespmem:$0xA80]  }
0x172: {  	v45 =	vld [tilespmem:$0xA90]  }
0x173: {  	v33 =	vld [tilespmem:$0x1280]  }
0x174: {  	v34 =	vld [tilespmem:$0x1290];
	_ =	sdelay $0x3  }
0x175: {  	v31 =	vmul.f32 v33, v44  }
0x176: {  	v32 =	vmul.f32 v34, v45  }
0x177: {  	[tilespmem:s17+$0xA0] =	vst v31  }
0x178: {  	[tilespmem:s17+$0xB0] =	vst v32  }
0x179: {  	v5 =	vadd.f32 v6, v5;
	v46 =	vld [tilespmem:$0xB00]  }
0x17a: {  	v47 =	vld [tilespmem:$0xB10]  }
0x17b: {  	v63 =	vperm.xlane v5, v0;
	v35 =	vld [tilespmem:$0x1300]  }
0x17c: {  	v36 =	vld [tilespmem:$0x1310]  }
0x17d: {  	v5 =	vadd.f32 v63, v5;
	v7 =	vadd.f32 v8, v7  }
0x17e: {  	v48 =	vadd.f32 v10, v9;
	v50 =	vadd.f32 v12, v11  }
0x17f: {  	v51 =	vadd.f32 v14, v13;
	v56 =	vadd.f32 v20, v19  }
0x180: {  	v57 =	vadd.f32 v22, v21;
	v58 =	vadd.f32 v24, v23;
	v33 =	vmul.f32 v35, v46  }
0x181: {  	v53 =	vadd.f32 v16, v15;
	v37 =	vperm.xlane v56, v0;
	v34 =	vmul.f32 v36, v47  }
0x182: {  	v54 =	vadd.f32 v18, v17;
	v38 =	vperm.xlane v57, v0;
	v39 =	vperm.xlane v58, v0;
	[tilespmem:s17+$0xC0] =	vst v33  }
0x183: {  	v13 =	vadd.f32 v37, v56;
	v59 =	vadd.f32 v26, v25;
	[tilespmem:s17+$0xD0] =	vst v34  }
0x184: {  	v11 =	vadd.f32 v38, v57;
	v15 =	vadd.f32 v39, v58;
	v6 =	vld [tilespmem:$0xB80]  }
0x185: {  	v60 =	vadd.f32 v28, v27;
	v28 =	vperm.xlane v7, v0;
	v61 =	vadd.f32 v30, v29;
	v49 =	vld [tilespmem:$0x1380]  }
0x186: {  	v30 =	vperm.xlane v48, v0;
	v62 =	vadd.f32 v32, v31;
	v31 =	vperm.xlane v50, v0;
	v52 =	vld [tilespmem:$0xB90]  }
0x187: {  	v11 =	vsel vm3, v11, v15;
	v40 =	vperm.xlane v59, v0;
	v7 =	vadd.f32 v28, v7;
	v55 =	vld [tilespmem:$0x1390]  }
0x188: {  	v41 =	vperm.xlane v60, v0;
	v8 =	vadd.f32 v30, v48;
	v10 =	vadd.f32 v31, v50  }
0x189: {  	v14 =	vadd.f32 v40, v59;
	v5 =	vsel vm3, v5, v7;
	v32 =	vperm.xlane v51, v0  }
0x18a: {  	v16 =	vadd.f32 v41, v60;
	v43 =	vperm.xlane v62, v0;
	v8 =	vsel vm3, v8, v10  }
0x18b: {  	v42 =	vperm.xlane v61, v0;
	v7 =	vadd.f32 v32, v51;
	v50 =	vperm.xlane v8, v1  }
0x18c: {  	v9 =	vadd.f32 v43, v62;
	v6 =	vmul.f32 v49, v6;
	v12 =	vmul.f32 v55, v52  }
0x18d: {  	v36 =	vperm.xlane v54, v0;
	v46 =	vadd.f32 v42, v61;
	v8 =	vadd.f32 v50, v8  }
0x18e: {  	v14 =	vsel vm3, v14, v16;
	v29 =	vadd.f32 v34, v33;
	v34 =	vadd.f32 v12, v6  }
0x18f: {  	v33 =	vperm.xlane v53, v0;
	v10 =	vadd.f32 v36, v54;
	v54 =	vperm.xlane v11, v1  }
0x190: {  	v9 =	vsel vm3, v46, v9;
	v44 =	vperm.xlane v29, v0;
	v45 =	vperm.xlane v34, v0  }
0x191: {  	v56 =	vperm.xlane v9, v1;
	v35 =	vadd.f32 v33, v53;
	v11 =	vadd.f32 v54, v11  }
0x192: {  	v10 =	vsel vm3, v10, v13;
	v47 =	vadd.f32 v44, v29;
	v48 =	vadd.f32 v45, v34  }
0x193: {  	v53 =	vperm.xlane v10, v1;
	v7 =	vsel vm3, v7, v35;
	v49 =	vperm.xlane v5, v1  }
0x194: {  	v52 =	vperm.xlane v7, v1;
	v55 =	vperm.xlane v14, v1;
	v51 =	vsel vm3, v47, v48  }
0x195: {  	v10 =	vadd.f32 v53, v10;
	v5 =	vadd.f32 v49, v5;
	v57 =	vperm.xlane v51, v1  }
0x196: {  	v7 =	vadd.f32 v52, v7;
	v14 =	vadd.f32 v55, v14  }
0x197: {  	v9 =	vadd.f32 v56, v9;
	v13 =	vadd.f32 v57, v51  }
0x198: {  	v5 =	vsel vm0, v5, v8;
	v7 =	vsel vm0, v7, v10;
	v58 =	vsel vm0, v11, v14  }
0x199: {  	v59 =	vperm.xlane v5, v2;
	v60 =	vperm.xlane v7, v2;
	v9 =	vsel vm0, v9, v13  }
0x19a: {  	v61 =	vperm.xlane v58, v2;
	v62 =	vperm.xlane v9, v2  }
0x19b: {  	v5 =	vadd.f32 v59, v5;
	v7 =	vadd.f32 v60, v7  }
0x19c: {  	v8 =	vadd.f32 v61, v58;
	v9 =	vadd.f32 v62, v9;
	_ =	sdelay $0x1  }
0x19d: {  	v5 =	vsel vm1, v5, v7;
	v7 =	vsel vm1, v8, v9  }
0x19e: {  	v63 =	vperm.xlane v5, v3;
	v9 =	vperm.xlane v7, v3;
	_ =	sdelay $0x1  }
0x19f: {  	v5 =	vadd.f32 v63, v5;
	v7 =	vadd.f32 v9, v7;
	_ =	sdelay $0x1  }
0x1a0: {  	v5 =	vsel vm2, v5, v7  }
0x1a1: {  	v5 =	vperm.xlane v5, v4;
	_ =	sdelay $0x1  }
0x1a2: {  	v5 =	vsub.f32 $0.0e+00, v5;
	_ =	sdelay $0x1  }
0x1a3: {  	v5 =	vmul.f32 $1.442695020e+00, v5;
	_ =	sdelay $0x1  }
0x1a4: {  	(erf) = vpow2.f32 v5;
	_ =	sdelay $0x8  }
0x1a5: {  	v5 =	vpop (erf)  }
0x1a6: {  	v5 =	vadd.f32 $1.000000000e+00, v5;
	_ =	sdelay $0x1  }
0x1a7: {  	(erf) = vrcp.f32 v5;
	_ =	sdelay $0x4  }
0x1a8: {  	p0 =	sne.s32 s18, $0x7C0  }
.Ltmp0:
0x1a9: {  	_ = 	snop;
	(pc) =	sbr.rel @p0 .LBB2_2-.Ltmp0, $4  }
0x1aa: {  	_ = 	snop  }
0x1ab: {  	[tilespmem:s17+$0xE0] =	vst v6  }
0x1ac: {  	[tilespmem:s17+$0xF0] =	vst v12;
	v5 =	vpop (erf)  }
0x1ad: {  	s18 =	sadd.s32 $0x40, s18;
	s17 =	sadd.s32 $0x200, s17;
	[tilespmem:s19+$0x5400] =	vst v5  }
0x1ae: {  	[hbm4b:s7+s1] =	stream.linear.scatter [tilespmem:s14], [sflag:$0x3], $0x4000, $0x38;
	[tilespmem:$0x5600] =	vst v63  }
0x1af: {  	s16 =	sadd.s32 $0x1, s16;
	_ =	swait.ge [sflag:s10], $0x4000  }
0x1b0: {  	p0 =	sne.s32 s16, s9;
	[sflag:s10] =	ssyncset.done $0x0  }
.Ltmp1:
0x1b1: {  	[sflag:s10] =	ssyncadd.s32 $0xFFFFC000;
	(pc) =	sbr.rel @p0 .LBB2_1-.Ltmp1, $4  }
0x1b2: {  	[hbm4b:s8+s1] =	stream.linear.scatter [tilespmem:s15], [sflag:$0x3], $0x200, $0x38;
	[tilespmem:$0x5600] =	vst v63  }
0x1b3: {  	_ =	swait.ge [sflag:s10], $0x200  }
0x1b4: {  	[sflag:s10] =	ssyncset.done $0x0  }
0x1b5: {  	[sflag:s10] =	ssyncadd.s32 $0xFFFFFE00  }
0x1b6: {  	_ =	sfence.sel $0x180000  }
0x1b7: {  	[bflag:$0x0] =	sbarrier.arrive $0xFFFF  }
0x1b8: {  	p0 =	sne.s32 s4, $0x0;
	_ =	strace $0x90000047  }
0x1b9: {  	s0 =	sadd.s32 @!p0 $0x100000, s0;
	[bflag:$0x2] =	sbarrier.arrive $0xFFFF  }
0x1ba: {  	[sflag:s0] =	ssyncadd.tile.s32 @!p0 $0x1;
	_ =	shalt  }
.Lfunc_end2:
_tile_overlayer_lowered:
.L_overlay_start_2:
0x1bb: {  	(tag) =	ssettag $0x2  }
0x1bc: {  	s0 =	rddreg [dreg:$0x0];
	s2 =	stileid.u32  }
0x1bd: {  	s1 =	rddreg [dreg:$0x1];
	p0 =	sne.s32 s2, $0x0  }
0x1be: {  	s3 =	rddreg [dreg:$0x2];
	[bflag:$0x3] =	sbarrier.arrive $0xFFFF;
	s2 =	simm.s32 @!p0 $0x1C03  }
0x1bf: {  	[timem:s3], [sflag:s2] =	dma.local @!p0 [hbm:s0], s1  }
0x1c0: {  	s0 =	simm.s32 @!p0 $0x3  }
0x1c1: {  	_ =	swait.ge @!p0 [sflag:s0], s1  }
0x1c2: {  	s1 =	ssub.s32 @!p0 $0x0, s1;
	[sflag:s0] =	ssyncset.done @!p0 $0x0  }
0x1c3: {  	[sflag:s0] =	ssyncadd.s32 @!p0 s1  }
0x1c4: {  	[bflag:$0x3] =	sbarrier.arrive $0xFFFF  }
0x1c5: {  	_ =	shalt  }

</sc_bundles>
